<compile_context>
chip_gen: v7x
topology: tpu7x:2x2x1
jax: 0.10.2.dev20260603
libtpu: 0.0.44.dev20260713+nightly
codegen_flags: <defaults>
</compile_context>

<pallas_src>
import functools

import jax
import jax.numpy as jnp
import numpy as np
from jax import lax
from jax.experimental import pallas as pl
from jax.experimental.pallas import tpu as pltpu
from jax.experimental.pallas import tpu_sc as plsc

N = 50000
C = 128
FE = 9
G = 32
EPS = 1e-5

NC = 2
NS = 16
HC = C // 2

TB = 50048
NP = 51200
RWS = NP // NS
BLK = 40
NBLK = RWS // BLK
IBLK = FE * BLK

_RBLK = 2000
_RGRID = N // _RBLK


def _stats_body(lv_ref, sum_ref, sq_ref):
    i = pl.program_id(0)

    @pl.when(i == 0)
    def _():
        sum_ref[...] = jnp.zeros_like(sum_ref)
        sq_ref[...] = jnp.zeros_like(sq_ref)

    blk = lv_ref[...]
    sum_ref[...] += jnp.sum(blk, axis=0, keepdims=True)
    sq_ref[...] += jnp.sum(blk * blk, axis=0, keepdims=True)


def _stats(lv):
    return pl.pallas_call(
        _stats_body,
        grid=(_RGRID,),
        in_specs=[pl.BlockSpec((_RBLK, C), lambda i: (i, 0))],
        out_specs=[
            pl.BlockSpec((1, C), lambda i: (0, 0)),
            pl.BlockSpec((1, C), lambda i: (0, 0)),
        ],
        out_shape=[
            jax.ShapeDtypeStruct((1, C), jnp.float32),
            jax.ShapeDtypeStruct((1, C), jnp.float32),
        ],
    )(lv)


_GM = np.kron(np.eye(G, dtype=np.float32),
              np.ones((C // G, C // G), dtype=np.float32)) / float(N * (C // G))


def _norm_body(lv_ref, sum_ref, sq_ref, gamma_ref, beta_ref, gm_ref,
               x0_ref, x1_ref):
    gm = gm_ref[...]
    mean = jnp.dot(sum_ref[...], gm, preferred_element_type=jnp.float32)
    esq = jnp.dot(sq_ref[...], gm, preferred_element_type=jnp.float32)
    var = esq - mean * mean
    inv = lax.rsqrt(var + EPS)
    a = gamma_ref[...] * inv
    bb = beta_ref[...] - mean * a
    xb = jnp.maximum(lv_ref[...] * a + bb, 0.0).astype(jnp.bfloat16)
    u = lax.bitcast_convert_type(xb, jnp.uint16).astype(jnp.int32)
    x0_ref[...] = u[:, 0:32] | (u[:, 32:64] << 16)
    x1_ref[...] = u[:, 64:96] | (u[:, 96:128] << 16)


def _normalize(lv, sums, sq, gamma, beta):
    gm = jnp.asarray(_GM)
    return pl.pallas_call(
        _norm_body,
        grid=(_RGRID,),
        in_specs=[
            pl.BlockSpec((_RBLK, C), lambda i: (i, 0)),
            pl.BlockSpec((1, C), lambda i: (0, 0)),
            pl.BlockSpec((1, C), lambda i: (0, 0)),
            pl.BlockSpec((1, C), lambda i: (0, 0)),
            pl.BlockSpec((1, C), lambda i: (0, 0)),
            pl.BlockSpec((C, C), lambda i: (0, 0)),
        ],
        out_specs=[
            pl.BlockSpec((_RBLK, HC // 2), lambda i: (i, 0)),
            pl.BlockSpec((_RBLK, HC // 2), lambda i: (i, 0)),
        ],
        out_shape=[
            jax.ShapeDtypeStruct((TB, HC // 2), jnp.int32),
            jax.ShapeDtypeStruct((TB, HC // 2), jnp.int32),
        ],
    )(lv, sums, sq, gamma.reshape(1, C), beta.reshape(1, C), gm)




def _sc_body(xt0_hbm, xt1_hbm, idx_hbm, w_hbm, bias_hbm, out_hbm,
             tab_s, idx_a, idx_b, taps_a, taps_b, out_a, out_b, w_v, bias_v,
             gsa, gsb, isa, isb, osem):
    c = lax.axis_index("c")
    s = lax.axis_index("s")
    tpt = TB // NS

    @pl.when(c == 0)
    def _():
        pltpu.sync_copy(xt0_hbm.at[pl.ds(s * tpt, tpt)],
                        tab_s.at[pl.ds(s * tpt, tpt)])

    @pl.when(c == 1)
    def _():
        pltpu.sync_copy(xt1_hbm.at[pl.ds(s * tpt, tpt)],
                        tab_s.at[pl.ds(s * tpt, tpt)])

    pltpu.sync_copy(w_hbm.at[c], w_v)
    pltpu.sync_copy(bias_hbm.at[c], bias_v)
    plsc.subcore_barrier()

    idx_refs = (idx_a, idx_b)
    taps_refs = (taps_a, taps_b)
    out_refs = (out_a, out_b)
    gsems = (gsa, gsb)
    isems = (isa, isb)
    gblk0 = s * NBLK

    def i_copy(bi, slot):
        return pltpu.make_async_copy(
            idx_hbm.at[pl.ds((gblk0 + bi) * IBLK, IBLK)],
            idx_refs[slot], isems[slot])

    def g_copy(slot, k):
        return pltpu.make_async_copy(
            tab_s.at[idx_refs[slot].at[pl.ds(k * BLK, BLK)]],
            taps_refs[slot].at[pl.ds(k * BLK, BLK)],
            gsems[slot])

    def issue_g(slot):
        for k in range(FE):
            g_copy(slot, k).start()

    def wait_g(slot):
        for k in range(FE):
            g_copy(slot, k).wait()

    def out_copy(bi, slot):
        return pltpu.make_async_copy(
            out_refs[slot],
            out_hbm.at[pl.ds(s * RWS + bi * BLK, BLK), pl.ds(c * HC, HC)],
            osem)

    def can_write(bi):
        return s * RWS + bi * BLK < N

    wr = [[w_v[f, pl.ds(j * 32, 32)] for j in range(HC // 32)]
          for f in range(FE)]
    bias_bf = [bias_v[0, pl.ds(j * 32, 32)] for j in range(HC // 32)]

    def compute(slot):
        taps = taps_refs[slot]
        out_r = out_refs[slot]

        def rowfn(r, off):
            for j in range(HC // 32):
                ps = [plsc.bitcast(taps[off + f, pl.ds(j * 16, 16)],
                                   jnp.bfloat16) * wr[f][j]
                      for f in range(FE)] + [bias_bf[j]]
                while len(ps) > 1:
                    nxt = [ps[k] + ps[k + 1] for k in range(0, len(ps) - 1, 2)]
                    if len(ps) % 2:
                        nxt.append(ps[-1])
                    ps = nxt
                lo, hi = plsc.unpack(ps[0], format=plsc.PackFormat.INTERLEAVED)
                out_r[r, pl.ds(j * 16, 16)] = lo
                out_r[r, pl.ds(32 + j * 16, 16)] = hi
            return off + FE

        lax.fori_loop(0, BLK, rowfn, 0, unroll=2)

    i_copy(0, 0).start()
    i_copy(1, 1).start()
    i_copy(0, 0).wait()
    issue_g(0)
    i_copy(1, 1).wait()
    issue_g(1)

    def body2(i2, carry):
        b0 = i2 * 2
        b1 = b0 + 1

        wait_g(0)

        @pl.when(b0 + 2 < NBLK)
        def _():
            i_copy(b0 + 2, 0).start()

        @pl.when(jnp.logical_and(b0 >= 2, can_write(b0 - 2)))
        def _():
            out_copy(b0 - 2, 0).wait()

        compute(0)

        @pl.when(can_write(b0))
        def _():
            out_copy(b0, 0).start()

        @pl.when(b0 + 2 < NBLK)
        def _():
            i_copy(b0 + 2, 0).wait()
            issue_g(0)

        wait_g(1)

        @pl.when(b1 + 2 < NBLK)
        def _():
            i_copy(b1 + 2, 1).start()

        @pl.when(jnp.logical_and(b1 >= 2, can_write(b1 - 2)))
        def _():
            out_copy(b1 - 2, 1).wait()

        compute(1)

        @pl.when(can_write(b1))
        def _():
            out_copy(b1, 1).start()

        @pl.when(b1 + 2 < NBLK)
        def _():
            i_copy(b1 + 2, 1).wait()
            issue_g(1)

        return carry

    lax.fori_loop(0, NBLK // 2, body2, 0)

    @pl.when(can_write(NBLK - 2))
    def _():
        out_copy(NBLK - 2, 0).wait()

    @pl.when(can_write(NBLK - 1))
    def _():
        out_copy(NBLK - 1, 1).wait()


def _sc_conv(xt0, xt1, idx_blocks, w2, bias2):
    mesh = plsc.VectorSubcoreMesh(core_axis_name="c", subcore_axis_name="s")
    f = pl.kernel(
        _sc_body,
        out_type=jax.ShapeDtypeStruct((N, C), jnp.float32),
        mesh=mesh,
        compiler_params=pltpu.CompilerParams(
            needs_layout_passes=False, use_tc_tiling_on_sc=False),
        scratch_types=[
            pltpu.VMEM_SHARED((TB, HC // 2), jnp.int32),
            pltpu.VMEM((IBLK,), jnp.int32),
            pltpu.VMEM((IBLK,), jnp.int32),
            pltpu.VMEM((IBLK, HC // 2), jnp.int32),
            pltpu.VMEM((IBLK, HC // 2), jnp.int32),
            pltpu.VMEM((BLK, HC), jnp.float32),
            pltpu.VMEM((BLK, HC), jnp.float32),
            pltpu.VMEM((FE, HC), jnp.bfloat16),
            pltpu.VMEM((1, HC), jnp.bfloat16),
            pltpu.SemaphoreType.DMA,
            pltpu.SemaphoreType.DMA,
            pltpu.SemaphoreType.DMA,
            pltpu.SemaphoreType.DMA,
            pltpu.SemaphoreType.DMA,
        ],
    )
    return f(xt0, xt1, idx_blocks, w2, bias2)


def kernel(lv, gamma, beta, weight, bias, neighbor_idx):
    sums, sq = _stats(lv)
    xt0, xt1 = _normalize(lv, sums, sq, gamma, beta)

    pos_p = lax.broadcasted_iota(jnp.int32, ((NP - N) * FE,), 0)
    idx_blocks = jnp.concatenate([neighbor_idx.reshape(-1), pos_p & 4095])

    wb = weight.astype(jnp.bfloat16)
    w2 = (wb.reshape(FE, 2, 2, 32).transpose(1, 0, 3, 2)
          .reshape(2, FE, HC))
    bias2 = (bias.astype(jnp.bfloat16).reshape(2, 2, 32)
             .transpose(0, 2, 1).reshape(2, 1, HC))
    return _sc_conv(xt0, xt1, idx_blocks, w2, bias2)

# --- scband reference (transcript-rebuilt; emitter-appended) ---
"""Pipeline reference for scband-gn-relu-depthwise-conv-25400436588652 (READ-ONLY COPY).

The authoritative reference and input builder live on the scoring server;
editing this copy changes nothing except your own understanding.
"""

import jax, jax.numpy as jnp
import numpy as np

N = 50000
C = 128
FE = 9  # filter extent for neighbourhood_size=1 on a pos_dim=3 permutohedral lattice: 2*(3+1)+1
G = 32  # GroupNorm groups (128 % 32 == 0)


def setup_inputs(seed: int = 0) -> dict:
    key = jax.random.key(seed)
    k1, k2, k3, k4 = jax.random.split(key, 4)
    lv = jax.random.normal(k1, (N, C), dtype=jnp.float32)
    neighbor_idx = jax.random.randint(k2, (N, FE), 0, N)
    # kaiming_uniform_(mode='fan_out', nonlinearity='relu') on weight [FE, C]: fan_out = FE
    bound_w = float(np.sqrt(2.0) * np.sqrt(3.0 / FE))
    weight = jax.random.uniform(k3, (FE, C), dtype=jnp.float32, minval=-bound_w, maxval=bound_w)
    # bias uniform(-1/sqrt(fan_in), 1/sqrt(fan_in)), fan_in = C
    bound_b = float(1.0 / np.sqrt(C))
    bias = jax.random.uniform(k4, (C,), dtype=jnp.float32, minval=-bound_b, maxval=bound_b)
    gamma = jnp.ones((C,), dtype=jnp.float32)
    beta = jnp.zeros((C,), dtype=jnp.float32)
    return {"lv": lv, "gamma": gamma, "beta": beta, "weight": weight, "bias": bias, "neighbor_idx": neighbor_idx}


def _group_norm(x, gamma, beta, groups=G, eps=1e-5):
    # x: [N, C]; torch GroupNorm on [1, C, N] normalizes each group over (C//groups, N)
    n, c = x.shape
    xt = x.T.reshape(groups, c // groups, n)
    mean = jnp.mean(xt, axis=(1, 2), keepdims=True)
    var = jnp.var(xt, axis=(1, 2), keepdims=True)
    xn = (xt - mean) / jnp.sqrt(var + eps)
    xn = xn.reshape(c, n).T
    return xn * gamma[None, :] + beta[None, :]


def reference(lv, gamma, beta, weight, bias, neighbor_idx):
    # GroupNormLatticeModule
    x = _group_norm(lv, gamma, beta)
    # ReLU
    x = jax.nn.relu(x)
    # DepthwiseConvLatticeModule: gather neighbourhood values per vertex,
    # elementwise per-channel weight over filter extent, sum over taps, add bias
    gathered = jnp.take(x, neighbor_idx, axis=0)  # [N, FE, C]
    lv_1 = jnp.sum(gathered * weight[None, :, :], axis=1) + bias[None, :]
    return lv_1

if __name__ == "__main__":
    import jax
    _d = setup_inputs()
    print(jax.jit(kernel)(*tuple(_d.values())))

</pallas_src>

<mosaic_0001>
#map = affine_map<(d0, d1) -> (0, 0)>
#map1 = affine_map<(d0, d1) -> (0)>
#map2 = affine_map<(d0, d1) -> (0, 0, 0)>
module attributes {stable_mosaic.version = 14 : i64} {
  func.func @_sc_body(%arg0: i32, %arg1: i32, %arg2: memref<50048x32xi32, #tpu.memory_space<hbm>>, %arg3: memref<50048x32xi32, #tpu.memory_space<hbm>>, %arg4: memref<460800xi32, #tpu.memory_space<hbm>>, %arg5: memref<2x9x64xbf16, #tpu.memory_space<hbm>>, %arg6: memref<2x1x64xbf16, #tpu.memory_space<hbm>>, %arg7: memref<50000x128xf32, #tpu.memory_space<hbm>>, %arg8: memref<50048x32xi32, #tpu.memory_space<vmem_shared>>, %arg9: memref<360xi32, #tpu.memory_space<vmem>>, %arg10: memref<360xi32, #tpu.memory_space<vmem>>, %arg11: memref<360x32xi32, #tpu.memory_space<vmem>>, %arg12: memref<360x32xi32, #tpu.memory_space<vmem>>, %arg13: memref<40x64xf32, #tpu.memory_space<vmem>>, %arg14: memref<40x64xf32, #tpu.memory_space<vmem>>, %arg15: memref<9x64xbf16, #tpu.memory_space<vmem>>, %arg16: memref<1x64xbf16, #tpu.memory_space<vmem>>, %arg17: memref<!tpu.dma_semaphore, #tpu.memory_space<semaphore_mem>>, %arg18: memref<!tpu.dma_semaphore, #tpu.memory_space<semaphore_mem>>, %arg19: memref<!tpu.dma_semaphore, #tpu.memory_space<semaphore_mem>>, %arg20: memref<!tpu.dma_semaphore, #tpu.memory_space<semaphore_mem>>, %arg21: memref<!tpu.dma_semaphore, #tpu.memory_space<semaphore_mem>>) attributes {dimension_semantics = [#tpu.dimension_semantics<core_parallel>, #tpu.dimension_semantics<subcore_parallel>], iteration_bounds = array<i64: 2, 16>, scalar_prefetch = 0 : i64, scratch_operands = 14 : i64, tpu.core_type = #tpu.core_type<sc_vector_subcore>, window_params = [{transform_indices = #map}, {transform_indices = #map}, {transform_indices = #map1}, {transform_indices = #map2}, {transform_indices = #map2}, {transform_indices = #map}]} {
    %eq3A = arith.constant 0 : i32
    %eq3A_0 = arith.cmpi eq, %arg0, %eq3A : i32
    %convert_element_type3A = arith.extui %eq3A_0 : i1 to i32
    %cond3A = arith.constant 0 : i32
    %cond3A_1 = arith.cmpi ne, %convert_element_type3A, %cond3A : i32
    scf.if %cond3A_1 {
      %mul3A_274 = arith.constant 3128 : i32
      %mul3A_275 = arith.muli %arg1, %mul3A_274 : i32
      %mul3A_276 = arith.constant 3128 : i32
      %mul3A_277 = arith.muli %arg1, %mul3A_276 : i32
      "tpu.region"() ({
        %run_scoped3A = tpu.sem_alloc : memref<!tpu.dma_semaphore, #tpu.memory_space<semaphore_mem>>
        %dma_start3A_278 = arith.constant 0 : i32
        %dma_start3A_279 = tpu.memref_slice %arg8[%mul3A_277, %dma_start3A_278] : memref<50048x32xi32, #tpu.memory_space<vmem_shared>> -> memref<3128x32xi32, #tpu.memory_space<vmem_shared>>
        %dma_start3A_280 = arith.constant 0 : i32
        %dma_start3A_281 = tpu.memref_slice %arg2[%mul3A_275, %dma_start3A_280] : memref<50048x32xi32, #tpu.memory_space<hbm>> -> memref<3128x32xi32, #tpu.memory_space<hbm>>
        tpu.enqueue_dma source(%dma_start3A_281 : memref<3128x32xi32, #tpu.memory_space<hbm>>) target(%dma_start3A_279 : memref<3128x32xi32, #tpu.memory_space<vmem_shared>>) target_semaphore(%run_scoped3A : memref<!tpu.dma_semaphore, #tpu.memory_space<semaphore_mem>>)
        %dma_wait3A_282 = arith.constant 0 : i32
        %dma_wait3A_283 = tpu.memref_slice %arg8[%mul3A_277, %dma_wait3A_282] : memref<50048x32xi32, #tpu.memory_space<vmem_shared>> -> memref<3128x32xi32, #tpu.memory_space<vmem_shared>>
        %dma_wait3A_284 = arith.constant 0 : i32
        %dma_wait3A_285 = tpu.memref_slice %arg2[%mul3A_275, %dma_wait3A_284] : memref<50048x32xi32, #tpu.memory_space<hbm>> -> memref<3128x32xi32, #tpu.memory_space<hbm>>
        tpu.wait_dma2 semaphore(%run_scoped3A : memref<!tpu.dma_semaphore, #tpu.memory_space<semaphore_mem>>) src(%dma_wait3A_285 : memref<3128x32xi32, #tpu.memory_space<hbm>>) dst(%dma_wait3A_283 : memref<3128x32xi32, #tpu.memory_space<vmem_shared>>)
        tpu.yield
      }) : () -> ()
    } else {
    }
    %eq3A_2 = arith.constant 1 : i32
    %eq3A_3 = arith.cmpi eq, %arg0, %eq3A_2 : i32
    %convert_element_type3A_4 = arith.extui %eq3A_3 : i1 to i32
    %cond3A_5 = arith.constant 0 : i32
    %cond3A_6 = arith.cmpi ne, %convert_element_type3A_4, %cond3A_5 : i32
    scf.if %cond3A_6 {
      %mul3A_274 = arith.constant 3128 : i32
      %mul3A_275 = arith.muli %arg1, %mul3A_274 : i32
      %mul3A_276 = arith.constant 3128 : i32
      %mul3A_277 = arith.muli %arg1, %mul3A_276 : i32
      "tpu.region"() ({
        %run_scoped3A = tpu.sem_alloc : memref<!tpu.dma_semaphore, #tpu.memory_space<semaphore_mem>>
        %dma_start3A_278 = arith.constant 0 : i32
        %dma_start3A_279 = tpu.memref_slice %arg8[%mul3A_277, %dma_start3A_278] : memref<50048x32xi32, #tpu.memory_space<vmem_shared>> -> memref<3128x32xi32, #tpu.memory_space<vmem_shared>>
        %dma_start3A_280 = arith.constant 0 : i32
        %dma_start3A_281 = tpu.memref_slice %arg3[%mul3A_275, %dma_start3A_280] : memref<50048x32xi32, #tpu.memory_space<hbm>> -> memref<3128x32xi32, #tpu.memory_space<hbm>>
        tpu.enqueue_dma source(%dma_start3A_281 : memref<3128x32xi32, #tpu.memory_space<hbm>>) target(%dma_start3A_279 : memref<3128x32xi32, #tpu.memory_space<vmem_shared>>) target_semaphore(%run_scoped3A : memref<!tpu.dma_semaphore, #tpu.memory_space<semaphore_mem>>)
        %dma_wait3A_282 = arith.constant 0 : i32
        %dma_wait3A_283 = tpu.memref_slice %arg8[%mul3A_277, %dma_wait3A_282] : memref<50048x32xi32, #tpu.memory_space<vmem_shared>> -> memref<3128x32xi32, #tpu.memory_space<vmem_shared>>
        %dma_wait3A_284 = arith.constant 0 : i32
        %dma_wait3A_285 = tpu.memref_slice %arg3[%mul3A_275, %dma_wait3A_284] : memref<50048x32xi32, #tpu.memory_space<hbm>> -> memref<3128x32xi32, #tpu.memory_space<hbm>>
        tpu.wait_dma2 semaphore(%run_scoped3A : memref<!tpu.dma_semaphore, #tpu.memory_space<semaphore_mem>>) src(%dma_wait3A_285 : memref<3128x32xi32, #tpu.memory_space<hbm>>) dst(%dma_wait3A_283 : memref<3128x32xi32, #tpu.memory_space<vmem_shared>>)
        tpu.yield
      }) : () -> ()
    } else {
    }
    "tpu.region"() ({
      %run_scoped3A = tpu.sem_alloc : memref<!tpu.dma_semaphore, #tpu.memory_space<semaphore_mem>>
      %dma_start3A_274 = arith.constant 0 : i32
      %dma_start3A_275 = arith.constant 0 : i32
      %dma_start3A_276 = tpu.memref_slice %arg5[%arg0, %dma_start3A_274, %dma_start3A_275] : memref<2x9x64xbf16, #tpu.memory_space<hbm>> -> memref<1x9x64xbf16, #tpu.memory_space<hbm>>
      %dma_start3A_277 = tpu.memref_squeeze %dma_start3A_276 : memref<1x9x64xbf16, #tpu.memory_space<hbm>> -> memref<9x64xbf16, #tpu.memory_space<hbm>>
      %dma_start3A_278 = arith.constant 0 : i32
      %dma_start3A_279 = arith.constant 0 : i32
      %dma_start3A_280 = tpu.memref_slice %arg5[%arg0, %dma_start3A_278, %dma_start3A_279] : memref<2x9x64xbf16, #tpu.memory_space<hbm>> -> memref<1x9x64xbf16, #tpu.memory_space<hbm>>
      %dma_start3A_281 = tpu.memref_squeeze %dma_start3A_280 : memref<1x9x64xbf16, #tpu.memory_space<hbm>> -> memref<9x64xbf16, #tpu.memory_space<hbm>>
      tpu.enqueue_dma source(%dma_start3A_281 : memref<9x64xbf16, #tpu.memory_space<hbm>>) target(%arg15 : memref<9x64xbf16, #tpu.memory_space<vmem>>) target_semaphore(%run_scoped3A : memref<!tpu.dma_semaphore, #tpu.memory_space<semaphore_mem>>)
      %dma_wait3A_282 = arith.constant 0 : i32
      %dma_wait3A_283 = arith.constant 0 : i32
      %dma_wait3A_284 = tpu.memref_slice %arg5[%arg0, %dma_wait3A_282, %dma_wait3A_283] : memref<2x9x64xbf16, #tpu.memory_space<hbm>> -> memref<1x9x64xbf16, #tpu.memory_space<hbm>>
      %dma_wait3A_285 = tpu.memref_squeeze %dma_wait3A_284 : memref<1x9x64xbf16, #tpu.memory_space<hbm>> -> memref<9x64xbf16, #tpu.memory_space<hbm>>
      %dma_wait3A_286 = arith.constant 0 : i32
      %dma_wait3A_287 = arith.constant 0 : i32
      %dma_wait3A_288 = tpu.memref_slice %arg5[%arg0, %dma_wait3A_286, %dma_wait3A_287] : memref<2x9x64xbf16, #tpu.memory_space<hbm>> -> memref<1x9x64xbf16, #tpu.memory_space<hbm>>
      %dma_wait3A_289 = tpu.memref_squeeze %dma_wait3A_288 : memref<1x9x64xbf16, #tpu.memory_space<hbm>> -> memref<9x64xbf16, #tpu.memory_space<hbm>>
      tpu.wait_dma2 semaphore(%run_scoped3A : memref<!tpu.dma_semaphore, #tpu.memory_space<semaphore_mem>>) src(%dma_wait3A_289 : memref<9x64xbf16, #tpu.memory_space<hbm>>) dst(%arg15 : memref<9x64xbf16, #tpu.memory_space<vmem>>)
      tpu.yield
    }) : () -> ()
    "tpu.region"() ({
      %run_scoped3A = tpu.sem_alloc : memref<!tpu.dma_semaphore, #tpu.memory_space<semaphore_mem>>
      %dma_start3A_274 = arith.constant 0 : i32
      %dma_start3A_275 = arith.constant 0 : i32
      %dma_start3A_276 = tpu.memref_slice %arg6[%arg0, %dma_start3A_274, %dma_start3A_275] : memref<2x1x64xbf16, #tpu.memory_space<hbm>> -> memref<1x1x64xbf16, #tpu.memory_space<hbm>>
      %dma_start3A_277 = tpu.memref_squeeze %dma_start3A_276 : memref<1x1x64xbf16, #tpu.memory_space<hbm>> -> memref<1x64xbf16, #tpu.memory_space<hbm>>
      %dma_start3A_278 = arith.constant 0 : i32
      %dma_start3A_279 = arith.constant 0 : i32
      %dma_start3A_280 = tpu.memref_slice %arg6[%arg0, %dma_start3A_278, %dma_start3A_279] : memref<2x1x64xbf16, #tpu.memory_space<hbm>> -> memref<1x1x64xbf16, #tpu.memory_space<hbm>>
      %dma_start3A_281 = tpu.memref_squeeze %dma_start3A_280 : memref<1x1x64xbf16, #tpu.memory_space<hbm>> -> memref<1x64xbf16, #tpu.memory_space<hbm>>
      tpu.enqueue_dma source(%dma_start3A_281 : memref<1x64xbf16, #tpu.memory_space<hbm>>) target(%arg16 : memref<1x64xbf16, #tpu.memory_space<vmem>>) target_semaphore(%run_scoped3A : memref<!tpu.dma_semaphore, #tpu.memory_space<semaphore_mem>>)
      %dma_wait3A_282 = arith.constant 0 : i32
      %dma_wait3A_283 = arith.constant 0 : i32
      %dma_wait3A_284 = tpu.memref_slice %arg6[%arg0, %dma_wait3A_282, %dma_wait3A_283] : memref<2x1x64xbf16, #tpu.memory_space<hbm>> -> memref<1x1x64xbf16, #tpu.memory_space<hbm>>
      %dma_wait3A_285 = tpu.memref_squeeze %dma_wait3A_284 : memref<1x1x64xbf16, #tpu.memory_space<hbm>> -> memref<1x64xbf16, #tpu.memory_space<hbm>>
      %dma_wait3A_286 = arith.constant 0 : i32
      %dma_wait3A_287 = arith.constant 0 : i32
      %dma_wait3A_288 = tpu.memref_slice %arg6[%arg0, %dma_wait3A_286, %dma_wait3A_287] : memref<2x1x64xbf16, #tpu.memory_space<hbm>> -> memref<1x1x64xbf16, #tpu.memory_space<hbm>>
      %dma_wait3A_289 = tpu.memref_squeeze %dma_wait3A_288 : memref<1x1x64xbf16, #tpu.memory_space<hbm>> -> memref<1x64xbf16, #tpu.memory_space<hbm>>
      tpu.wait_dma2 semaphore(%run_scoped3A : memref<!tpu.dma_semaphore, #tpu.memory_space<semaphore_mem>>) src(%dma_wait3A_289 : memref<1x64xbf16, #tpu.memory_space<hbm>>) dst(%arg16 : memref<1x64xbf16, #tpu.memory_space<vmem>>)
      tpu.yield
    }) : () -> ()
    %barrier3A = arith.constant 0 : index
    tpu.barrier barrier_id(%barrier3A)
    %mul3A = arith.constant 80 : i32
    %mul3A_7 = arith.muli %arg1, %mul3A : i32
    %get3A = arith.constant 0 : i32
    %get3A_8 = arith.index_cast %get3A : i32 to index
    %get3A_9 = arith.constant 0 : index
    %get3A_10 = tpu.vector_load %arg15[%get3A_8, %get3A_9] {strides = array<i32>} : memref<9x64xbf16, #tpu.memory_space<vmem>>, vector<32xbf16>,
    %get3A_11 = arith.constant 0 : i32
    %get3A_12 = arith.index_cast %get3A_11 : i32 to index
    %get3A_13 = arith.constant 32 : index
    %get3A_14 = tpu.vector_load %arg15[%get3A_12, %get3A_13] {strides = array<i32>} : memref<9x64xbf16, #tpu.memory_space<vmem>>, vector<32xbf16>,
    %get3A_15 = arith.constant 1 : i32
    %get3A_16 = arith.index_cast %get3A_15 : i32 to index
    %get3A_17 = arith.constant 0 : index
    %get3A_18 = tpu.vector_load %arg15[%get3A_16, %get3A_17] {strides = array<i32>} : memref<9x64xbf16, #tpu.memory_space<vmem>>, vector<32xbf16>,
    %get3A_19 = arith.constant 1 : i32
    %get3A_20 = arith.index_cast %get3A_19 : i32 to index
    %get3A_21 = arith.constant 32 : index
    %get3A_22 = tpu.vector_load %arg15[%get3A_20, %get3A_21] {strides = array<i32>} : memref<9x64xbf16, #tpu.memory_space<vmem>>, vector<32xbf16>,
    %get3A_23 = arith.constant 2 : i32
    %get3A_24 = arith.index_cast %get3A_23 : i32 to index
    %get3A_25 = arith.constant 0 : index
    %get3A_26 = tpu.vector_load %arg15[%get3A_24, %get3A_25] {strides = array<i32>} : memref<9x64xbf16, #tpu.memory_space<vmem>>, vector<32xbf16>,
    %get3A_27 = arith.constant 2 : i32
    %get3A_28 = arith.index_cast %get3A_27 : i32 to index
    %get3A_29 = arith.constant 32 : index
    %get3A_30 = tpu.vector_load %arg15[%get3A_28, %get3A_29] {strides = array<i32>} : memref<9x64xbf16, #tpu.memory_space<vmem>>, vector<32xbf16>,
    %get3A_31 = arith.constant 3 : i32
    %get3A_32 = arith.index_cast %get3A_31 : i32 to index
    %get3A_33 = arith.constant 0 : index
    %get3A_34 = tpu.vector_load %arg15[%get3A_32, %get3A_33] {strides = array<i32>} : memref<9x64xbf16, #tpu.memory_space<vmem>>, vector<32xbf16>,
    %get3A_35 = arith.constant 3 : i32
    %get3A_36 = arith.index_cast %get3A_35 : i32 to index
    %get3A_37 = arith.constant 32 : index
    %get3A_38 = tpu.vector_load %arg15[%get3A_36, %get3A_37] {strides = array<i32>} : memref<9x64xbf16, #tpu.memory_space<vmem>>, vector<32xbf16>,
    %get3A_39 = arith.constant 4 : i32
    %get3A_40 = arith.index_cast %get3A_39 : i32 to index
    %get3A_41 = arith.constant 0 : index
    %get3A_42 = tpu.vector_load %arg15[%get3A_40, %get3A_41] {strides = array<i32>} : memref<9x64xbf16, #tpu.memory_space<vmem>>, vector<32xbf16>,
    %get3A_43 = arith.constant 4 : i32
    %get3A_44 = arith.index_cast %get3A_43 : i32 to index
    %get3A_45 = arith.constant 32 : index
    %get3A_46 = tpu.vector_load %arg15[%get3A_44, %get3A_45] {strides = array<i32>} : memref<9x64xbf16, #tpu.memory_space<vmem>>, vector<32xbf16>,
    %get3A_47 = arith.constant 5 : i32
    %get3A_48 = arith.index_cast %get3A_47 : i32 to index
    %get3A_49 = arith.constant 0 : index
    %get3A_50 = tpu.vector_load %arg15[%get3A_48, %get3A_49] {strides = array<i32>} : memref<9x64xbf16, #tpu.memory_space<vmem>>, vector<32xbf16>,
    %get3A_51 = arith.constant 5 : i32
    %get3A_52 = arith.index_cast %get3A_51 : i32 to index
    %get3A_53 = arith.constant 32 : index
    %get3A_54 = tpu.vector_load %arg15[%get3A_52, %get3A_53] {strides = array<i32>} : memref<9x64xbf16, #tpu.memory_space<vmem>>, vector<32xbf16>,
    %get3A_55 = arith.constant 6 : i32
    %get3A_56 = arith.index_cast %get3A_55 : i32 to index
    %get3A_57 = arith.constant 0 : index
    %get3A_58 = tpu.vector_load %arg15[%get3A_56, %get3A_57] {strides = array<i32>} : memref<9x64xbf16, #tpu.memory_space<vmem>>, vector<32xbf16>,
    %get3A_59 = arith.constant 6 : i32
    %get3A_60 = arith.index_cast %get3A_59 : i32 to index
    %get3A_61 = arith.constant 32 : index
    %get3A_62 = tpu.vector_load %arg15[%get3A_60, %get3A_61] {strides = array<i32>} : memref<9x64xbf16, #tpu.memory_space<vmem>>, vector<32xbf16>,
    %get3A_63 = arith.constant 7 : i32
    %get3A_64 = arith.index_cast %get3A_63 : i32 to index
    %get3A_65 = arith.constant 0 : index
    %get3A_66 = tpu.vector_load %arg15[%get3A_64, %get3A_65] {strides = array<i32>} : memref<9x64xbf16, #tpu.memory_space<vmem>>, vector<32xbf16>,
    %get3A_67 = arith.constant 7 : i32
    %get3A_68 = arith.index_cast %get3A_67 : i32 to index
    %get3A_69 = arith.constant 32 : index
    %get3A_70 = tpu.vector_load %arg15[%get3A_68, %get3A_69] {strides = array<i32>} : memref<9x64xbf16, #tpu.memory_space<vmem>>, vector<32xbf16>,
    %get3A_71 = arith.constant 8 : i32
    %get3A_72 = arith.index_cast %get3A_71 : i32 to index
    %get3A_73 = arith.constant 0 : index
    %get3A_74 = tpu.vector_load %arg15[%get3A_72, %get3A_73] {strides = array<i32>} : memref<9x64xbf16, #tpu.memory_space<vmem>>, vector<32xbf16>,
    %get3A_75 = arith.constant 8 : i32
    %get3A_76 = arith.index_cast %get3A_75 : i32 to index
    %get3A_77 = arith.constant 32 : index
    %get3A_78 = tpu.vector_load %arg15[%get3A_76, %get3A_77] {strides = array<i32>} : memref<9x64xbf16, #tpu.memory_space<vmem>>, vector<32xbf16>,
    %get3A_79 = arith.constant 0 : i32
    %get3A_80 = arith.index_cast %get3A_79 : i32 to index
    %get3A_81 = arith.constant 0 : index
    %get3A_82 = tpu.vector_load %arg16[%get3A_80, %get3A_81] {strides = array<i32>} : memref<1x64xbf16, #tpu.memory_space<vmem>>, vector<32xbf16>,
    %get3A_83 = arith.constant 0 : i32
    %get3A_84 = arith.index_cast %get3A_83 : i32 to index
    %get3A_85 = arith.constant 32 : index
    %get3A_86 = tpu.vector_load %arg16[%get3A_84, %get3A_85] {strides = array<i32>} : memref<1x64xbf16, #tpu.memory_space<vmem>>, vector<32xbf16>,
    %add3A = arith.constant 0 : i32
    %add3A_87 = arith.addi %mul3A_7, %add3A : i32
    %mul3A_88 = arith.constant 360 : i32
    %mul3A_89 = arith.muli %add3A_87, %mul3A_88 : i32
    %dma_start3A = tpu.memref_slice %arg4[%mul3A_89] : memref<460800xi32, #tpu.memory_space<hbm>> -> memref<360xi32, #tpu.memory_space<hbm>>
    %dma_start3A_90 = tpu.memref_slice %arg4[%mul3A_89] : memref<460800xi32, #tpu.memory_space<hbm>> -> memref<360xi32, #tpu.memory_space<hbm>>
    tpu.enqueue_dma source(%dma_start3A_90 : memref<360xi32, #tpu.memory_space<hbm>>) target(%arg9 : memref<360xi32, #tpu.memory_space<vmem>>) target_semaphore(%arg19 : memref<!tpu.dma_semaphore, #tpu.memory_space<semaphore_mem>>)
    %add3A_91 = arith.constant 1 : i32
    %add3A_92 = arith.addi %mul3A_7, %add3A_91 : i32
    %mul3A_93 = arith.constant 360 : i32
    %mul3A_94 = arith.muli %add3A_92, %mul3A_93 : i32
    %dma_start3A_95 = tpu.memref_slice %arg4[%mul3A_94] : memref<460800xi32, #tpu.memory_space<hbm>> -> memref<360xi32, #tpu.memory_space<hbm>>
    %dma_start3A_96 = tpu.memref_slice %arg4[%mul3A_94] : memref<460800xi32, #tpu.memory_space<hbm>> -> memref<360xi32, #tpu.memory_space<hbm>>
    tpu.enqueue_dma source(%dma_start3A_96 : memref<360xi32, #tpu.memory_space<hbm>>) target(%arg10 : memref<360xi32, #tpu.memory_space<vmem>>) target_semaphore(%arg20 : memref<!tpu.dma_semaphore, #tpu.memory_space<semaphore_mem>>)
    %add3A_97 = arith.constant 0 : i32
    %add3A_98 = arith.addi %mul3A_7, %add3A_97 : i32
    %mul3A_99 = arith.constant 360 : i32
    %mul3A_100 = arith.muli %add3A_98, %mul3A_99 : i32
    %dma_wait3A = tpu.memref_slice %arg4[%mul3A_100] : memref<460800xi32, #tpu.memory_space<hbm>> -> memref<360xi32, #tpu.memory_space<hbm>>
    %dma_wait3A_101 = tpu.memref_slice %arg4[%mul3A_100] : memref<460800xi32, #tpu.memory_space<hbm>> -> memref<360xi32, #tpu.memory_space<hbm>>
    tpu.wait_dma2 semaphore(%arg19 : memref<!tpu.dma_semaphore, #tpu.memory_space<semaphore_mem>>) src(%dma_wait3A_101 : memref<360xi32, #tpu.memory_space<hbm>>) dst(%arg9 : memref<360xi32, #tpu.memory_space<vmem>>)
    %dma_start3A_102 = arith.constant 0 : i32
    %dma_start3A_103 = arith.constant 0 : i32
    %dma_start3A_104 = tpu.memref_slice %arg11[%dma_start3A_102, %dma_start3A_103] : memref<360x32xi32, #tpu.memory_space<vmem>> -> memref<40x32xi32, #tpu.memory_space<vmem>>
    %dma_start3A_105 = arith.constant 0 : i32
    %dma_start3A_106 = tpu.memref_slice %arg9[%dma_start3A_105] : memref<360xi32, #tpu.memory_space<vmem>> -> memref<40xi32, #tpu.memory_space<vmem>>
    %dma_start3A_107 = arith.constant 0 : i32
    %dma_start3A_108 = arith.constant 0 : i32
    %dma_start3A_109 = tpu.memref_slice %arg8[%dma_start3A_107, %dma_start3A_108] : memref<50048x32xi32, #tpu.memory_space<vmem_shared>> -> memref<50048x32xi32, #tpu.memory_space<vmem_shared>>
    tpu.enqueue_indirect_dma source(%dma_start3A_109 : memref<50048x32xi32, #tpu.memory_space<vmem_shared>>) target(%dma_start3A_104 : memref<40x32xi32, #tpu.memory_space<vmem>>) offsets(%dma_start3A_106 : memref<40xi32, #tpu.memory_space<vmem>>) semaphore(%arg17 : memref<!tpu.dma_semaphore, #tpu.memory_space<semaphore_mem>>)
    %dma_start3A_110 = arith.constant 40 : i32
    %dma_start3A_111 = arith.constant 0 : i32
    %dma_start3A_112 = tpu.memref_slice %arg11[%dma_start3A_110, %dma_start3A_111] : memref<360x32xi32, #tpu.memory_space<vmem>> -> memref<40x32xi32, #tpu.memory_space<vmem>>
    %dma_start3A_113 = arith.constant 40 : i32
    %dma_start3A_114 = tpu.memref_slice %arg9[%dma_start3A_113] : memref<360xi32, #tpu.memory_space<vmem>> -> memref<40xi32, #tpu.memory_space<vmem>>
    %dma_start3A_115 = arith.constant 0 : i32
    %dma_start3A_116 = arith.constant 0 : i32
    %dma_start3A_117 = tpu.memref_slice %arg8[%dma_start3A_115, %dma_start3A_116] : memref<50048x32xi32, #tpu.memory_space<vmem_shared>> -> memref<50048x32xi32, #tpu.memory_space<vmem_shared>>
    tpu.enqueue_indirect_dma source(%dma_start3A_117 : memref<50048x32xi32, #tpu.memory_space<vmem_shared>>) target(%dma_start3A_112 : memref<40x32xi32, #tpu.memory_space<vmem>>) offsets(%dma_start3A_114 : memref<40xi32, #tpu.memory_space<vmem>>) semaphore(%arg17 : memref<!tpu.dma_semaphore, #tpu.memory_space<semaphore_mem>>)
    %dma_start3A_118 = arith.constant 80 : i32
    %dma_start3A_119 = arith.constant 0 : i32
    %dma_start3A_120 = tpu.memref_slice %arg11[%dma_start3A_118, %dma_start3A_119] : memref<360x32xi32, #tpu.memory_space<vmem>> -> memref<40x32xi32, #tpu.memory_space<vmem>>
    %dma_start3A_121 = arith.constant 80 : i32
    %dma_start3A_122 = tpu.memref_slice %arg9[%dma_start3A_121] : memref<360xi32, #tpu.memory_space<vmem>> -> memref<40xi32, #tpu.memory_space<vmem>>
    %dma_start3A_123 = arith.constant 0 : i32
    %dma_start3A_124 = arith.constant 0 : i32
    %dma_start3A_125 = tpu.memref_slice %arg8[%dma_start3A_123, %dma_start3A_124] : memref<50048x32xi32, #tpu.memory_space<vmem_shared>> -> memref<50048x32xi32, #tpu.memory_space<vmem_shared>>
    tpu.enqueue_indirect_dma source(%dma_start3A_125 : memref<50048x32xi32, #tpu.memory_space<vmem_shared>>) target(%dma_start3A_120 : memref<40x32xi32, #tpu.memory_space<vmem>>) offsets(%dma_start3A_122 : memref<40xi32, #tpu.memory_space<vmem>>) semaphore(%arg17 : memref<!tpu.dma_semaphore, #tpu.memory_space<semaphore_mem>>)
    %dma_start3A_126 = arith.constant 120 : i32
    %dma_start3A_127 = arith.constant 0 : i32
    %dma_start3A_128 = tpu.memref_slice %arg11[%dma_start3A_126, %dma_start3A_127] : memref<360x32xi32, #tpu.memory_space<vmem>> -> memref<40x32xi32, #tpu.memory_space<vmem>>
    %dma_start3A_129 = arith.constant 120 : i32
    %dma_start3A_130 = tpu.memref_slice %arg9[%dma_start3A_129] : memref<360xi32, #tpu.memory_space<vmem>> -> memref<40xi32, #tpu.memory_space<vmem>>
    %dma_start3A_131 = arith.constant 0 : i32
    %dma_start3A_132 = arith.constant 0 : i32
    %dma_start3A_133 = tpu.memref_slice %arg8[%dma_start3A_131, %dma_start3A_132] : memref<50048x32xi32, #tpu.memory_space<vmem_shared>> -> memref<50048x32xi32, #tpu.memory_space<vmem_shared>>
    tpu.enqueue_indirect_dma source(%dma_start3A_133 : memref<50048x32xi32, #tpu.memory_space<vmem_shared>>) target(%dma_start3A_128 : memref<40x32xi32, #tpu.memory_space<vmem>>) offsets(%dma_start3A_130 : memref<40xi32, #tpu.memory_space<vmem>>) semaphore(%arg17 : memref<!tpu.dma_semaphore, #tpu.memory_space<semaphore_mem>>)
    %dma_start3A_134 = arith.constant 160 : i32
    %dma_start3A_135 = arith.constant 0 : i32
    %dma_start3A_136 = tpu.memref_slice %arg11[%dma_start3A_134, %dma_start3A_135] : memref<360x32xi32, #tpu.memory_space<vmem>> -> memref<40x32xi32, #tpu.memory_space<vmem>>
    %dma_start3A_137 = arith.constant 160 : i32
    %dma_start3A_138 = tpu.memref_slice %arg9[%dma_start3A_137] : memref<360xi32, #tpu.memory_space<vmem>> -> memref<40xi32, #tpu.memory_space<vmem>>
    %dma_start3A_139 = arith.constant 0 : i32
    %dma_start3A_140 = arith.constant 0 : i32
    %dma_start3A_141 = tpu.memref_slice %arg8[%dma_start3A_139, %dma_start3A_140] : memref<50048x32xi32, #tpu.memory_space<vmem_shared>> -> memref<50048x32xi32, #tpu.memory_space<vmem_shared>>
    tpu.enqueue_indirect_dma source(%dma_start3A_141 : memref<50048x32xi32, #tpu.memory_space<vmem_shared>>) target(%dma_start3A_136 : memref<40x32xi32, #tpu.memory_space<vmem>>) offsets(%dma_start3A_138 : memref<40xi32, #tpu.memory_space<vmem>>) semaphore(%arg17 : memref<!tpu.dma_semaphore, #tpu.memory_space<semaphore_mem>>)
    %dma_start3A_142 = arith.constant 200 : i32
    %dma_start3A_143 = arith.constant 0 : i32
    %dma_start3A_144 = tpu.memref_slice %arg11[%dma_start3A_142, %dma_start3A_143] : memref<360x32xi32, #tpu.memory_space<vmem>> -> memref<40x32xi32, #tpu.memory_space<vmem>>
    %dma_start3A_145 = arith.constant 200 : i32
    %dma_start3A_146 = tpu.memref_slice %arg9[%dma_start3A_145] : memref<360xi32, #tpu.memory_space<vmem>> -> memref<40xi32, #tpu.memory_space<vmem>>
    %dma_start3A_147 = arith.constant 0 : i32
    %dma_start3A_148 = arith.constant 0 : i32
    %dma_start3A_149 = tpu.memref_slice %arg8[%dma_start3A_147, %dma_start3A_148] : memref<50048x32xi32, #tpu.memory_space<vmem_shared>> -> memref<50048x32xi32, #tpu.memory_space<vmem_shared>>
    tpu.enqueue_indirect_dma source(%dma_start3A_149 : memref<50048x32xi32, #tpu.memory_space<vmem_shared>>) target(%dma_start3A_144 : memref<40x32xi32, #tpu.memory_space<vmem>>) offsets(%dma_start3A_146 : memref<40xi32, #tpu.memory_space<vmem>>) semaphore(%arg17 : memref<!tpu.dma_semaphore, #tpu.memory_space<semaphore_mem>>)
    %dma_start3A_150 = arith.constant 240 : i32
    %dma_start3A_151 = arith.constant 0 : i32
    %dma_start3A_152 = tpu.memref_slice %arg11[%dma_start3A_150, %dma_start3A_151] : memref<360x32xi32, #tpu.memory_space<vmem>> -> memref<40x32xi32, #tpu.memory_space<vmem>>
    %dma_start3A_153 = arith.constant 240 : i32
    %dma_start3A_154 = tpu.memref_slice %arg9[%dma_start3A_153] : memref<360xi32, #tpu.memory_space<vmem>> -> memref<40xi32, #tpu.memory_space<vmem>>
    %dma_start3A_155 = arith.constant 0 : i32
    %dma_start3A_156 = arith.constant 0 : i32
    %dma_start3A_157 = tpu.memref_slice %arg8[%dma_start3A_155, %dma_start3A_156] : memref<50048x32xi32, #tpu.memory_space<vmem_shared>> -> memref<50048x32xi32, #tpu.memory_space<vmem_shared>>
    tpu.enqueue_indirect_dma source(%dma_start3A_157 : memref<50048x32xi32, #tpu.memory_space<vmem_shared>>) target(%dma_start3A_152 : memref<40x32xi32, #tpu.memory_space<vmem>>) offsets(%dma_start3A_154 : memref<40xi32, #tpu.memory_space<vmem>>) semaphore(%arg17 : memref<!tpu.dma_semaphore, #tpu.memory_space<semaphore_mem>>)
    %dma_start3A_158 = arith.constant 280 : i32
    %dma_start3A_159 = arith.constant 0 : i32
    %dma_start3A_160 = tpu.memref_slice %arg11[%dma_start3A_158, %dma_start3A_159] : memref<360x32xi32, #tpu.memory_space<vmem>> -> memref<40x32xi32, #tpu.memory_space<vmem>>
    %dma_start3A_161 = arith.constant 280 : i32
    %dma_start3A_162 = tpu.memref_slice %arg9[%dma_start3A_161] : memref<360xi32, #tpu.memory_space<vmem>> -> memref<40xi32, #tpu.memory_space<vmem>>
    %dma_start3A_163 = arith.constant 0 : i32
    %dma_start3A_164 = arith.constant 0 : i32
    %dma_start3A_165 = tpu.memref_slice %arg8[%dma_start3A_163, %dma_start3A_164] : memref<50048x32xi32, #tpu.memory_space<vmem_shared>> -> memref<50048x32xi32, #tpu.memory_space<vmem_shared>>
    tpu.enqueue_indirect_dma source(%dma_start3A_165 : memref<50048x32xi32, #tpu.memory_space<vmem_shared>>) target(%dma_start3A_160 : memref<40x32xi32, #tpu.memory_space<vmem>>) offsets(%dma_start3A_162 : memref<40xi32, #tpu.memory_space<vmem>>) semaphore(%arg17 : memref<!tpu.dma_semaphore, #tpu.memory_space<semaphore_mem>>)
    %dma_start3A_166 = arith.constant 320 : i32
    %dma_start3A_167 = arith.constant 0 : i32
    %dma_start3A_168 = tpu.memref_slice %arg11[%dma_start3A_166, %dma_start3A_167] : memref<360x32xi32, #tpu.memory_space<vmem>> -> memref<40x32xi32, #tpu.memory_space<vmem>>
    %dma_start3A_169 = arith.constant 320 : i32
    %dma_start3A_170 = tpu.memref_slice %arg9[%dma_start3A_169] : memref<360xi32, #tpu.memory_space<vmem>> -> memref<40xi32, #tpu.memory_space<vmem>>
    %dma_start3A_171 = arith.constant 0 : i32
    %dma_start3A_172 = arith.constant 0 : i32
    %dma_start3A_173 = tpu.memref_slice %arg8[%dma_start3A_171, %dma_start3A_172] : memref<50048x32xi32, #tpu.memory_space<vmem_shared>> -> memref<50048x32xi32, #tpu.memory_space<vmem_shared>>
    tpu.enqueue_indirect_dma source(%dma_start3A_173 : memref<50048x32xi32, #tpu.memory_space<vmem_shared>>) target(%dma_start3A_168 : memref<40x32xi32, #tpu.memory_space<vmem>>) offsets(%dma_start3A_170 : memref<40xi32, #tpu.memory_space<vmem>>) semaphore(%arg17 : memref<!tpu.dma_semaphore, #tpu.memory_space<semaphore_mem>>)
    %add3A_174 = arith.constant 1 : i32
    %add3A_175 = arith.addi %mul3A_7, %add3A_174 : i32
    %mul3A_176 = arith.constant 360 : i32
    %mul3A_177 = arith.muli %add3A_175, %mul3A_176 : i32
    %dma_wait3A_178 = tpu.memref_slice %arg4[%mul3A_177] : memref<460800xi32, #tpu.memory_space<hbm>> -> memref<360xi32, #tpu.memory_space<hbm>>
    %dma_wait3A_179 = tpu.memref_slice %arg4[%mul3A_177] : memref<460800xi32, #tpu.memory_space<hbm>> -> memref<360xi32, #tpu.memory_space<hbm>>
    tpu.wait_dma2 semaphore(%arg20 : memref<!tpu.dma_semaphore, #tpu.memory_space<semaphore_mem>>) src(%dma_wait3A_179 : memref<360xi32, #tpu.memory_space<hbm>>) dst(%arg10 : memref<360xi32, #tpu.memory_space<vmem>>)
    %dma_start3A_180 = arith.constant 0 : i32
    %dma_start3A_181 = arith.constant 0 : i32
    %dma_start3A_182 = tpu.memref_slice %arg12[%dma_start3A_180, %dma_start3A_181] : memref<360x32xi32, #tpu.memory_space<vmem>> -> memref<40x32xi32, #tpu.memory_space<vmem>>
    %dma_start3A_183 = arith.constant 0 : i32
    %dma_start3A_184 = tpu.memref_slice %arg10[%dma_start3A_183] : memref<360xi32, #tpu.memory_space<vmem>> -> memref<40xi32, #tpu.memory_space<vmem>>
    %dma_start3A_185 = arith.constant 0 : i32
    %dma_start3A_186 = arith.constant 0 : i32
    %dma_start3A_187 = tpu.memref_slice %arg8[%dma_start3A_185, %dma_start3A_186] : memref<50048x32xi32, #tpu.memory_space<vmem_shared>> -> memref<50048x32xi32, #tpu.memory_space<vmem_shared>>
    tpu.enqueue_indirect_dma source(%dma_start3A_187 : memref<50048x32xi32, #tpu.memory_space<vmem_shared>>) target(%dma_start3A_182 : memref<40x32xi32, #tpu.memory_space<vmem>>) offsets(%dma_start3A_184 : memref<40xi32, #tpu.memory_space<vmem>>) semaphore(%arg18 : memref<!tpu.dma_semaphore, #tpu.memory_space<semaphore_mem>>)
    %dma_start3A_188 = arith.constant 40 : i32
    %dma_start3A_189 = arith.constant 0 : i32
    %dma_start3A_190 = tpu.memref_slice %arg12[%dma_start3A_188, %dma_start3A_189] : memref<360x32xi32, #tpu.memory_space<vmem>> -> memref<40x32xi32, #tpu.memory_space<vmem>>
    %dma_start3A_191 = arith.constant 40 : i32
    %dma_start3A_192 = tpu.memref_slice %arg10[%dma_start3A_191] : memref<360xi32, #tpu.memory_space<vmem>> -> memref<40xi32, #tpu.memory_space<vmem>>
    %dma_start3A_193 = arith.constant 0 : i32
    %dma_start3A_194 = arith.constant 0 : i32
    %dma_start3A_195 = tpu.memref_slice %arg8[%dma_start3A_193, %dma_start3A_194] : memref<50048x32xi32, #tpu.memory_space<vmem_shared>> -> memref<50048x32xi32, #tpu.memory_space<vmem_shared>>
    tpu.enqueue_indirect_dma source(%dma_start3A_195 : memref<50048x32xi32, #tpu.memory_space<vmem_shared>>) target(%dma_start3A_190 : memref<40x32xi32, #tpu.memory_space<vmem>>) offsets(%dma_start3A_192 : memref<40xi32, #tpu.memory_space<vmem>>) semaphore(%arg18 : memref<!tpu.dma_semaphore, #tpu.memory_space<semaphore_mem>>)
    %dma_start3A_196 = arith.constant 80 : i32
    %dma_start3A_197 = arith.constant 0 : i32
    %dma_start3A_198 = tpu.memref_slice %arg12[%dma_start3A_196, %dma_start3A_197] : memref<360x32xi32, #tpu.memory_space<vmem>> -> memref<40x32xi32, #tpu.memory_space<vmem>>
    %dma_start3A_199 = arith.constant 80 : i32
    %dma_start3A_200 = tpu.memref_slice %arg10[%dma_start3A_199] : memref<360xi32, #tpu.memory_space<vmem>> -> memref<40xi32, #tpu.memory_space<vmem>>
    %dma_start3A_201 = arith.constant 0 : i32
    %dma_start3A_202 = arith.constant 0 : i32
    %dma_start3A_203 = tpu.memref_slice %arg8[%dma_start3A_201, %dma_start3A_202] : memref<50048x32xi32, #tpu.memory_space<vmem_shared>> -> memref<50048x32xi32, #tpu.memory_space<vmem_shared>>
    tpu.enqueue_indirect_dma source(%dma_start3A_203 : memref<50048x32xi32, #tpu.memory_space<vmem_shared>>) target(%dma_start3A_198 : memref<40x32xi32, #tpu.memory_space<vmem>>) offsets(%dma_start3A_200 : memref<40xi32, #tpu.memory_space<vmem>>) semaphore(%arg18 : memref<!tpu.dma_semaphore, #tpu.memory_space<semaphore_mem>>)
    %dma_start3A_204 = arith.constant 120 : i32
    %dma_start3A_205 = arith.constant 0 : i32
    %dma_start3A_206 = tpu.memref_slice %arg12[%dma_start3A_204, %dma_start3A_205] : memref<360x32xi32, #tpu.memory_space<vmem>> -> memref<40x32xi32, #tpu.memory_space<vmem>>
    %dma_start3A_207 = arith.constant 120 : i32
    %dma_start3A_208 = tpu.memref_slice %arg10[%dma_start3A_207] : memref<360xi32, #tpu.memory_space<vmem>> -> memref<40xi32, #tpu.memory_space<vmem>>
    %dma_start3A_209 = arith.constant 0 : i32
    %dma_start3A_210 = arith.constant 0 : i32
    %dma_start3A_211 = tpu.memref_slice %arg8[%dma_start3A_209, %dma_start3A_210] : memref<50048x32xi32, #tpu.memory_space<vmem_shared>> -> memref<50048x32xi32, #tpu.memory_space<vmem_shared>>
    tpu.enqueue_indirect_dma source(%dma_start3A_211 : memref<50048x32xi32, #tpu.memory_space<vmem_shared>>) target(%dma_start3A_206 : memref<40x32xi32, #tpu.memory_space<vmem>>) offsets(%dma_start3A_208 : memref<40xi32, #tpu.memory_space<vmem>>) semaphore(%arg18 : memref<!tpu.dma_semaphore, #tpu.memory_space<semaphore_mem>>)
    %dma_start3A_212 = arith.constant 160 : i32
    %dma_start3A_213 = arith.constant 0 : i32
    %dma_start3A_214 = tpu.memref_slice %arg12[%dma_start3A_212, %dma_start3A_213] : memref<360x32xi32, #tpu.memory_space<vmem>> -> memref<40x32xi32, #tpu.memory_space<vmem>>
    %dma_start3A_215 = arith.constant 160 : i32
    %dma_start3A_216 = tpu.memref_slice %arg10[%dma_start3A_215] : memref<360xi32, #tpu.memory_space<vmem>> -> memref<40xi32, #tpu.memory_space<vmem>>
    %dma_start3A_217 = arith.constant 0 : i32
    %dma_start3A_218 = arith.constant 0 : i32
    %dma_start3A_219 = tpu.memref_slice %arg8[%dma_start3A_217, %dma_start3A_218] : memref<50048x32xi32, #tpu.memory_space<vmem_shared>> -> memref<50048x32xi32, #tpu.memory_space<vmem_shared>>
    tpu.enqueue_indirect_dma source(%dma_start3A_219 : memref<50048x32xi32, #tpu.memory_space<vmem_shared>>) target(%dma_start3A_214 : memref<40x32xi32, #tpu.memory_space<vmem>>) offsets(%dma_start3A_216 : memref<40xi32, #tpu.memory_space<vmem>>) semaphore(%arg18 : memref<!tpu.dma_semaphore, #tpu.memory_space<semaphore_mem>>)
    %dma_start3A_220 = arith.constant 200 : i32
    %dma_start3A_221 = arith.constant 0 : i32
    %dma_start3A_222 = tpu.memref_slice %arg12[%dma_start3A_220, %dma_start3A_221] : memref<360x32xi32, #tpu.memory_space<vmem>> -> memref<40x32xi32, #tpu.memory_space<vmem>>
    %dma_start3A_223 = arith.constant 200 : i32
    %dma_start3A_224 = tpu.memref_slice %arg10[%dma_start3A_223] : memref<360xi32, #tpu.memory_space<vmem>> -> memref<40xi32, #tpu.memory_space<vmem>>
    %dma_start3A_225 = arith.constant 0 : i32
    %dma_start3A_226 = arith.constant 0 : i32
    %dma_start3A_227 = tpu.memref_slice %arg8[%dma_start3A_225, %dma_start3A_226] : memref<50048x32xi32, #tpu.memory_space<vmem_shared>> -> memref<50048x32xi32, #tpu.memory_space<vmem_shared>>
    tpu.enqueue_indirect_dma source(%dma_start3A_227 : memref<50048x32xi32, #tpu.memory_space<vmem_shared>>) target(%dma_start3A_222 : memref<40x32xi32, #tpu.memory_space<vmem>>) offsets(%dma_start3A_224 : memref<40xi32, #tpu.memory_space<vmem>>) semaphore(%arg18 : memref<!tpu.dma_semaphore, #tpu.memory_space<semaphore_mem>>)
    %dma_start3A_228 = arith.constant 240 : i32
    %dma_start3A_229 = arith.constant 0 : i32
    %dma_start3A_230 = tpu.memref_slice %arg12[%dma_start3A_228, %dma_start3A_229] : memref<360x32xi32, #tpu.memory_space<vmem>> -> memref<40x32xi32, #tpu.memory_space<vmem>>
    %dma_start3A_231 = arith.constant 240 : i32
    %dma_start3A_232 = tpu.memref_slice %arg10[%dma_start3A_231] : memref<360xi32, #tpu.memory_space<vmem>> -> memref<40xi32, #tpu.memory_space<vmem>>
    %dma_start3A_233 = arith.constant 0 : i32
    %dma_start3A_234 = arith.constant 0 : i32
    %dma_start3A_235 = tpu.memref_slice %arg8[%dma_start3A_233, %dma_start3A_234] : memref<50048x32xi32, #tpu.memory_space<vmem_shared>> -> memref<50048x32xi32, #tpu.memory_space<vmem_shared>>
    tpu.enqueue_indirect_dma source(%dma_start3A_235 : memref<50048x32xi32, #tpu.memory_space<vmem_shared>>) target(%dma_start3A_230 : memref<40x32xi32, #tpu.memory_space<vmem>>) offsets(%dma_start3A_232 : memref<40xi32, #tpu.memory_space<vmem>>) semaphore(%arg18 : memref<!tpu.dma_semaphore, #tpu.memory_space<semaphore_mem>>)
    %dma_start3A_236 = arith.constant 280 : i32
    %dma_start3A_237 = arith.constant 0 : i32
    %dma_start3A_238 = tpu.memref_slice %arg12[%dma_start3A_236, %dma_start3A_237] : memref<360x32xi32, #tpu.memory_space<vmem>> -> memref<40x32xi32, #tpu.memory_space<vmem>>
    %dma_start3A_239 = arith.constant 280 : i32
    %dma_start3A_240 = tpu.memref_slice %arg10[%dma_start3A_239] : memref<360xi32, #tpu.memory_space<vmem>> -> memref<40xi32, #tpu.memory_space<vmem>>
    %dma_start3A_241 = arith.constant 0 : i32
    %dma_start3A_242 = arith.constant 0 : i32
    %dma_start3A_243 = tpu.memref_slice %arg8[%dma_start3A_241, %dma_start3A_242] : memref<50048x32xi32, #tpu.memory_space<vmem_shared>> -> memref<50048x32xi32, #tpu.memory_space<vmem_shared>>
    tpu.enqueue_indirect_dma source(%dma_start3A_243 : memref<50048x32xi32, #tpu.memory_space<vmem_shared>>) target(%dma_start3A_238 : memref<40x32xi32, #tpu.memory_space<vmem>>) offsets(%dma_start3A_240 : memref<40xi32, #tpu.memory_space<vmem>>) semaphore(%arg18 : memref<!tpu.dma_semaphore, #tpu.memory_space<semaphore_mem>>)
    %dma_start3A_244 = arith.constant 320 : i32
    %dma_start3A_245 = arith.constant 0 : i32
    %dma_start3A_246 = tpu.memref_slice %arg12[%dma_start3A_244, %dma_start3A_245] : memref<360x32xi32, #tpu.memory_space<vmem>> -> memref<40x32xi32, #tpu.memory_space<vmem>>
    %dma_start3A_247 = arith.constant 320 : i32
    %dma_start3A_248 = tpu.memref_slice %arg10[%dma_start3A_247] : memref<360xi32, #tpu.memory_space<vmem>> -> memref<40xi32, #tpu.memory_space<vmem>>
    %dma_start3A_249 = arith.constant 0 : i32
    %dma_start3A_250 = arith.constant 0 : i32
    %dma_start3A_251 = tpu.memref_slice %arg8[%dma_start3A_249, %dma_start3A_250] : memref<50048x32xi32, #tpu.memory_space<vmem_shared>> -> memref<50048x32xi32, #tpu.memory_space<vmem_shared>>
    tpu.enqueue_indirect_dma source(%dma_start3A_251 : memref<50048x32xi32, #tpu.memory_space<vmem_shared>>) target(%dma_start3A_246 : memref<40x32xi32, #tpu.memory_space<vmem>>) offsets(%dma_start3A_248 : memref<40xi32, #tpu.memory_space<vmem>>) semaphore(%arg18 : memref<!tpu.dma_semaphore, #tpu.memory_space<semaphore_mem>>)
    %scan3A = arith.constant 0 : i32
    %scan3A_252 = arith.constant 0 : i32
    %scan3A_253 = arith.constant 40 : i32
    %scan3A_254 = arith.addi %scan3A_252, %scan3A_253 : i32
    %scan3A_255 = arith.constant 1 : i32
    scf.for %scan3A_274 = %scan3A_252 to %scan3A_254 step %scan3A_255  : i32 {
      %mul3A_275 = arith.constant 2 : i32
      %mul3A_276 = arith.muli %scan3A_274, %mul3A_275 : i32
      %add3A_277 = arith.constant 1 : i32
      %add3A_278 = arith.addi %mul3A_276, %add3A_277 : i32
      %dma_wait3A_279 = arith.constant 0 : i32
      %dma_wait3A_280 = arith.constant 0 : i32
      %dma_wait3A_281 = tpu.memref_slice %arg11[%dma_wait3A_279, %dma_wait3A_280] : memref<360x32xi32, #tpu.memory_space<vmem>> -> memref<40x32xi32, #tpu.memory_space<vmem>>
      %dma_wait3A_282 = arith.constant 0 : i32
      %dma_wait3A_283 = tpu.memref_slice %arg9[%dma_wait3A_282] : memref<360xi32, #tpu.memory_space<vmem>> -> memref<40xi32, #tpu.memory_space<vmem>>
      %dma_wait3A_284 = arith.constant 0 : i32
      %dma_wait3A_285 = arith.constant 0 : i32
      %dma_wait3A_286 = tpu.memref_slice %arg8[%dma_wait3A_284, %dma_wait3A_285] : memref<50048x32xi32, #tpu.memory_space<vmem_shared>> -> memref<50048x32xi32, #tpu.memory_space<vmem_shared>>
      tpu.wait_indirect_dma semaphore(%arg17 : memref<!tpu.dma_semaphore, #tpu.memory_space<semaphore_mem>>) src(%dma_wait3A_286 : memref<50048x32xi32, #tpu.memory_space<vmem_shared>>) dst(%dma_wait3A_281 : memref<40x32xi32, #tpu.memory_space<vmem>>)
      %dma_wait3A_287 = arith.constant 40 : i32
      %dma_wait3A_288 = arith.constant 0 : i32
      %dma_wait3A_289 = tpu.memref_slice %arg11[%dma_wait3A_287, %dma_wait3A_288] : memref<360x32xi32, #tpu.memory_space<vmem>> -> memref<40x32xi32, #tpu.memory_space<vmem>>
      %dma_wait3A_290 = arith.constant 40 : i32
      %dma_wait3A_291 = tpu.memref_slice %arg9[%dma_wait3A_290] : memref<360xi32, #tpu.memory_space<vmem>> -> memref<40xi32, #tpu.memory_space<vmem>>
      %dma_wait3A_292 = arith.constant 0 : i32
      %dma_wait3A_293 = arith.constant 0 : i32
      %dma_wait3A_294 = tpu.memref_slice %arg8[%dma_wait3A_292, %dma_wait3A_293] : memref<50048x32xi32, #tpu.memory_space<vmem_shared>> -> memref<50048x32xi32, #tpu.memory_space<vmem_shared>>
      tpu.wait_indirect_dma semaphore(%arg17 : memref<!tpu.dma_semaphore, #tpu.memory_space<semaphore_mem>>) src(%dma_wait3A_294 : memref<50048x32xi32, #tpu.memory_space<vmem_shared>>) dst(%dma_wait3A_289 : memref<40x32xi32, #tpu.memory_space<vmem>>)
      %dma_wait3A_295 = arith.constant 80 : i32
      %dma_wait3A_296 = arith.constant 0 : i32
      %dma_wait3A_297 = tpu.memref_slice %arg11[%dma_wait3A_295, %dma_wait3A_296] : memref<360x32xi32, #tpu.memory_space<vmem>> -> memref<40x32xi32, #tpu.memory_space<vmem>>
      %dma_wait3A_298 = arith.constant 80 : i32
      %dma_wait3A_299 = tpu.memref_slice %arg9[%dma_wait3A_298] : memref<360xi32, #tpu.memory_space<vmem>> -> memref<40xi32, #tpu.memory_space<vmem>>
      %dma_wait3A_300 = arith.constant 0 : i32
      %dma_wait3A_301 = arith.constant 0 : i32
      %dma_wait3A_302 = tpu.memref_slice %arg8[%dma_wait3A_300, %dma_wait3A_301] : memref<50048x32xi32, #tpu.memory_space<vmem_shared>> -> memref<50048x32xi32, #tpu.memory_space<vmem_shared>>
      tpu.wait_indirect_dma semaphore(%arg17 : memref<!tpu.dma_semaphore, #tpu.memory_space<semaphore_mem>>) src(%dma_wait3A_302 : memref<50048x32xi32, #tpu.memory_space<vmem_shared>>) dst(%dma_wait3A_297 : memref<40x32xi32, #tpu.memory_space<vmem>>)
      %dma_wait3A_303 = arith.constant 120 : i32
      %dma_wait3A_304 = arith.constant 0 : i32
      %dma_wait3A_305 = tpu.memref_slice %arg11[%dma_wait3A_303, %dma_wait3A_304] : memref<360x32xi32, #tpu.memory_space<vmem>> -> memref<40x32xi32, #tpu.memory_space<vmem>>
      %dma_wait3A_306 = arith.constant 120 : i32
      %dma_wait3A_307 = tpu.memref_slice %arg9[%dma_wait3A_306] : memref<360xi32, #tpu.memory_space<vmem>> -> memref<40xi32, #tpu.memory_space<vmem>>
      %dma_wait3A_308 = arith.constant 0 : i32
      %dma_wait3A_309 = arith.constant 0 : i32
      %dma_wait3A_310 = tpu.memref_slice %arg8[%dma_wait3A_308, %dma_wait3A_309] : memref<50048x32xi32, #tpu.memory_space<vmem_shared>> -> memref<50048x32xi32, #tpu.memory_space<vmem_shared>>
      tpu.wait_indirect_dma semaphore(%arg17 : memref<!tpu.dma_semaphore, #tpu.memory_space<semaphore_mem>>) src(%dma_wait3A_310 : memref<50048x32xi32, #tpu.memory_space<vmem_shared>>) dst(%dma_wait3A_305 : memref<40x32xi32, #tpu.memory_space<vmem>>)
      %dma_wait3A_311 = arith.constant 160 : i32
      %dma_wait3A_312 = arith.constant 0 : i32
      %dma_wait3A_313 = tpu.memref_slice %arg11[%dma_wait3A_311, %dma_wait3A_312] : memref<360x32xi32, #tpu.memory_space<vmem>> -> memref<40x32xi32, #tpu.memory_space<vmem>>
      %dma_wait3A_314 = arith.constant 160 : i32
      %dma_wait3A_315 = tpu.memref_slice %arg9[%dma_wait3A_314] : memref<360xi32, #tpu.memory_space<vmem>> -> memref<40xi32, #tpu.memory_space<vmem>>
      %dma_wait3A_316 = arith.constant 0 : i32
      %dma_wait3A_317 = arith.constant 0 : i32
      %dma_wait3A_318 = tpu.memref_slice %arg8[%dma_wait3A_316, %dma_wait3A_317] : memref<50048x32xi32, #tpu.memory_space<vmem_shared>> -> memref<50048x32xi32, #tpu.memory_space<vmem_shared>>
      tpu.wait_indirect_dma semaphore(%arg17 : memref<!tpu.dma_semaphore, #tpu.memory_space<semaphore_mem>>) src(%dma_wait3A_318 : memref<50048x32xi32, #tpu.memory_space<vmem_shared>>) dst(%dma_wait3A_313 : memref<40x32xi32, #tpu.memory_space<vmem>>)
      %dma_wait3A_319 = arith.constant 200 : i32
      %dma_wait3A_320 = arith.constant 0 : i32
      %dma_wait3A_321 = tpu.memref_slice %arg11[%dma_wait3A_319, %dma_wait3A_320] : memref<360x32xi32, #tpu.memory_space<vmem>> -> memref<40x32xi32, #tpu.memory_space<vmem>>
      %dma_wait3A_322 = arith.constant 200 : i32
      %dma_wait3A_323 = tpu.memref_slice %arg9[%dma_wait3A_322] : memref<360xi32, #tpu.memory_space<vmem>> -> memref<40xi32, #tpu.memory_space<vmem>>
      %dma_wait3A_324 = arith.constant 0 : i32
      %dma_wait3A_325 = arith.constant 0 : i32
      %dma_wait3A_326 = tpu.memref_slice %arg8[%dma_wait3A_324, %dma_wait3A_325] : memref<50048x32xi32, #tpu.memory_space<vmem_shared>> -> memref<50048x32xi32, #tpu.memory_space<vmem_shared>>
      tpu.wait_indirect_dma semaphore(%arg17 : memref<!tpu.dma_semaphore, #tpu.memory_space<semaphore_mem>>) src(%dma_wait3A_326 : memref<50048x32xi32, #tpu.memory_space<vmem_shared>>) dst(%dma_wait3A_321 : memref<40x32xi32, #tpu.memory_space<vmem>>)
      %dma_wait3A_327 = arith.constant 240 : i32
      %dma_wait3A_328 = arith.constant 0 : i32
      %dma_wait3A_329 = tpu.memref_slice %arg11[%dma_wait3A_327, %dma_wait3A_328] : memref<360x32xi32, #tpu.memory_space<vmem>> -> memref<40x32xi32, #tpu.memory_space<vmem>>
      %dma_wait3A_330 = arith.constant 240 : i32
      %dma_wait3A_331 = tpu.memref_slice %arg9[%dma_wait3A_330] : memref<360xi32, #tpu.memory_space<vmem>> -> memref<40xi32, #tpu.memory_space<vmem>>
      %dma_wait3A_332 = arith.constant 0 : i32
      %dma_wait3A_333 = arith.constant 0 : i32
      %dma_wait3A_334 = tpu.memref_slice %arg8[%dma_wait3A_332, %dma_wait3A_333] : memref<50048x32xi32, #tpu.memory_space<vmem_shared>> -> memref<50048x32xi32, #tpu.memory_space<vmem_shared>>
      tpu.wait_indirect_dma semaphore(%arg17 : memref<!tpu.dma_semaphore, #tpu.memory_space<semaphore_mem>>) src(%dma_wait3A_334 : memref<50048x32xi32, #tpu.memory_space<vmem_shared>>) dst(%dma_wait3A_329 : memref<40x32xi32, #tpu.memory_space<vmem>>)
      %dma_wait3A_335 = arith.constant 280 : i32
      %dma_wait3A_336 = arith.constant 0 : i32
      %dma_wait3A_337 = tpu.memref_slice %arg11[%dma_wait3A_335, %dma_wait3A_336] : memref<360x32xi32, #tpu.memory_space<vmem>> -> memref<40x32xi32, #tpu.memory_space<vmem>>
      %dma_wait3A_338 = arith.constant 280 : i32
      %dma_wait3A_339 = tpu.memref_slice %arg9[%dma_wait3A_338] : memref<360xi32, #tpu.memory_space<vmem>> -> memref<40xi32, #tpu.memory_space<vmem>>
      %dma_wait3A_340 = arith.constant 0 : i32
      %dma_wait3A_341 = arith.constant 0 : i32
      %dma_wait3A_342 = tpu.memref_slice %arg8[%dma_wait3A_340, %dma_wait3A_341] : memref<50048x32xi32, #tpu.memory_space<vmem_shared>> -> memref<50048x32xi32, #tpu.memory_space<vmem_shared>>
      tpu.wait_indirect_dma semaphore(%arg17 : memref<!tpu.dma_semaphore, #tpu.memory_space<semaphore_mem>>) src(%dma_wait3A_342 : memref<50048x32xi32, #tpu.memory_space<vmem_shared>>) dst(%dma_wait3A_337 : memref<40x32xi32, #tpu.memory_space<vmem>>)
      %dma_wait3A_343 = arith.constant 320 : i32
      %dma_wait3A_344 = arith.constant 0 : i32
      %dma_wait3A_345 = tpu.memref_slice %arg11[%dma_wait3A_343, %dma_wait3A_344] : memref<360x32xi32, #tpu.memory_space<vmem>> -> memref<40x32xi32, #tpu.memory_space<vmem>>
      %dma_wait3A_346 = arith.constant 320 : i32
      %dma_wait3A_347 = tpu.memref_slice %arg9[%dma_wait3A_346] : memref<360xi32, #tpu.memory_space<vmem>> -> memref<40xi32, #tpu.memory_space<vmem>>
      %dma_wait3A_348 = arith.constant 0 : i32
      %dma_wait3A_349 = arith.constant 0 : i32
      %dma_wait3A_350 = tpu.memref_slice %arg8[%dma_wait3A_348, %dma_wait3A_349] : memref<50048x32xi32, #tpu.memory_space<vmem_shared>> -> memref<50048x32xi32, #tpu.memory_space<vmem_shared>>
      tpu.wait_indirect_dma semaphore(%arg17 : memref<!tpu.dma_semaphore, #tpu.memory_space<semaphore_mem>>) src(%dma_wait3A_350 : memref<50048x32xi32, #tpu.memory_space<vmem_shared>>) dst(%dma_wait3A_345 : memref<40x32xi32, #tpu.memory_space<vmem>>)
      %add3A_351 = arith.constant 2 : i32
      %add3A_352 = arith.addi %mul3A_276, %add3A_351 : i32
      %lt3A_353 = arith.constant 80 : i32
      %lt3A_354 = arith.cmpi slt, %add3A_352, %lt3A_353 : i32
      %convert_element_type3A_355 = arith.extui %lt3A_354 : i1 to i32
      %cond3A_356 = arith.constant 0 : i32
      %cond3A_357 = arith.cmpi ne, %convert_element_type3A_355, %cond3A_356 : i32
      scf.if %cond3A_357 {
        %add3A_512 = arith.constant 2 : i32
        %add3A_513 = arith.addi %mul3A_276, %add3A_512 : i32
        %add3A_514 = arith.addi %mul3A_7, %add3A_513 : i32
        %mul3A_515 = arith.constant 360 : i32
        %mul3A_516 = arith.muli %add3A_514, %mul3A_515 : i32
        %dma_start3A_517 = tpu.memref_slice %arg4[%mul3A_516] : memref<460800xi32, #tpu.memory_space<hbm>> -> memref<360xi32, #tpu.memory_space<hbm>>
        %dma_start3A_518 = tpu.memref_slice %arg4[%mul3A_516] : memref<460800xi32, #tpu.memory_space<hbm>> -> memref<360xi32, #tpu.memory_space<hbm>>
        tpu.enqueue_dma source(%dma_start3A_518 : memref<360xi32, #tpu.memory_space<hbm>>) target(%arg9 : memref<360xi32, #tpu.memory_space<vmem>>) target_semaphore(%arg19 : memref<!tpu.dma_semaphore, #tpu.memory_space<semaphore_mem>>)
      } else {
      }
      %ge3A = arith.constant 2 : i32
      %ge3A_358 = arith.cmpi sge, %mul3A_276, %ge3A : i32
      %sub3A = arith.constant 2 : i32
      %sub3A_359 = arith.subi %mul3A_276, %sub3A : i32
      %mul3A_360 = arith.constant 3200 : i32
      %mul3A_361 = arith.muli %arg1, %mul3A_360 : i32
      %mul3A_362 = arith.constant 40 : i32
      %mul3A_363 = arith.muli %sub3A_359, %mul3A_362 : i32
      %add3A_364 = arith.addi %mul3A_361, %mul3A_363 : i32
      %lt3A_365 = arith.constant 50000 : i32
      %lt3A_366 = arith.cmpi slt, %add3A_364, %lt3A_365 : i32
      %and3A = arith.andi %ge3A_358, %lt3A_366 : i1
      %convert_element_type3A_367 = arith.extui %and3A : i1 to i32
      %cond3A_368 = arith.constant 0 : i32
      %cond3A_369 = arith.cmpi ne, %convert_element_type3A_367, %cond3A_368 : i32
      scf.if %cond3A_369 {
        %sub3A_512 = arith.constant 2 : i32
        %sub3A_513 = arith.subi %mul3A_276, %sub3A_512 : i32
        %mul3A_514 = arith.constant 3200 : i32
        %mul3A_515 = arith.muli %arg1, %mul3A_514 : i32
        %mul3A_516 = arith.constant 40 : i32
        %mul3A_517 = arith.muli %sub3A_513, %mul3A_516 : i32
        %add3A_518 = arith.addi %mul3A_515, %mul3A_517 : i32
        %mul3A_519 = arith.constant 64 : i32
        %mul3A_520 = arith.muli %arg0, %mul3A_519 : i32
        %dma_wait3A_521 = tpu.memref_slice %arg7[%add3A_518, %mul3A_520] : memref<50000x128xf32, #tpu.memory_space<hbm>> -> memref<40x64xf32, #tpu.memory_space<hbm>>
        %dma_wait3A_522 = tpu.memref_slice %arg7[%add3A_518, %mul3A_520] : memref<50000x128xf32, #tpu.memory_space<hbm>> -> memref<40x64xf32, #tpu.memory_space<hbm>>
        tpu.wait_dma2 semaphore(%arg21 : memref<!tpu.dma_semaphore, #tpu.memory_space<semaphore_mem>>) src(%arg13 : memref<40x64xf32, #tpu.memory_space<vmem>>) dst(%dma_wait3A_522 : memref<40x64xf32, #tpu.memory_space<hbm>>)
      } else {
      }
      %scan3A_370 = arith.constant 0 : i32
      %scan3A_371 = arith.constant 0 : i32
      %scan3A_372 = arith.constant 40 : i32
      %scan3A_373 = arith.addi %scan3A_371, %scan3A_372 : i32
      %scan3A_374 = arith.constant 2 : i32
      %scan3A_375 = scf.for %scan3A_512 = %scan3A_371 to %scan3A_373 step %scan3A_374 iter_args(%scan3A_513 = %scan3A_370) -> (i32)  : i32 {
        %add3A_514 = arith.constant 0 : i32
        %add3A_515 = arith.addi %scan3A_513, %add3A_514 : i32
        %get3A_516 = arith.index_cast %add3A_515 : i32 to index
        %get3A_517 = arith.constant 0 : index
        %get3A_518 = tpu.vector_load %arg11[%get3A_516, %get3A_517] {strides = array<i32>} : memref<360x32xi32, #tpu.memory_space<vmem>>, vector<16xi32>,
        %bitcast3A = vector.bitcast %get3A_518 : vector<16xi32> to vector<32xbf16>
        %mul3A_519 = arith.mulf %bitcast3A, %get3A_10 : vector<32xbf16>
        %add3A_520 = arith.constant 1 : i32
        %add3A_521 = arith.addi %scan3A_513, %add3A_520 : i32
        %get3A_522 = arith.index_cast %add3A_521 : i32 to index
        %get3A_523 = arith.constant 0 : index
        %get3A_524 = tpu.vector_load %arg11[%get3A_522, %get3A_523] {strides = array<i32>} : memref<360x32xi32, #tpu.memory_space<vmem>>, vector<16xi32>,
        %bitcast3A_525 = vector.bitcast %get3A_524 : vector<16xi32> to vector<32xbf16>
        %mul3A_526 = arith.mulf %bitcast3A_525, %get3A_18 : vector<32xbf16>
        %add3A_527 = arith.constant 2 : i32
        %add3A_528 = arith.addi %scan3A_513, %add3A_527 : i32
        %get3A_529 = arith.index_cast %add3A_528 : i32 to index
        %get3A_530 = arith.constant 0 : index
        %get3A_531 = tpu.vector_load %arg11[%get3A_529, %get3A_530] {strides = array<i32>} : memref<360x32xi32, #tpu.memory_space<vmem>>, vector<16xi32>,
        %bitcast3A_532 = vector.bitcast %get3A_531 : vector<16xi32> to vector<32xbf16>
        %mul3A_533 = arith.mulf %bitcast3A_532, %get3A_26 : vector<32xbf16>
        %add3A_534 = arith.constant 3 : i32
        %add3A_535 = arith.addi %scan3A_513, %add3A_534 : i32
        %get3A_536 = arith.index_cast %add3A_535 : i32 to index
        %get3A_537 = arith.constant 0 : index
        %get3A_538 = tpu.vector_load %arg11[%get3A_536, %get3A_537] {strides = array<i32>} : memref<360x32xi32, #tpu.memory_space<vmem>>, vector<16xi32>,
        %bitcast3A_539 = vector.bitcast %get3A_538 : vector<16xi32> to vector<32xbf16>
        %mul3A_540 = arith.mulf %bitcast3A_539, %get3A_34 : vector<32xbf16>
        %add3A_541 = arith.constant 4 : i32
        %add3A_542 = arith.addi %scan3A_513, %add3A_541 : i32
        %get3A_543 = arith.index_cast %add3A_542 : i32 to index
        %get3A_544 = arith.constant 0 : index
        %get3A_545 = tpu.vector_load %arg11[%get3A_543, %get3A_544] {strides = array<i32>} : memref<360x32xi32, #tpu.memory_space<vmem>>, vector<16xi32>,
        %bitcast3A_546 = vector.bitcast %get3A_545 : vector<16xi32> to vector<32xbf16>
        %mul3A_547 = arith.mulf %bitcast3A_546, %get3A_42 : vector<32xbf16>
        %add3A_548 = arith.constant 5 : i32
        %add3A_549 = arith.addi %scan3A_513, %add3A_548 : i32
        %get3A_550 = arith.index_cast %add3A_549 : i32 to index
        %get3A_551 = arith.constant 0 : index
        %get3A_552 = tpu.vector_load %arg11[%get3A_550, %get3A_551] {strides = array<i32>} : memref<360x32xi32, #tpu.memory_space<vmem>>, vector<16xi32>,
        %bitcast3A_553 = vector.bitcast %get3A_552 : vector<16xi32> to vector<32xbf16>
        %mul3A_554 = arith.mulf %bitcast3A_553, %get3A_50 : vector<32xbf16>
        %add3A_555 = arith.constant 6 : i32
        %add3A_556 = arith.addi %scan3A_513, %add3A_555 : i32
        %get3A_557 = arith.index_cast %add3A_556 : i32 to index
        %get3A_558 = arith.constant 0 : index
        %get3A_559 = tpu.vector_load %arg11[%get3A_557, %get3A_558] {strides = array<i32>} : memref<360x32xi32, #tpu.memory_space<vmem>>, vector<16xi32>,
        %bitcast3A_560 = vector.bitcast %get3A_559 : vector<16xi32> to vector<32xbf16>
        %mul3A_561 = arith.mulf %bitcast3A_560, %get3A_58 : vector<32xbf16>
        %add3A_562 = arith.constant 7 : i32
        %add3A_563 = arith.addi %scan3A_513, %add3A_562 : i32
        %get3A_564 = arith.index_cast %add3A_563 : i32 to index
        %get3A_565 = arith.constant 0 : index
        %get3A_566 = tpu.vector_load %arg11[%get3A_564, %get3A_565] {strides = array<i32>} : memref<360x32xi32, #tpu.memory_space<vmem>>, vector<16xi32>,
        %bitcast3A_567 = vector.bitcast %get3A_566 : vector<16xi32> to vector<32xbf16>
        %mul3A_568 = arith.mulf %bitcast3A_567, %get3A_66 : vector<32xbf16>
        %add3A_569 = arith.constant 8 : i32
        %add3A_570 = arith.addi %scan3A_513, %add3A_569 : i32
        %get3A_571 = arith.index_cast %add3A_570 : i32 to index
        %get3A_572 = arith.constant 0 : index
        %get3A_573 = tpu.vector_load %arg11[%get3A_571, %get3A_572] {strides = array<i32>} : memref<360x32xi32, #tpu.memory_space<vmem>>, vector<16xi32>,
        %bitcast3A_574 = vector.bitcast %get3A_573 : vector<16xi32> to vector<32xbf16>
        %mul3A_575 = arith.mulf %bitcast3A_574, %get3A_74 : vector<32xbf16>
        %add3A_576 = arith.addf %mul3A_519, %mul3A_526 : vector<32xbf16>
        %add3A_577 = arith.addf %mul3A_533, %mul3A_540 : vector<32xbf16>
        %add3A_578 = arith.addf %mul3A_547, %mul3A_554 : vector<32xbf16>
        %add3A_579 = arith.addf %mul3A_561, %mul3A_568 : vector<32xbf16>
        %add3A_580 = arith.addf %mul3A_575, %get3A_82 : vector<32xbf16>
        %add3A_581 = arith.addf %add3A_576, %add3A_577 : vector<32xbf16>
        %add3A_582 = arith.addf %add3A_578, %add3A_579 : vector<32xbf16>
        %add3A_583 = arith.addf %add3A_581, %add3A_582 : vector<32xbf16>
        %add3A_584 = arith.addf %add3A_583, %add3A_580 : vector<32xbf16>
        %unpack3A = tpu.unpack_subelements %add3A_584, 0 {pack_format = #tpu.pack_format<interleaved>} : vector<32xbf16> -> vector<16xf32>
        %unpack3A_585 = tpu.unpack_subelements %add3A_584, 1 {pack_format = #tpu.pack_format<interleaved>} : vector<32xbf16> -> vector<16xf32>
        %swap3A = arith.index_cast %scan3A_512 : i32 to index
        %swap3A_586 = arith.constant 0 : index
        %swap3A_587 = tpu.vector_load %arg13[%swap3A, %swap3A_586] {strides = array<i32>} : memref<40x64xf32, #tpu.memory_space<vmem>>, vector<16xf32>,
        tpu.vector_store %arg13[%swap3A, %swap3A_586], %unpack3A {strides = array<i32>} : memref<40x64xf32, #tpu.memory_space<vmem>>, vector<16xf32>,
        %swap3A_588 = arith.index_cast %scan3A_512 : i32 to index
        %swap3A_589 = arith.constant 32 : index
        %swap3A_590 = tpu.vector_load %arg13[%swap3A_588, %swap3A_589] {strides = array<i32>} : memref<40x64xf32, #tpu.memory_space<vmem>>, vector<16xf32>,
        tpu.vector_store %arg13[%swap3A_588, %swap3A_589], %unpack3A_585 {strides = array<i32>} : memref<40x64xf32, #tpu.memory_space<vmem>>, vector<16xf32>,
        %add3A_591 = arith.constant 0 : i32
        %add3A_592 = arith.addi %scan3A_513, %add3A_591 : i32
        %get3A_593 = arith.index_cast %add3A_592 : i32 to index
        %get3A_594 = arith.constant 16 : index
        %get3A_595 = tpu.vector_load %arg11[%get3A_593, %get3A_594] {strides = array<i32>} : memref<360x32xi32, #tpu.memory_space<vmem>>, vector<16xi32>,
        %bitcast3A_596 = vector.bitcast %get3A_595 : vector<16xi32> to vector<32xbf16>
        %mul3A_597 = arith.mulf %bitcast3A_596, %get3A_14 : vector<32xbf16>
        %add3A_598 = arith.constant 1 : i32
        %add3A_599 = arith.addi %scan3A_513, %add3A_598 : i32
        %get3A_600 = arith.index_cast %add3A_599 : i32 to index
        %get3A_601 = arith.constant 16 : index
        %get3A_602 = tpu.vector_load %arg11[%get3A_600, %get3A_601] {strides = array<i32>} : memref<360x32xi32, #tpu.memory_space<vmem>>, vector<16xi32>,
        %bitcast3A_603 = vector.bitcast %get3A_602 : vector<16xi32> to vector<32xbf16>
        %mul3A_604 = arith.mulf %bitcast3A_603, %get3A_22 : vector<32xbf16>
        %add3A_605 = arith.constant 2 : i32
        %add3A_606 = arith.addi %scan3A_513, %add3A_605 : i32
        %get3A_607 = arith.index_cast %add3A_606 : i32 to index
        %get3A_608 = arith.constant 16 : index
        %get3A_609 = tpu.vector_load %arg11[%get3A_607, %get3A_608] {strides = array<i32>} : memref<360x32xi32, #tpu.memory_space<vmem>>, vector<16xi32>,
        %bitcast3A_610 = vector.bitcast %get3A_609 : vector<16xi32> to vector<32xbf16>
        %mul3A_611 = arith.mulf %bitcast3A_610, %get3A_30 : vector<32xbf16>
        %add3A_612 = arith.constant 3 : i32
        %add3A_613 = arith.addi %scan3A_513, %add3A_612 : i32
        %get3A_614 = arith.index_cast %add3A_613 : i32 to index
        %get3A_615 = arith.constant 16 : index
        %get3A_616 = tpu.vector_load %arg11[%get3A_614, %get3A_615] {strides = array<i32>} : memref<360x32xi32, #tpu.memory_space<vmem>>, vector<16xi32>,
        %bitcast3A_617 = vector.bitcast %get3A_616 : vector<16xi32> to vector<32xbf16>
        %mul3A_618 = arith.mulf %bitcast3A_617, %get3A_38 : vector<32xbf16>
        %add3A_619 = arith.constant 4 : i32
        %add3A_620 = arith.addi %scan3A_513, %add3A_619 : i32
        %get3A_621 = arith.index_cast %add3A_620 : i32 to index
        %get3A_622 = arith.constant 16 : index
        %get3A_623 = tpu.vector_load %arg11[%get3A_621, %get3A_622] {strides = array<i32>} : memref<360x32xi32, #tpu.memory_space<vmem>>, vector<16xi32>,
        %bitcast3A_624 = vector.bitcast %get3A_623 : vector<16xi32> to vector<32xbf16>
        %mul3A_625 = arith.mulf %bitcast3A_624, %get3A_46 : vector<32xbf16>
        %add3A_626 = arith.constant 5 : i32
        %add3A_627 = arith.addi %scan3A_513, %add3A_626 : i32
        %get3A_628 = arith.index_cast %add3A_627 : i32 to index
        %get3A_629 = arith.constant 16 : index
        %get3A_630 = tpu.vector_load %arg11[%get3A_628, %get3A_629] {strides = array<i32>} : memref<360x32xi32, #tpu.memory_space<vmem>>, vector<16xi32>,
        %bitcast3A_631 = vector.bitcast %get3A_630 : vector<16xi32> to vector<32xbf16>
        %mul3A_632 = arith.mulf %bitcast3A_631, %get3A_54 : vector<32xbf16>
        %add3A_633 = arith.constant 6 : i32
        %add3A_634 = arith.addi %scan3A_513, %add3A_633 : i32
        %get3A_635 = arith.index_cast %add3A_634 : i32 to index
        %get3A_636 = arith.constant 16 : index
        %get3A_637 = tpu.vector_load %arg11[%get3A_635, %get3A_636] {strides = array<i32>} : memref<360x32xi32, #tpu.memory_space<vmem>>, vector<16xi32>,
        %bitcast3A_638 = vector.bitcast %get3A_637 : vector<16xi32> to vector<32xbf16>
        %mul3A_639 = arith.mulf %bitcast3A_638, %get3A_62 : vector<32xbf16>
        %add3A_640 = arith.constant 7 : i32
        %add3A_641 = arith.addi %scan3A_513, %add3A_640 : i32
        %get3A_642 = arith.index_cast %add3A_641 : i32 to index
        %get3A_643 = arith.constant 16 : index
        %get3A_644 = tpu.vector_load %arg11[%get3A_642, %get3A_643] {strides = array<i32>} : memref<360x32xi32, #tpu.memory_space<vmem>>, vector<16xi32>,
        %bitcast3A_645 = vector.bitcast %get3A_644 : vector<16xi32> to vector<32xbf16>
        %mul3A_646 = arith.mulf %bitcast3A_645, %get3A_70 : vector<32xbf16>
        %add3A_647 = arith.constant 8 : i32
        %add3A_648 = arith.addi %scan3A_513, %add3A_647 : i32
        %get3A_649 = arith.index_cast %add3A_648 : i32 to index
        %get3A_650 = arith.constant 16 : index
        %get3A_651 = tpu.vector_load %arg11[%get3A_649, %get3A_650] {strides = array<i32>} : memref<360x32xi32, #tpu.memory_space<vmem>>, vector<16xi32>,
        %bitcast3A_652 = vector.bitcast %get3A_651 : vector<16xi32> to vector<32xbf16>
        %mul3A_653 = arith.mulf %bitcast3A_652, %get3A_78 : vector<32xbf16>
        %add3A_654 = arith.addf %mul3A_597, %mul3A_604 : vector<32xbf16>
        %add3A_655 = arith.addf %mul3A_611, %mul3A_618 : vector<32xbf16>
        %add3A_656 = arith.addf %mul3A_625, %mul3A_632 : vector<32xbf16>
        %add3A_657 = arith.addf %mul3A_639, %mul3A_646 : vector<32xbf16>
        %add3A_658 = arith.addf %mul3A_653, %get3A_86 : vector<32xbf16>
        %add3A_659 = arith.addf %add3A_654, %add3A_655 : vector<32xbf16>
        %add3A_660 = arith.addf %add3A_656, %add3A_657 : vector<32xbf16>
        %add3A_661 = arith.addf %add3A_659, %add3A_660 : vector<32xbf16>
        %add3A_662 = arith.addf %add3A_661, %add3A_658 : vector<32xbf16>
        %unpack3A_663 = tpu.unpack_subelements %add3A_662, 0 {pack_format = #tpu.pack_format<interleaved>} : vector<32xbf16> -> vector<16xf32>
        %unpack3A_664 = tpu.unpack_subelements %add3A_662, 1 {pack_format = #tpu.pack_format<interleaved>} : vector<32xbf16> -> vector<16xf32>
        %swap3A_665 = arith.index_cast %scan3A_512 : i32 to index
        %swap3A_666 = arith.constant 16 : index
        %swap3A_667 = tpu.vector_load %arg13[%swap3A_665, %swap3A_666] {strides = array<i32>} : memref<40x64xf32, #tpu.memory_space<vmem>>, vector<16xf32>,
        tpu.vector_store %arg13[%swap3A_665, %swap3A_666], %unpack3A_663 {strides = array<i32>} : memref<40x64xf32, #tpu.memory_space<vmem>>, vector<16xf32>,
        %swap3A_668 = arith.index_cast %scan3A_512 : i32 to index
        %swap3A_669 = arith.constant 48 : index
        %swap3A_670 = tpu.vector_load %arg13[%swap3A_668, %swap3A_669] {strides = array<i32>} : memref<40x64xf32, #tpu.memory_space<vmem>>, vector<16xf32>,
        tpu.vector_store %arg13[%swap3A_668, %swap3A_669], %unpack3A_664 {strides = array<i32>} : memref<40x64xf32, #tpu.memory_space<vmem>>, vector<16xf32>,
        %add3A_671 = arith.constant 9 : i32
        %add3A_672 = arith.addi %scan3A_513, %add3A_671 : i32
        %scan3A_673 = arith.constant 1 : i32
        %scan3A_674 = arith.addi %scan3A_512, %scan3A_673 : i32
        %add3A_675 = arith.constant 0 : i32
        %add3A_676 = arith.addi %add3A_672, %add3A_675 : i32
        %get3A_677 = arith.index_cast %add3A_676 : i32 to index
        %get3A_678 = arith.constant 0 : index
        %get3A_679 = tpu.vector_load %arg11[%get3A_677, %get3A_678] {strides = array<i32>} : memref<360x32xi32, #tpu.memory_space<vmem>>, vector<16xi32>,
        %bitcast3A_680 = vector.bitcast %get3A_679 : vector<16xi32> to vector<32xbf16>
        %mul3A_681 = arith.mulf %bitcast3A_680, %get3A_10 : vector<32xbf16>
        %add3A_682 = arith.constant 1 : i32
        %add3A_683 = arith.addi %add3A_672, %add3A_682 : i32
        %get3A_684 = arith.index_cast %add3A_683 : i32 to index
        %get3A_685 = arith.constant 0 : index
        %get3A_686 = tpu.vector_load %arg11[%get3A_684, %get3A_685] {strides = array<i32>} : memref<360x32xi32, #tpu.memory_space<vmem>>, vector<16xi32>,
        %bitcast3A_687 = vector.bitcast %get3A_686 : vector<16xi32> to vector<32xbf16>
        %mul3A_688 = arith.mulf %bitcast3A_687, %get3A_18 : vector<32xbf16>
        %add3A_689 = arith.constant 2 : i32
        %add3A_690 = arith.addi %add3A_672, %add3A_689 : i32
        %get3A_691 = arith.index_cast %add3A_690 : i32 to index
        %get3A_692 = arith.constant 0 : index
        %get3A_693 = tpu.vector_load %arg11[%get3A_691, %get3A_692] {strides = array<i32>} : memref<360x32xi32, #tpu.memory_space<vmem>>, vector<16xi32>,
        %bitcast3A_694 = vector.bitcast %get3A_693 : vector<16xi32> to vector<32xbf16>
        %mul3A_695 = arith.mulf %bitcast3A_694, %get3A_26 : vector<32xbf16>
        %add3A_696 = arith.constant 3 : i32
        %add3A_697 = arith.addi %add3A_672, %add3A_696 : i32
        %get3A_698 = arith.index_cast %add3A_697 : i32 to index
        %get3A_699 = arith.constant 0 : index
        %get3A_700 = tpu.vector_load %arg11[%get3A_698, %get3A_699] {strides = array<i32>} : memref<360x32xi32, #tpu.memory_space<vmem>>, vector<16xi32>,
        %bitcast3A_701 = vector.bitcast %get3A_700 : vector<16xi32> to vector<32xbf16>
        %mul3A_702 = arith.mulf %bitcast3A_701, %get3A_34 : vector<32xbf16>
        %add3A_703 = arith.constant 4 : i32
        %add3A_704 = arith.addi %add3A_672, %add3A_703 : i32
        %get3A_705 = arith.index_cast %add3A_704 : i32 to index
        %get3A_706 = arith.constant 0 : index
        %get3A_707 = tpu.vector_load %arg11[%get3A_705, %get3A_706] {strides = array<i32>} : memref<360x32xi32, #tpu.memory_space<vmem>>, vector<16xi32>,
        %bitcast3A_708 = vector.bitcast %get3A_707 : vector<16xi32> to vector<32xbf16>
        %mul3A_709 = arith.mulf %bitcast3A_708, %get3A_42 : vector<32xbf16>
        %add3A_710 = arith.constant 5 : i32
        %add3A_711 = arith.addi %add3A_672, %add3A_710 : i32
        %get3A_712 = arith.index_cast %add3A_711 : i32 to index
        %get3A_713 = arith.constant 0 : index
        %get3A_714 = tpu.vector_load %arg11[%get3A_712, %get3A_713] {strides = array<i32>} : memref<360x32xi32, #tpu.memory_space<vmem>>, vector<16xi32>,
        %bitcast3A_715 = vector.bitcast %get3A_714 : vector<16xi32> to vector<32xbf16>
        %mul3A_716 = arith.mulf %bitcast3A_715, %get3A_50 : vector<32xbf16>
        %add3A_717 = arith.constant 6 : i32
        %add3A_718 = arith.addi %add3A_672, %add3A_717 : i32
        %get3A_719 = arith.index_cast %add3A_718 : i32 to index
        %get3A_720 = arith.constant 0 : index
        %get3A_721 = tpu.vector_load %arg11[%get3A_719, %get3A_720] {strides = array<i32>} : memref<360x32xi32, #tpu.memory_space<vmem>>, vector<16xi32>,
        %bitcast3A_722 = vector.bitcast %get3A_721 : vector<16xi32> to vector<32xbf16>
        %mul3A_723 = arith.mulf %bitcast3A_722, %get3A_58 : vector<32xbf16>
        %add3A_724 = arith.constant 7 : i32
        %add3A_725 = arith.addi %add3A_672, %add3A_724 : i32
        %get3A_726 = arith.index_cast %add3A_725 : i32 to index
        %get3A_727 = arith.constant 0 : index
        %get3A_728 = tpu.vector_load %arg11[%get3A_726, %get3A_727] {strides = array<i32>} : memref<360x32xi32, #tpu.memory_space<vmem>>, vector<16xi32>,
        %bitcast3A_729 = vector.bitcast %get3A_728 : vector<16xi32> to vector<32xbf16>
        %mul3A_730 = arith.mulf %bitcast3A_729, %get3A_66 : vector<32xbf16>
        %add3A_731 = arith.constant 8 : i32
        %add3A_732 = arith.addi %add3A_672, %add3A_731 : i32
        %get3A_733 = arith.index_cast %add3A_732 : i32 to index
        %get3A_734 = arith.constant 0 : index
        %get3A_735 = tpu.vector_load %arg11[%get3A_733, %get3A_734] {strides = array<i32>} : memref<360x32xi32, #tpu.memory_space<vmem>>, vector<16xi32>,
        %bitcast3A_736 = vector.bitcast %get3A_735 : vector<16xi32> to vector<32xbf16>
        %mul3A_737 = arith.mulf %bitcast3A_736, %get3A_74 : vector<32xbf16>
        %add3A_738 = arith.addf %mul3A_681, %mul3A_688 : vector<32xbf16>
        %add3A_739 = arith.addf %mul3A_695, %mul3A_702 : vector<32xbf16>
        %add3A_740 = arith.addf %mul3A_709, %mul3A_716 : vector<32xbf16>
        %add3A_741 = arith.addf %mul3A_723, %mul3A_730 : vector<32xbf16>
        %add3A_742 = arith.addf %mul3A_737, %get3A_82 : vector<32xbf16>
        %add3A_743 = arith.addf %add3A_738, %add3A_739 : vector<32xbf16>
        %add3A_744 = arith.addf %add3A_740, %add3A_741 : vector<32xbf16>
        %add3A_745 = arith.addf %add3A_743, %add3A_744 : vector<32xbf16>
        %add3A_746 = arith.addf %add3A_745, %add3A_742 : vector<32xbf16>
        %unpack3A_747 = tpu.unpack_subelements %add3A_746, 0 {pack_format = #tpu.pack_format<interleaved>} : vector<32xbf16> -> vector<16xf32>
        %unpack3A_748 = tpu.unpack_subelements %add3A_746, 1 {pack_format = #tpu.pack_format<interleaved>} : vector<32xbf16> -> vector<16xf32>
        %swap3A_749 = arith.index_cast %scan3A_674 : i32 to index
        %swap3A_750 = arith.constant 0 : index
        %swap3A_751 = tpu.vector_load %arg13[%swap3A_749, %swap3A_750] {strides = array<i32>} : memref<40x64xf32, #tpu.memory_space<vmem>>, vector<16xf32>,
        tpu.vector_store %arg13[%swap3A_749, %swap3A_750], %unpack3A_747 {strides = array<i32>} : memref<40x64xf32, #tpu.memory_space<vmem>>, vector<16xf32>,
        %swap3A_752 = arith.index_cast %scan3A_674 : i32 to index
        %swap3A_753 = arith.constant 32 : index
        %swap3A_754 = tpu.vector_load %arg13[%swap3A_752, %swap3A_753] {strides = array<i32>} : memref<40x64xf32, #tpu.memory_space<vmem>>, vector<16xf32>,
        tpu.vector_store %arg13[%swap3A_752, %swap3A_753], %unpack3A_748 {strides = array<i32>} : memref<40x64xf32, #tpu.memory_space<vmem>>, vector<16xf32>,
        %add3A_755 = arith.constant 0 : i32
        %add3A_756 = arith.addi %add3A_672, %add3A_755 : i32
        %get3A_757 = arith.index_cast %add3A_756 : i32 to index
        %get3A_758 = arith.constant 16 : index
        %get3A_759 = tpu.vector_load %arg11[%get3A_757, %get3A_758] {strides = array<i32>} : memref<360x32xi32, #tpu.memory_space<vmem>>, vector<16xi32>,
        %bitcast3A_760 = vector.bitcast %get3A_759 : vector<16xi32> to vector<32xbf16>
        %mul3A_761 = arith.mulf %bitcast3A_760, %get3A_14 : vector<32xbf16>
        %add3A_762 = arith.constant 1 : i32
        %add3A_763 = arith.addi %add3A_672, %add3A_762 : i32
        %get3A_764 = arith.index_cast %add3A_763 : i32 to index
        %get3A_765 = arith.constant 16 : index
        %get3A_766 = tpu.vector_load %arg11[%get3A_764, %get3A_765] {strides = array<i32>} : memref<360x32xi32, #tpu.memory_space<vmem>>, vector<16xi32>,
        %bitcast3A_767 = vector.bitcast %get3A_766 : vector<16xi32> to vector<32xbf16>
        %mul3A_768 = arith.mulf %bitcast3A_767, %get3A_22 : vector<32xbf16>
        %add3A_769 = arith.constant 2 : i32
        %add3A_770 = arith.addi %add3A_672, %add3A_769 : i32
        %get3A_771 = arith.index_cast %add3A_770 : i32 to index
        %get3A_772 = arith.constant 16 : index
        %get3A_773 = tpu.vector_load %arg11[%get3A_771, %get3A_772] {strides = array<i32>} : memref<360x32xi32, #tpu.memory_space<vmem>>, vector<16xi32>,
        %bitcast3A_774 = vector.bitcast %get3A_773 : vector<16xi32> to vector<32xbf16>
        %mul3A_775 = arith.mulf %bitcast3A_774, %get3A_30 : vector<32xbf16>
        %add3A_776 = arith.constant 3 : i32
        %add3A_777 = arith.addi %add3A_672, %add3A_776 : i32
        %get3A_778 = arith.index_cast %add3A_777 : i32 to index
        %get3A_779 = arith.constant 16 : index
        %get3A_780 = tpu.vector_load %arg11[%get3A_778, %get3A_779] {strides = array<i32>} : memref<360x32xi32, #tpu.memory_space<vmem>>, vector<16xi32>,
        %bitcast3A_781 = vector.bitcast %get3A_780 : vector<16xi32> to vector<32xbf16>
        %mul3A_782 = arith.mulf %bitcast3A_781, %get3A_38 : vector<32xbf16>
        %add3A_783 = arith.constant 4 : i32
        %add3A_784 = arith.addi %add3A_672, %add3A_783 : i32
        %get3A_785 = arith.index_cast %add3A_784 : i32 to index
        %get3A_786 = arith.constant 16 : index
        %get3A_787 = tpu.vector_load %arg11[%get3A_785, %get3A_786] {strides = array<i32>} : memref<360x32xi32, #tpu.memory_space<vmem>>, vector<16xi32>,
        %bitcast3A_788 = vector.bitcast %get3A_787 : vector<16xi32> to vector<32xbf16>
        %mul3A_789 = arith.mulf %bitcast3A_788, %get3A_46 : vector<32xbf16>
        %add3A_790 = arith.constant 5 : i32
        %add3A_791 = arith.addi %add3A_672, %add3A_790 : i32
        %get3A_792 = arith.index_cast %add3A_791 : i32 to index
        %get3A_793 = arith.constant 16 : index
        %get3A_794 = tpu.vector_load %arg11[%get3A_792, %get3A_793] {strides = array<i32>} : memref<360x32xi32, #tpu.memory_space<vmem>>, vector<16xi32>,
        %bitcast3A_795 = vector.bitcast %get3A_794 : vector<16xi32> to vector<32xbf16>
        %mul3A_796 = arith.mulf %bitcast3A_795, %get3A_54 : vector<32xbf16>
        %add3A_797 = arith.constant 6 : i32
        %add3A_798 = arith.addi %add3A_672, %add3A_797 : i32
        %get3A_799 = arith.index_cast %add3A_798 : i32 to index
        %get3A_800 = arith.constant 16 : index
        %get3A_801 = tpu.vector_load %arg11[%get3A_799, %get3A_800] {strides = array<i32>} : memref<360x32xi32, #tpu.memory_space<vmem>>, vector<16xi32>,
        %bitcast3A_802 = vector.bitcast %get3A_801 : vector<16xi32> to vector<32xbf16>
        %mul3A_803 = arith.mulf %bitcast3A_802, %get3A_62 : vector<32xbf16>
        %add3A_804 = arith.constant 7 : i32
        %add3A_805 = arith.addi %add3A_672, %add3A_804 : i32
        %get3A_806 = arith.index_cast %add3A_805 : i32 to index
        %get3A_807 = arith.constant 16 : index
        %get3A_808 = tpu.vector_load %arg11[%get3A_806, %get3A_807] {strides = array<i32>} : memref<360x32xi32, #tpu.memory_space<vmem>>, vector<16xi32>,
        %bitcast3A_809 = vector.bitcast %get3A_808 : vector<16xi32> to vector<32xbf16>
        %mul3A_810 = arith.mulf %bitcast3A_809, %get3A_70 : vector<32xbf16>
        %add3A_811 = arith.constant 8 : i32
        %add3A_812 = arith.addi %add3A_672, %add3A_811 : i32
        %get3A_813 = arith.index_cast %add3A_812 : i32 to index
        %get3A_814 = arith.constant 16 : index
        %get3A_815 = tpu.vector_load %arg11[%get3A_813, %get3A_814] {strides = array<i32>} : memref<360x32xi32, #tpu.memory_space<vmem>>, vector<16xi32>,
        %bitcast3A_816 = vector.bitcast %get3A_815 : vector<16xi32> to vector<32xbf16>
        %mul3A_817 = arith.mulf %bitcast3A_816, %get3A_78 : vector<32xbf16>
        %add3A_818 = arith.addf %mul3A_761, %mul3A_768 : vector<32xbf16>
        %add3A_819 = arith.addf %mul3A_775, %mul3A_782 : vector<32xbf16>
        %add3A_820 = arith.addf %mul3A_789, %mul3A_796 : vector<32xbf16>
        %add3A_821 = arith.addf %mul3A_803, %mul3A_810 : vector<32xbf16>
        %add3A_822 = arith.addf %mul3A_817, %get3A_86 : vector<32xbf16>
        %add3A_823 = arith.addf %add3A_818, %add3A_819 : vector<32xbf16>
        %add3A_824 = arith.addf %add3A_820, %add3A_821 : vector<32xbf16>
        %add3A_825 = arith.addf %add3A_823, %add3A_824 : vector<32xbf16>
        %add3A_826 = arith.addf %add3A_825, %add3A_822 : vector<32xbf16>
        %unpack3A_827 = tpu.unpack_subelements %add3A_826, 0 {pack_format = #tpu.pack_format<interleaved>} : vector<32xbf16> -> vector<16xf32>
        %unpack3A_828 = tpu.unpack_subelements %add3A_826, 1 {pack_format = #tpu.pack_format<interleaved>} : vector<32xbf16> -> vector<16xf32>
        %swap3A_829 = arith.index_cast %scan3A_674 : i32 to index
        %swap3A_830 = arith.constant 16 : index
        %swap3A_831 = tpu.vector_load %arg13[%swap3A_829, %swap3A_830] {strides = array<i32>} : memref<40x64xf32, #tpu.memory_space<vmem>>, vector<16xf32>,
        tpu.vector_store %arg13[%swap3A_829, %swap3A_830], %unpack3A_827 {strides = array<i32>} : memref<40x64xf32, #tpu.memory_space<vmem>>, vector<16xf32>,
        %swap3A_832 = arith.index_cast %scan3A_674 : i32 to index
        %swap3A_833 = arith.constant 48 : index
        %swap3A_834 = tpu.vector_load %arg13[%swap3A_832, %swap3A_833] {strides = array<i32>} : memref<40x64xf32, #tpu.memory_space<vmem>>, vector<16xf32>,
        tpu.vector_store %arg13[%swap3A_832, %swap3A_833], %unpack3A_828 {strides = array<i32>} : memref<40x64xf32, #tpu.memory_space<vmem>>, vector<16xf32>,
        %add3A_835 = arith.constant 9 : i32
        %add3A_836 = arith.addi %add3A_672, %add3A_835 : i32
        scf.yield %add3A_836 : i32
      }
      %scan3A_376 = arith.constant 40 : i32
      %mul3A_377 = arith.constant 3200 : i32
      %mul3A_378 = arith.muli %arg1, %mul3A_377 : i32
      %mul3A_379 = arith.constant 40 : i32
      %mul3A_380 = arith.muli %mul3A_276, %mul3A_379 : i32
      %add3A_381 = arith.addi %mul3A_378, %mul3A_380 : i32
      %lt3A_382 = arith.constant 50000 : i32
      %lt3A_383 = arith.cmpi slt, %add3A_381, %lt3A_382 : i32
      %convert_element_type3A_384 = arith.extui %lt3A_383 : i1 to i32
      %cond3A_385 = arith.constant 0 : i32
      %cond3A_386 = arith.cmpi ne, %convert_element_type3A_384, %cond3A_385 : i32
      scf.if %cond3A_386 {
        %mul3A_512 = arith.constant 3200 : i32
        %mul3A_513 = arith.muli %arg1, %mul3A_512 : i32
        %mul3A_514 = arith.constant 40 : i32
        %mul3A_515 = arith.muli %mul3A_276, %mul3A_514 : i32
        %add3A_516 = arith.addi %mul3A_513, %mul3A_515 : i32
        %mul3A_517 = arith.constant 64 : i32
        %mul3A_518 = arith.muli %arg0, %mul3A_517 : i32
        %dma_start3A_519 = tpu.memref_slice %arg7[%add3A_516, %mul3A_518] : memref<50000x128xf32, #tpu.memory_space<hbm>> -> memref<40x64xf32, #tpu.memory_space<hbm>>
        %dma_start3A_520 = tpu.memref_slice %arg7[%add3A_516, %mul3A_518] : memref<50000x128xf32, #tpu.memory_space<hbm>> -> memref<40x64xf32, #tpu.memory_space<hbm>>
        tpu.enqueue_dma source(%arg13 : memref<40x64xf32, #tpu.memory_space<vmem>>) target(%dma_start3A_520 : memref<40x64xf32, #tpu.memory_space<hbm>>) target_semaphore(%arg21 : memref<!tpu.dma_semaphore, #tpu.memory_space<semaphore_mem>>)
      } else {
      }
      %add3A_387 = arith.constant 2 : i32
      %add3A_388 = arith.addi %mul3A_276, %add3A_387 : i32
      %lt3A_389 = arith.constant 80 : i32
      %lt3A_390 = arith.cmpi slt, %add3A_388, %lt3A_389 : i32
      %convert_element_type3A_391 = arith.extui %lt3A_390 : i1 to i32
      %cond3A_392 = arith.constant 0 : i32
      %cond3A_393 = arith.cmpi ne, %convert_element_type3A_391, %cond3A_392 : i32
      scf.if %cond3A_393 {
        %add3A_512 = arith.constant 2 : i32
        %add3A_513 = arith.addi %mul3A_276, %add3A_512 : i32
        %add3A_514 = arith.addi %mul3A_7, %add3A_513 : i32
        %mul3A_515 = arith.constant 360 : i32
        %mul3A_516 = arith.muli %add3A_514, %mul3A_515 : i32
        %dma_wait3A_517 = tpu.memref_slice %arg4[%mul3A_516] : memref<460800xi32, #tpu.memory_space<hbm>> -> memref<360xi32, #tpu.memory_space<hbm>>
        %dma_wait3A_518 = tpu.memref_slice %arg4[%mul3A_516] : memref<460800xi32, #tpu.memory_space<hbm>> -> memref<360xi32, #tpu.memory_space<hbm>>
        tpu.wait_dma2 semaphore(%arg19 : memref<!tpu.dma_semaphore, #tpu.memory_space<semaphore_mem>>) src(%dma_wait3A_518 : memref<360xi32, #tpu.memory_space<hbm>>) dst(%arg9 : memref<360xi32, #tpu.memory_space<vmem>>)
        %dma_start3A_519 = arith.constant 0 : i32
        %dma_start3A_520 = arith.constant 0 : i32
        %dma_start3A_521 = tpu.memref_slice %arg11[%dma_start3A_519, %dma_start3A_520] : memref<360x32xi32, #tpu.memory_space<vmem>> -> memref<40x32xi32, #tpu.memory_space<vmem>>
        %dma_start3A_522 = arith.constant 0 : i32
        %dma_start3A_523 = tpu.memref_slice %arg9[%dma_start3A_522] : memref<360xi32, #tpu.memory_space<vmem>> -> memref<40xi32, #tpu.memory_space<vmem>>
        %dma_start3A_524 = arith.constant 0 : i32
        %dma_start3A_525 = arith.constant 0 : i32
        %dma_start3A_526 = tpu.memref_slice %arg8[%dma_start3A_524, %dma_start3A_525] : memref<50048x32xi32, #tpu.memory_space<vmem_shared>> -> memref<50048x32xi32, #tpu.memory_space<vmem_shared>>
        tpu.enqueue_indirect_dma source(%dma_start3A_526 : memref<50048x32xi32, #tpu.memory_space<vmem_shared>>) target(%dma_start3A_521 : memref<40x32xi32, #tpu.memory_space<vmem>>) offsets(%dma_start3A_523 : memref<40xi32, #tpu.memory_space<vmem>>) semaphore(%arg17 : memref<!tpu.dma_semaphore, #tpu.memory_space<semaphore_mem>>)
        %dma_start3A_527 = arith.constant 40 : i32
        %dma_start3A_528 = arith.constant 0 : i32
        %dma_start3A_529 = tpu.memref_slice %arg11[%dma_start3A_527, %dma_start3A_528] : memref<360x32xi32, #tpu.memory_space<vmem>> -> memref<40x32xi32, #tpu.memory_space<vmem>>
        %dma_start3A_530 = arith.constant 40 : i32
        %dma_start3A_531 = tpu.memref_slice %arg9[%dma_start3A_530] : memref<360xi32, #tpu.memory_space<vmem>> -> memref<40xi32, #tpu.memory_space<vmem>>
        %dma_start3A_532 = arith.constant 0 : i32
        %dma_start3A_533 = arith.constant 0 : i32
        %dma_start3A_534 = tpu.memref_slice %arg8[%dma_start3A_532, %dma_start3A_533] : memref<50048x32xi32, #tpu.memory_space<vmem_shared>> -> memref<50048x32xi32, #tpu.memory_space<vmem_shared>>
        tpu.enqueue_indirect_dma source(%dma_start3A_534 : memref<50048x32xi32, #tpu.memory_space<vmem_shared>>) target(%dma_start3A_529 : memref<40x32xi32, #tpu.memory_space<vmem>>) offsets(%dma_start3A_531 : memref<40xi32, #tpu.memory_space<vmem>>) semaphore(%arg17 : memref<!tpu.dma_semaphore, #tpu.memory_space<semaphore_mem>>)
        %dma_start3A_535 = arith.constant 80 : i32
        %dma_start3A_536 = arith.constant 0 : i32
        %dma_start3A_537 = tpu.memref_slice %arg11[%dma_start3A_535, %dma_start3A_536] : memref<360x32xi32, #tpu.memory_space<vmem>> -> memref<40x32xi32, #tpu.memory_space<vmem>>
        %dma_start3A_538 = arith.constant 80 : i32
        %dma_start3A_539 = tpu.memref_slice %arg9[%dma_start3A_538] : memref<360xi32, #tpu.memory_space<vmem>> -> memref<40xi32, #tpu.memory_space<vmem>>
        %dma_start3A_540 = arith.constant 0 : i32
        %dma_start3A_541 = arith.constant 0 : i32
        %dma_start3A_542 = tpu.memref_slice %arg8[%dma_start3A_540, %dma_start3A_541] : memref<50048x32xi32, #tpu.memory_space<vmem_shared>> -> memref<50048x32xi32, #tpu.memory_space<vmem_shared>>
        tpu.enqueue_indirect_dma source(%dma_start3A_542 : memref<50048x32xi32, #tpu.memory_space<vmem_shared>>) target(%dma_start3A_537 : memref<40x32xi32, #tpu.memory_space<vmem>>) offsets(%dma_start3A_539 : memref<40xi32, #tpu.memory_space<vmem>>) semaphore(%arg17 : memref<!tpu.dma_semaphore, #tpu.memory_space<semaphore_mem>>)
        %dma_start3A_543 = arith.constant 120 : i32
        %dma_start3A_544 = arith.constant 0 : i32
        %dma_start3A_545 = tpu.memref_slice %arg11[%dma_start3A_543, %dma_start3A_544] : memref<360x32xi32, #tpu.memory_space<vmem>> -> memref<40x32xi32, #tpu.memory_space<vmem>>
        %dma_start3A_546 = arith.constant 120 : i32
        %dma_start3A_547 = tpu.memref_slice %arg9[%dma_start3A_546] : memref<360xi32, #tpu.memory_space<vmem>> -> memref<40xi32, #tpu.memory_space<vmem>>
        %dma_start3A_548 = arith.constant 0 : i32
        %dma_start3A_549 = arith.constant 0 : i32
        %dma_start3A_550 = tpu.memref_slice %arg8[%dma_start3A_548, %dma_start3A_549] : memref<50048x32xi32, #tpu.memory_space<vmem_shared>> -> memref<50048x32xi32, #tpu.memory_space<vmem_shared>>
        tpu.enqueue_indirect_dma source(%dma_start3A_550 : memref<50048x32xi32, #tpu.memory_space<vmem_shared>>) target(%dma_start3A_545 : memref<40x32xi32, #tpu.memory_space<vmem>>) offsets(%dma_start3A_547 : memref<40xi32, #tpu.memory_space<vmem>>) semaphore(%arg17 : memref<!tpu.dma_semaphore, #tpu.memory_space<semaphore_mem>>)
        %dma_start3A_551 = arith.constant 160 : i32
        %dma_start3A_552 = arith.constant 0 : i32
        %dma_start3A_553 = tpu.memref_slice %arg11[%dma_start3A_551, %dma_start3A_552] : memref<360x32xi32, #tpu.memory_space<vmem>> -> memref<40x32xi32, #tpu.memory_space<vmem>>
        %dma_start3A_554 = arith.constant 160 : i32
        %dma_start3A_555 = tpu.memref_slice %arg9[%dma_start3A_554] : memref<360xi32, #tpu.memory_space<vmem>> -> memref<40xi32, #tpu.memory_space<vmem>>
        %dma_start3A_556 = arith.constant 0 : i32
        %dma_start3A_557 = arith.constant 0 : i32
        %dma_start3A_558 = tpu.memref_slice %arg8[%dma_start3A_556, %dma_start3A_557] : memref<50048x32xi32, #tpu.memory_space<vmem_shared>> -> memref<50048x32xi32, #tpu.memory_space<vmem_shared>>
        tpu.enqueue_indirect_dma source(%dma_start3A_558 : memref<50048x32xi32, #tpu.memory_space<vmem_shared>>) target(%dma_start3A_553 : memref<40x32xi32, #tpu.memory_space<vmem>>) offsets(%dma_start3A_555 : memref<40xi32, #tpu.memory_space<vmem>>) semaphore(%arg17 : memref<!tpu.dma_semaphore, #tpu.memory_space<semaphore_mem>>)
        %dma_start3A_559 = arith.constant 200 : i32
        %dma_start3A_560 = arith.constant 0 : i32
        %dma_start3A_561 = tpu.memref_slice %arg11[%dma_start3A_559, %dma_start3A_560] : memref<360x32xi32, #tpu.memory_space<vmem>> -> memref<40x32xi32, #tpu.memory_space<vmem>>
        %dma_start3A_562 = arith.constant 200 : i32
        %dma_start3A_563 = tpu.memref_slice %arg9[%dma_start3A_562] : memref<360xi32, #tpu.memory_space<vmem>> -> memref<40xi32, #tpu.memory_space<vmem>>
        %dma_start3A_564 = arith.constant 0 : i32
        %dma_start3A_565 = arith.constant 0 : i32
        %dma_start3A_566 = tpu.memref_slice %arg8[%dma_start3A_564, %dma_start3A_565] : memref<50048x32xi32, #tpu.memory_space<vmem_shared>> -> memref<50048x32xi32, #tpu.memory_space<vmem_shared>>
        tpu.enqueue_indirect_dma source(%dma_start3A_566 : memref<50048x32xi32, #tpu.memory_space<vmem_shared>>) target(%dma_start3A_561 : memref<40x32xi32, #tpu.memory_space<vmem>>) offsets(%dma_start3A_563 : memref<40xi32, #tpu.memory_space<vmem>>) semaphore(%arg17 : memref<!tpu.dma_semaphore, #tpu.memory_space<semaphore_mem>>)
        %dma_start3A_567 = arith.constant 240 : i32
        %dma_start3A_568 = arith.constant 0 : i32
        %dma_start3A_569 = tpu.memref_slice %arg11[%dma_start3A_567, %dma_start3A_568] : memref<360x32xi32, #tpu.memory_space<vmem>> -> memref<40x32xi32, #tpu.memory_space<vmem>>
        %dma_start3A_570 = arith.constant 240 : i32
        %dma_start3A_571 = tpu.memref_slice %arg9[%dma_start3A_570] : memref<360xi32, #tpu.memory_space<vmem>> -> memref<40xi32, #tpu.memory_space<vmem>>
        %dma_start3A_572 = arith.constant 0 : i32
        %dma_start3A_573 = arith.constant 0 : i32
        %dma_start3A_574 = tpu.memref_slice %arg8[%dma_start3A_572, %dma_start3A_573] : memref<50048x32xi32, #tpu.memory_space<vmem_shared>> -> memref<50048x32xi32, #tpu.memory_space<vmem_shared>>
        tpu.enqueue_indirect_dma source(%dma_start3A_574 : memref<50048x32xi32, #tpu.memory_space<vmem_shared>>) target(%dma_start3A_569 : memref<40x32xi32, #tpu.memory_space<vmem>>) offsets(%dma_start3A_571 : memref<40xi32, #tpu.memory_space<vmem>>) semaphore(%arg17 : memref<!tpu.dma_semaphore, #tpu.memory_space<semaphore_mem>>)
        %dma_start3A_575 = arith.constant 280 : i32
        %dma_start3A_576 = arith.constant 0 : i32
        %dma_start3A_577 = tpu.memref_slice %arg11[%dma_start3A_575, %dma_start3A_576] : memref<360x32xi32, #tpu.memory_space<vmem>> -> memref<40x32xi32, #tpu.memory_space<vmem>>
        %dma_start3A_578 = arith.constant 280 : i32
        %dma_start3A_579 = tpu.memref_slice %arg9[%dma_start3A_578] : memref<360xi32, #tpu.memory_space<vmem>> -> memref<40xi32, #tpu.memory_space<vmem>>
        %dma_start3A_580 = arith.constant 0 : i32
        %dma_start3A_581 = arith.constant 0 : i32
        %dma_start3A_582 = tpu.memref_slice %arg8[%dma_start3A_580, %dma_start3A_581] : memref<50048x32xi32, #tpu.memory_space<vmem_shared>> -> memref<50048x32xi32, #tpu.memory_space<vmem_shared>>
        tpu.enqueue_indirect_dma source(%dma_start3A_582 : memref<50048x32xi32, #tpu.memory_space<vmem_shared>>) target(%dma_start3A_577 : memref<40x32xi32, #tpu.memory_space<vmem>>) offsets(%dma_start3A_579 : memref<40xi32, #tpu.memory_space<vmem>>) semaphore(%arg17 : memref<!tpu.dma_semaphore, #tpu.memory_space<semaphore_mem>>)
        %dma_start3A_583 = arith.constant 320 : i32
        %dma_start3A_584 = arith.constant 0 : i32
        %dma_start3A_585 = tpu.memref_slice %arg11[%dma_start3A_583, %dma_start3A_584] : memref<360x32xi32, #tpu.memory_space<vmem>> -> memref<40x32xi32, #tpu.memory_space<vmem>>
        %dma_start3A_586 = arith.constant 320 : i32
        %dma_start3A_587 = tpu.memref_slice %arg9[%dma_start3A_586] : memref<360xi32, #tpu.memory_space<vmem>> -> memref<40xi32, #tpu.memory_space<vmem>>
        %dma_start3A_588 = arith.constant 0 : i32
        %dma_start3A_589 = arith.constant 0 : i32
        %dma_start3A_590 = tpu.memref_slice %arg8[%dma_start3A_588, %dma_start3A_589] : memref<50048x32xi32, #tpu.memory_space<vmem_shared>> -> memref<50048x32xi32, #tpu.memory_space<vmem_shared>>
        tpu.enqueue_indirect_dma source(%dma_start3A_590 : memref<50048x32xi32, #tpu.memory_space<vmem_shared>>) target(%dma_start3A_585 : memref<40x32xi32, #tpu.memory_space<vmem>>) offsets(%dma_start3A_587 : memref<40xi32, #tpu.memory_space<vmem>>) semaphore(%arg17 : memref<!tpu.dma_semaphore, #tpu.memory_space<semaphore_mem>>)
      } else {
      }
      %dma_wait3A_394 = arith.constant 0 : i32
      %dma_wait3A_395 = arith.constant 0 : i32
      %dma_wait3A_396 = tpu.memref_slice %arg12[%dma_wait3A_394, %dma_wait3A_395] : memref<360x32xi32, #tpu.memory_space<vmem>> -> memref<40x32xi32, #tpu.memory_space<vmem>>
      %dma_wait3A_397 = arith.constant 0 : i32
      %dma_wait3A_398 = tpu.memref_slice %arg10[%dma_wait3A_397] : memref<360xi32, #tpu.memory_space<vmem>> -> memref<40xi32, #tpu.memory_space<vmem>>
      %dma_wait3A_399 = arith.constant 0 : i32
      %dma_wait3A_400 = arith.constant 0 : i32
      %dma_wait3A_401 = tpu.memref_slice %arg8[%dma_wait3A_399, %dma_wait3A_400] : memref<50048x32xi32, #tpu.memory_space<vmem_shared>> -> memref<50048x32xi32, #tpu.memory_space<vmem_shared>>
      tpu.wait_indirect_dma semaphore(%arg18 : memref<!tpu.dma_semaphore, #tpu.memory_space<semaphore_mem>>) src(%dma_wait3A_401 : memref<50048x32xi32, #tpu.memory_space<vmem_shared>>) dst(%dma_wait3A_396 : memref<40x32xi32, #tpu.memory_space<vmem>>)
      %dma_wait3A_402 = arith.constant 40 : i32
      %dma_wait3A_403 = arith.constant 0 : i32
      %dma_wait3A_404 = tpu.memref_slice %arg12[%dma_wait3A_402, %dma_wait3A_403] : memref<360x32xi32, #tpu.memory_space<vmem>> -> memref<40x32xi32, #tpu.memory_space<vmem>>
      %dma_wait3A_405 = arith.constant 40 : i32
      %dma_wait3A_406 = tpu.memref_slice %arg10[%dma_wait3A_405] : memref<360xi32, #tpu.memory_space<vmem>> -> memref<40xi32, #tpu.memory_space<vmem>>
      %dma_wait3A_407 = arith.constant 0 : i32
      %dma_wait3A_408 = arith.constant 0 : i32
      %dma_wait3A_409 = tpu.memref_slice %arg8[%dma_wait3A_407, %dma_wait3A_408] : memref<50048x32xi32, #tpu.memory_space<vmem_shared>> -> memref<50048x32xi32, #tpu.memory_space<vmem_shared>>
      tpu.wait_indirect_dma semaphore(%arg18 : memref<!tpu.dma_semaphore, #tpu.memory_space<semaphore_mem>>) src(%dma_wait3A_409 : memref<50048x32xi32, #tpu.memory_space<vmem_shared>>) dst(%dma_wait3A_404 : memref<40x32xi32, #tpu.memory_space<vmem>>)
      %dma_wait3A_410 = arith.constant 80 : i32
      %dma_wait3A_411 = arith.constant 0 : i32
      %dma_wait3A_412 = tpu.memref_slice %arg12[%dma_wait3A_410, %dma_wait3A_411] : memref<360x32xi32, #tpu.memory_space<vmem>> -> memref<40x32xi32, #tpu.memory_space<vmem>>
      %dma_wait3A_413 = arith.constant 80 : i32
      %dma_wait3A_414 = tpu.memref_slice %arg10[%dma_wait3A_413] : memref<360xi32, #tpu.memory_space<vmem>> -> memref<40xi32, #tpu.memory_space<vmem>>
      %dma_wait3A_415 = arith.constant 0 : i32
      %dma_wait3A_416 = arith.constant 0 : i32
      %dma_wait3A_417 = tpu.memref_slice %arg8[%dma_wait3A_415, %dma_wait3A_416] : memref<50048x32xi32, #tpu.memory_space<vmem_shared>> -> memref<50048x32xi32, #tpu.memory_space<vmem_shared>>
      tpu.wait_indirect_dma semaphore(%arg18 : memref<!tpu.dma_semaphore, #tpu.memory_space<semaphore_mem>>) src(%dma_wait3A_417 : memref<50048x32xi32, #tpu.memory_space<vmem_shared>>) dst(%dma_wait3A_412 : memref<40x32xi32, #tpu.memory_space<vmem>>)
      %dma_wait3A_418 = arith.constant 120 : i32
      %dma_wait3A_419 = arith.constant 0 : i32
      %dma_wait3A_420 = tpu.memref_slice %arg12[%dma_wait3A_418, %dma_wait3A_419] : memref<360x32xi32, #tpu.memory_space<vmem>> -> memref<40x32xi32, #tpu.memory_space<vmem>>
      %dma_wait3A_421 = arith.constant 120 : i32
      %dma_wait3A_422 = tpu.memref_slice %arg10[%dma_wait3A_421] : memref<360xi32, #tpu.memory_space<vmem>> -> memref<40xi32, #tpu.memory_space<vmem>>
      %dma_wait3A_423 = arith.constant 0 : i32
      %dma_wait3A_424 = arith.constant 0 : i32
      %dma_wait3A_425 = tpu.memref_slice %arg8[%dma_wait3A_423, %dma_wait3A_424] : memref<50048x32xi32, #tpu.memory_space<vmem_shared>> -> memref<50048x32xi32, #tpu.memory_space<vmem_shared>>
      tpu.wait_indirect_dma semaphore(%arg18 : memref<!tpu.dma_semaphore, #tpu.memory_space<semaphore_mem>>) src(%dma_wait3A_425 : memref<50048x32xi32, #tpu.memory_space<vmem_shared>>) dst(%dma_wait3A_420 : memref<40x32xi32, #tpu.memory_space<vmem>>)
      %dma_wait3A_426 = arith.constant 160 : i32
      %dma_wait3A_427 = arith.constant 0 : i32
      %dma_wait3A_428 = tpu.memref_slice %arg12[%dma_wait3A_426, %dma_wait3A_427] : memref<360x32xi32, #tpu.memory_space<vmem>> -> memref<40x32xi32, #tpu.memory_space<vmem>>
      %dma_wait3A_429 = arith.constant 160 : i32
      %dma_wait3A_430 = tpu.memref_slice %arg10[%dma_wait3A_429] : memref<360xi32, #tpu.memory_space<vmem>> -> memref<40xi32, #tpu.memory_space<vmem>>
      %dma_wait3A_431 = arith.constant 0 : i32
      %dma_wait3A_432 = arith.constant 0 : i32
      %dma_wait3A_433 = tpu.memref_slice %arg8[%dma_wait3A_431, %dma_wait3A_432] : memref<50048x32xi32, #tpu.memory_space<vmem_shared>> -> memref<50048x32xi32, #tpu.memory_space<vmem_shared>>
      tpu.wait_indirect_dma semaphore(%arg18 : memref<!tpu.dma_semaphore, #tpu.memory_space<semaphore_mem>>) src(%dma_wait3A_433 : memref<50048x32xi32, #tpu.memory_space<vmem_shared>>) dst(%dma_wait3A_428 : memref<40x32xi32, #tpu.memory_space<vmem>>)
      %dma_wait3A_434 = arith.constant 200 : i32
      %dma_wait3A_435 = arith.constant 0 : i32
      %dma_wait3A_436 = tpu.memref_slice %arg12[%dma_wait3A_434, %dma_wait3A_435] : memref<360x32xi32, #tpu.memory_space<vmem>> -> memref<40x32xi32, #tpu.memory_space<vmem>>
      %dma_wait3A_437 = arith.constant 200 : i32
      %dma_wait3A_438 = tpu.memref_slice %arg10[%dma_wait3A_437] : memref<360xi32, #tpu.memory_space<vmem>> -> memref<40xi32, #tpu.memory_space<vmem>>
      %dma_wait3A_439 = arith.constant 0 : i32
      %dma_wait3A_440 = arith.constant 0 : i32
      %dma_wait3A_441 = tpu.memref_slice %arg8[%dma_wait3A_439, %dma_wait3A_440] : memref<50048x32xi32, #tpu.memory_space<vmem_shared>> -> memref<50048x32xi32, #tpu.memory_space<vmem_shared>>
      tpu.wait_indirect_dma semaphore(%arg18 : memref<!tpu.dma_semaphore, #tpu.memory_space<semaphore_mem>>) src(%dma_wait3A_441 : memref<50048x32xi32, #tpu.memory_space<vmem_shared>>) dst(%dma_wait3A_436 : memref<40x32xi32, #tpu.memory_space<vmem>>)
      %dma_wait3A_442 = arith.constant 240 : i32
      %dma_wait3A_443 = arith.constant 0 : i32
      %dma_wait3A_444 = tpu.memref_slice %arg12[%dma_wait3A_442, %dma_wait3A_443] : memref<360x32xi32, #tpu.memory_space<vmem>> -> memref<40x32xi32, #tpu.memory_space<vmem>>
      %dma_wait3A_445 = arith.constant 240 : i32
      %dma_wait3A_446 = tpu.memref_slice %arg10[%dma_wait3A_445] : memref<360xi32, #tpu.memory_space<vmem>> -> memref<40xi32, #tpu.memory_space<vmem>>
      %dma_wait3A_447 = arith.constant 0 : i32
      %dma_wait3A_448 = arith.constant 0 : i32
      %dma_wait3A_449 = tpu.memref_slice %arg8[%dma_wait3A_447, %dma_wait3A_448] : memref<50048x32xi32, #tpu.memory_space<vmem_shared>> -> memref<50048x32xi32, #tpu.memory_space<vmem_shared>>
      tpu.wait_indirect_dma semaphore(%arg18 : memref<!tpu.dma_semaphore, #tpu.memory_space<semaphore_mem>>) src(%dma_wait3A_449 : memref<50048x32xi32, #tpu.memory_space<vmem_shared>>) dst(%dma_wait3A_444 : memref<40x32xi32, #tpu.memory_space<vmem>>)
      %dma_wait3A_450 = arith.constant 280 : i32
      %dma_wait3A_451 = arith.constant 0 : i32
      %dma_wait3A_452 = tpu.memref_slice %arg12[%dma_wait3A_450, %dma_wait3A_451] : memref<360x32xi32, #tpu.memory_space<vmem>> -> memref<40x32xi32, #tpu.memory_space<vmem>>
      %dma_wait3A_453 = arith.constant 280 : i32
      %dma_wait3A_454 = tpu.memref_slice %arg10[%dma_wait3A_453] : memref<360xi32, #tpu.memory_space<vmem>> -> memref<40xi32, #tpu.memory_space<vmem>>
      %dma_wait3A_455 = arith.constant 0 : i32
      %dma_wait3A_456 = arith.constant 0 : i32
      %dma_wait3A_457 = tpu.memref_slice %arg8[%dma_wait3A_455, %dma_wait3A_456] : memref<50048x32xi32, #tpu.memory_space<vmem_shared>> -> memref<50048x32xi32, #tpu.memory_space<vmem_shared>>
      tpu.wait_indirect_dma semaphore(%arg18 : memref<!tpu.dma_semaphore, #tpu.memory_space<semaphore_mem>>) src(%dma_wait3A_457 : memref<50048x32xi32, #tpu.memory_space<vmem_shared>>) dst(%dma_wait3A_452 : memref<40x32xi32, #tpu.memory_space<vmem>>)
      %dma_wait3A_458 = arith.constant 320 : i32
      %dma_wait3A_459 = arith.constant 0 : i32
      %dma_wait3A_460 = tpu.memref_slice %arg12[%dma_wait3A_458, %dma_wait3A_459] : memref<360x32xi32, #tpu.memory_space<vmem>> -> memref<40x32xi32, #tpu.memory_space<vmem>>
      %dma_wait3A_461 = arith.constant 320 : i32
      %dma_wait3A_462 = tpu.memref_slice %arg10[%dma_wait3A_461] : memref<360xi32, #tpu.memory_space<vmem>> -> memref<40xi32, #tpu.memory_space<vmem>>
      %dma_wait3A_463 = arith.constant 0 : i32
      %dma_wait3A_464 = arith.constant 0 : i32
      %dma_wait3A_465 = tpu.memref_slice %arg8[%dma_wait3A_463, %dma_wait3A_464] : memref<50048x32xi32, #tpu.memory_space<vmem_shared>> -> memref<50048x32xi32, #tpu.memory_space<vmem_shared>>
      tpu.wait_indirect_dma semaphore(%arg18 : memref<!tpu.dma_semaphore, #tpu.memory_space<semaphore_mem>>) src(%dma_wait3A_465 : memref<50048x32xi32, #tpu.memory_space<vmem_shared>>) dst(%dma_wait3A_460 : memref<40x32xi32, #tpu.memory_space<vmem>>)
      %add3A_466 = arith.constant 2 : i32
      %add3A_467 = arith.addi %add3A_278, %add3A_466 : i32
      %lt3A_468 = arith.constant 80 : i32
      %lt3A_469 = arith.cmpi slt, %add3A_467, %lt3A_468 : i32
      %convert_element_type3A_470 = arith.extui %lt3A_469 : i1 to i32
      %cond3A_471 = arith.constant 0 : i32
      %cond3A_472 = arith.cmpi ne, %convert_element_type3A_470, %cond3A_471 : i32
      scf.if %cond3A_472 {
        %add3A_512 = arith.constant 2 : i32
        %add3A_513 = arith.addi %add3A_278, %add3A_512 : i32
        %add3A_514 = arith.addi %mul3A_7, %add3A_513 : i32
        %mul3A_515 = arith.constant 360 : i32
        %mul3A_516 = arith.muli %add3A_514, %mul3A_515 : i32
        %dma_start3A_517 = tpu.memref_slice %arg4[%mul3A_516] : memref<460800xi32, #tpu.memory_space<hbm>> -> memref<360xi32, #tpu.memory_space<hbm>>
        %dma_start3A_518 = tpu.memref_slice %arg4[%mul3A_516] : memref<460800xi32, #tpu.memory_space<hbm>> -> memref<360xi32, #tpu.memory_space<hbm>>
        tpu.enqueue_dma source(%dma_start3A_518 : memref<360xi32, #tpu.memory_space<hbm>>) target(%arg10 : memref<360xi32, #tpu.memory_space<vmem>>) target_semaphore(%arg20 : memref<!tpu.dma_semaphore, #tpu.memory_space<semaphore_mem>>)
      } else {
      }
      %ge3A_473 = arith.constant 2 : i32
      %ge3A_474 = arith.cmpi sge, %add3A_278, %ge3A_473 : i32
      %sub3A_475 = arith.constant 2 : i32
      %sub3A_476 = arith.subi %add3A_278, %sub3A_475 : i32
      %mul3A_477 = arith.constant 3200 : i32
      %mul3A_478 = arith.muli %arg1, %mul3A_477 : i32
      %mul3A_479 = arith.constant 40 : i32
      %mul3A_480 = arith.muli %sub3A_476, %mul3A_479 : i32
      %add3A_481 = arith.addi %mul3A_478, %mul3A_480 : i32
      %lt3A_482 = arith.constant 50000 : i32
      %lt3A_483 = arith.cmpi slt, %add3A_481, %lt3A_482 : i32
      %and3A_484 = arith.andi %ge3A_474, %lt3A_483 : i1
      %convert_element_type3A_485 = arith.extui %and3A_484 : i1 to i32
      %cond3A_486 = arith.constant 0 : i32
      %cond3A_487 = arith.cmpi ne, %convert_element_type3A_485, %cond3A_486 : i32
      scf.if %cond3A_487 {
        %sub3A_512 = arith.constant 2 : i32
        %sub3A_513 = arith.subi %add3A_278, %sub3A_512 : i32
        %mul3A_514 = arith.constant 3200 : i32
        %mul3A_515 = arith.muli %arg1, %mul3A_514 : i32
        %mul3A_516 = arith.constant 40 : i32
        %mul3A_517 = arith.muli %sub3A_513, %mul3A_516 : i32
        %add3A_518 = arith.addi %mul3A_515, %mul3A_517 : i32
        %mul3A_519 = arith.constant 64 : i32
        %mul3A_520 = arith.muli %arg0, %mul3A_519 : i32
        %dma_wait3A_521 = tpu.memref_slice %arg7[%add3A_518, %mul3A_520] : memref<50000x128xf32, #tpu.memory_space<hbm>> -> memref<40x64xf32, #tpu.memory_space<hbm>>
        %dma_wait3A_522 = tpu.memref_slice %arg7[%add3A_518, %mul3A_520] : memref<50000x128xf32, #tpu.memory_space<hbm>> -> memref<40x64xf32, #tpu.memory_space<hbm>>
        tpu.wait_dma2 semaphore(%arg21 : memref<!tpu.dma_semaphore, #tpu.memory_space<semaphore_mem>>) src(%arg14 : memref<40x64xf32, #tpu.memory_space<vmem>>) dst(%dma_wait3A_522 : memref<40x64xf32, #tpu.memory_space<hbm>>)
      } else {
      }
      %scan3A_488 = arith.constant 0 : i32
      %scan3A_489 = arith.constant 0 : i32
      %scan3A_490 = arith.constant 40 : i32
      %scan3A_491 = arith.addi %scan3A_489, %scan3A_490 : i32
      %scan3A_492 = arith.constant 2 : i32
      %scan3A_493 = scf.for %scan3A_512 = %scan3A_489 to %scan3A_491 step %scan3A_492 iter_args(%scan3A_513 = %scan3A_488) -> (i32)  : i32 {
        %add3A_514 = arith.constant 0 : i32
        %add3A_515 = arith.addi %scan3A_513, %add3A_514 : i32
        %get3A_516 = arith.index_cast %add3A_515 : i32 to index
        %get3A_517 = arith.constant 0 : index
        %get3A_518 = tpu.vector_load %arg12[%get3A_516, %get3A_517] {strides = array<i32>} : memref<360x32xi32, #tpu.memory_space<vmem>>, vector<16xi32>,
        %bitcast3A = vector.bitcast %get3A_518 : vector<16xi32> to vector<32xbf16>
        %mul3A_519 = arith.mulf %bitcast3A, %get3A_10 : vector<32xbf16>
        %add3A_520 = arith.constant 1 : i32
        %add3A_521 = arith.addi %scan3A_513, %add3A_520 : i32
        %get3A_522 = arith.index_cast %add3A_521 : i32 to index
        %get3A_523 = arith.constant 0 : index
        %get3A_524 = tpu.vector_load %arg12[%get3A_522, %get3A_523] {strides = array<i32>} : memref<360x32xi32, #tpu.memory_space<vmem>>, vector<16xi32>,
        %bitcast3A_525 = vector.bitcast %get3A_524 : vector<16xi32> to vector<32xbf16>
        %mul3A_526 = arith.mulf %bitcast3A_525, %get3A_18 : vector<32xbf16>
        %add3A_527 = arith.constant 2 : i32
        %add3A_528 = arith.addi %scan3A_513, %add3A_527 : i32
        %get3A_529 = arith.index_cast %add3A_528 : i32 to index
        %get3A_530 = arith.constant 0 : index
        %get3A_531 = tpu.vector_load %arg12[%get3A_529, %get3A_530] {strides = array<i32>} : memref<360x32xi32, #tpu.memory_space<vmem>>, vector<16xi32>,
        %bitcast3A_532 = vector.bitcast %get3A_531 : vector<16xi32> to vector<32xbf16>
        %mul3A_533 = arith.mulf %bitcast3A_532, %get3A_26 : vector<32xbf16>
        %add3A_534 = arith.constant 3 : i32
        %add3A_535 = arith.addi %scan3A_513, %add3A_534 : i32
        %get3A_536 = arith.index_cast %add3A_535 : i32 to index
        %get3A_537 = arith.constant 0 : index
        %get3A_538 = tpu.vector_load %arg12[%get3A_536, %get3A_537] {strides = array<i32>} : memref<360x32xi32, #tpu.memory_space<vmem>>, vector<16xi32>,
        %bitcast3A_539 = vector.bitcast %get3A_538 : vector<16xi32> to vector<32xbf16>
        %mul3A_540 = arith.mulf %bitcast3A_539, %get3A_34 : vector<32xbf16>
        %add3A_541 = arith.constant 4 : i32
        %add3A_542 = arith.addi %scan3A_513, %add3A_541 : i32
        %get3A_543 = arith.index_cast %add3A_542 : i32 to index
        %get3A_544 = arith.constant 0 : index
        %get3A_545 = tpu.vector_load %arg12[%get3A_543, %get3A_544] {strides = array<i32>} : memref<360x32xi32, #tpu.memory_space<vmem>>, vector<16xi32>,
        %bitcast3A_546 = vector.bitcast %get3A_545 : vector<16xi32> to vector<32xbf16>
        %mul3A_547 = arith.mulf %bitcast3A_546, %get3A_42 : vector<32xbf16>
        %add3A_548 = arith.constant 5 : i32
        %add3A_549 = arith.addi %scan3A_513, %add3A_548 : i32
        %get3A_550 = arith.index_cast %add3A_549 : i32 to index
        %get3A_551 = arith.constant 0 : index
        %get3A_552 = tpu.vector_load %arg12[%get3A_550, %get3A_551] {strides = array<i32>} : memref<360x32xi32, #tpu.memory_space<vmem>>, vector<16xi32>,
        %bitcast3A_553 = vector.bitcast %get3A_552 : vector<16xi32> to vector<32xbf16>
        %mul3A_554 = arith.mulf %bitcast3A_553, %get3A_50 : vector<32xbf16>
        %add3A_555 = arith.constant 6 : i32
        %add3A_556 = arith.addi %scan3A_513, %add3A_555 : i32
        %get3A_557 = arith.index_cast %add3A_556 : i32 to index
        %get3A_558 = arith.constant 0 : index
        %get3A_559 = tpu.vector_load %arg12[%get3A_557, %get3A_558] {strides = array<i32>} : memref<360x32xi32, #tpu.memory_space<vmem>>, vector<16xi32>,
        %bitcast3A_560 = vector.bitcast %get3A_559 : vector<16xi32> to vector<32xbf16>
        %mul3A_561 = arith.mulf %bitcast3A_560, %get3A_58 : vector<32xbf16>
        %add3A_562 = arith.constant 7 : i32
        %add3A_563 = arith.addi %scan3A_513, %add3A_562 : i32
        %get3A_564 = arith.index_cast %add3A_563 : i32 to index
        %get3A_565 = arith.constant 0 : index
        %get3A_566 = tpu.vector_load %arg12[%get3A_564, %get3A_565] {strides = array<i32>} : memref<360x32xi32, #tpu.memory_space<vmem>>, vector<16xi32>,
        %bitcast3A_567 = vector.bitcast %get3A_566 : vector<16xi32> to vector<32xbf16>
        %mul3A_568 = arith.mulf %bitcast3A_567, %get3A_66 : vector<32xbf16>
        %add3A_569 = arith.constant 8 : i32
        %add3A_570 = arith.addi %scan3A_513, %add3A_569 : i32
        %get3A_571 = arith.index_cast %add3A_570 : i32 to index
        %get3A_572 = arith.constant 0 : index
        %get3A_573 = tpu.vector_load %arg12[%get3A_571, %get3A_572] {strides = array<i32>} : memref<360x32xi32, #tpu.memory_space<vmem>>, vector<16xi32>,
        %bitcast3A_574 = vector.bitcast %get3A_573 : vector<16xi32> to vector<32xbf16>
        %mul3A_575 = arith.mulf %bitcast3A_574, %get3A_74 : vector<32xbf16>
        %add3A_576 = arith.addf %mul3A_519, %mul3A_526 : vector<32xbf16>
        %add3A_577 = arith.addf %mul3A_533, %mul3A_540 : vector<32xbf16>
        %add3A_578 = arith.addf %mul3A_547, %mul3A_554 : vector<32xbf16>
        %add3A_579 = arith.addf %mul3A_561, %mul3A_568 : vector<32xbf16>
        %add3A_580 = arith.addf %mul3A_575, %get3A_82 : vector<32xbf16>
        %add3A_581 = arith.addf %add3A_576, %add3A_577 : vector<32xbf16>
        %add3A_582 = arith.addf %add3A_578, %add3A_579 : vector<32xbf16>
        %add3A_583 = arith.addf %add3A_581, %add3A_582 : vector<32xbf16>
        %add3A_584 = arith.addf %add3A_583, %add3A_580 : vector<32xbf16>
        %unpack3A = tpu.unpack_subelements %add3A_584, 0 {pack_format = #tpu.pack_format<interleaved>} : vector<32xbf16> -> vector<16xf32>
        %unpack3A_585 = tpu.unpack_subelements %add3A_584, 1 {pack_format = #tpu.pack_format<interleaved>} : vector<32xbf16> -> vector<16xf32>
        %swap3A = arith.index_cast %scan3A_512 : i32 to index
        %swap3A_586 = arith.constant 0 : index
        %swap3A_587 = tpu.vector_load %arg14[%swap3A, %swap3A_586] {strides = array<i32>} : memref<40x64xf32, #tpu.memory_space<vmem>>, vector<16xf32>,
        tpu.vector_store %arg14[%swap3A, %swap3A_586], %unpack3A {strides = array<i32>} : memref<40x64xf32, #tpu.memory_space<vmem>>, vector<16xf32>,
        %swap3A_588 = arith.index_cast %scan3A_512 : i32 to index
        %swap3A_589 = arith.constant 32 : index
        %swap3A_590 = tpu.vector_load %arg14[%swap3A_588, %swap3A_589] {strides = array<i32>} : memref<40x64xf32, #tpu.memory_space<vmem>>, vector<16xf32>,
        tpu.vector_store %arg14[%swap3A_588, %swap3A_589], %unpack3A_585 {strides = array<i32>} : memref<40x64xf32, #tpu.memory_space<vmem>>, vector<16xf32>,
        %add3A_591 = arith.constant 0 : i32
        %add3A_592 = arith.addi %scan3A_513, %add3A_591 : i32
        %get3A_593 = arith.index_cast %add3A_592 : i32 to index
        %get3A_594 = arith.constant 16 : index
        %get3A_595 = tpu.vector_load %arg12[%get3A_593, %get3A_594] {strides = array<i32>} : memref<360x32xi32, #tpu.memory_space<vmem>>, vector<16xi32>,
        %bitcast3A_596 = vector.bitcast %get3A_595 : vector<16xi32> to vector<32xbf16>
        %mul3A_597 = arith.mulf %bitcast3A_596, %get3A_14 : vector<32xbf16>
        %add3A_598 = arith.constant 1 : i32
        %add3A_599 = arith.addi %scan3A_513, %add3A_598 : i32
        %get3A_600 = arith.index_cast %add3A_599 : i32 to index
        %get3A_601 = arith.constant 16 : index
        %get3A_602 = tpu.vector_load %arg12[%get3A_600, %get3A_601] {strides = array<i32>} : memref<360x32xi32, #tpu.memory_space<vmem>>, vector<16xi32>,
        %bitcast3A_603 = vector.bitcast %get3A_602 : vector<16xi32> to vector<32xbf16>
        %mul3A_604 = arith.mulf %bitcast3A_603, %get3A_22 : vector<32xbf16>
        %add3A_605 = arith.constant 2 : i32
        %add3A_606 = arith.addi %scan3A_513, %add3A_605 : i32
        %get3A_607 = arith.index_cast %add3A_606 : i32 to index
        %get3A_608 = arith.constant 16 : index
        %get3A_609 = tpu.vector_load %arg12[%get3A_607, %get3A_608] {strides = array<i32>} : memref<360x32xi32, #tpu.memory_space<vmem>>, vector<16xi32>,
        %bitcast3A_610 = vector.bitcast %get3A_609 : vector<16xi32> to vector<32xbf16>
        %mul3A_611 = arith.mulf %bitcast3A_610, %get3A_30 : vector<32xbf16>
        %add3A_612 = arith.constant 3 : i32
        %add3A_613 = arith.addi %scan3A_513, %add3A_612 : i32
        %get3A_614 = arith.index_cast %add3A_613 : i32 to index
        %get3A_615 = arith.constant 16 : index
        %get3A_616 = tpu.vector_load %arg12[%get3A_614, %get3A_615] {strides = array<i32>} : memref<360x32xi32, #tpu.memory_space<vmem>>, vector<16xi32>,
        %bitcast3A_617 = vector.bitcast %get3A_616 : vector<16xi32> to vector<32xbf16>
        %mul3A_618 = arith.mulf %bitcast3A_617, %get3A_38 : vector<32xbf16>
        %add3A_619 = arith.constant 4 : i32
        %add3A_620 = arith.addi %scan3A_513, %add3A_619 : i32
        %get3A_621 = arith.index_cast %add3A_620 : i32 to index
        %get3A_622 = arith.constant 16 : index
        %get3A_623 = tpu.vector_load %arg12[%get3A_621, %get3A_622] {strides = array<i32>} : memref<360x32xi32, #tpu.memory_space<vmem>>, vector<16xi32>,
        %bitcast3A_624 = vector.bitcast %get3A_623 : vector<16xi32> to vector<32xbf16>
        %mul3A_625 = arith.mulf %bitcast3A_624, %get3A_46 : vector<32xbf16>
        %add3A_626 = arith.constant 5 : i32
        %add3A_627 = arith.addi %scan3A_513, %add3A_626 : i32
        %get3A_628 = arith.index_cast %add3A_627 : i32 to index
        %get3A_629 = arith.constant 16 : index
        %get3A_630 = tpu.vector_load %arg12[%get3A_628, %get3A_629] {strides = array<i32>} : memref<360x32xi32, #tpu.memory_space<vmem>>, vector<16xi32>,
        %bitcast3A_631 = vector.bitcast %get3A_630 : vector<16xi32> to vector<32xbf16>
        %mul3A_632 = arith.mulf %bitcast3A_631, %get3A_54 : vector<32xbf16>
        %add3A_633 = arith.constant 6 : i32
        %add3A_634 = arith.addi %scan3A_513, %add3A_633 : i32
        %get3A_635 = arith.index_cast %add3A_634 : i32 to index
        %get3A_636 = arith.constant 16 : index
        %get3A_637 = tpu.vector_load %arg12[%get3A_635, %get3A_636] {strides = array<i32>} : memref<360x32xi32, #tpu.memory_space<vmem>>, vector<16xi32>,
        %bitcast3A_638 = vector.bitcast %get3A_637 : vector<16xi32> to vector<32xbf16>
        %mul3A_639 = arith.mulf %bitcast3A_638, %get3A_62 : vector<32xbf16>
        %add3A_640 = arith.constant 7 : i32
        %add3A_641 = arith.addi %scan3A_513, %add3A_640 : i32
        %get3A_642 = arith.index_cast %add3A_641 : i32 to index
        %get3A_643 = arith.constant 16 : index
        %get3A_644 = tpu.vector_load %arg12[%get3A_642, %get3A_643] {strides = array<i32>} : memref<360x32xi32, #tpu.memory_space<vmem>>, vector<16xi32>,
        %bitcast3A_645 = vector.bitcast %get3A_644 : vector<16xi32> to vector<32xbf16>
        %mul3A_646 = arith.mulf %bitcast3A_645, %get3A_70 : vector<32xbf16>
        %add3A_647 = arith.constant 8 : i32
        %add3A_648 = arith.addi %scan3A_513, %add3A_647 : i32
        %get3A_649 = arith.index_cast %add3A_648 : i32 to index
        %get3A_650 = arith.constant 16 : index
        %get3A_651 = tpu.vector_load %arg12[%get3A_649, %get3A_650] {strides = array<i32>} : memref<360x32xi32, #tpu.memory_space<vmem>>, vector<16xi32>,
        %bitcast3A_652 = vector.bitcast %get3A_651 : vector<16xi32> to vector<32xbf16>
        %mul3A_653 = arith.mulf %bitcast3A_652, %get3A_78 : vector<32xbf16>
        %add3A_654 = arith.addf %mul3A_597, %mul3A_604 : vector<32xbf16>
        %add3A_655 = arith.addf %mul3A_611, %mul3A_618 : vector<32xbf16>
        %add3A_656 = arith.addf %mul3A_625, %mul3A_632 : vector<32xbf16>
        %add3A_657 = arith.addf %mul3A_639, %mul3A_646 : vector<32xbf16>
        %add3A_658 = arith.addf %mul3A_653, %get3A_86 : vector<32xbf16>
        %add3A_659 = arith.addf %add3A_654, %add3A_655 : vector<32xbf16>
        %add3A_660 = arith.addf %add3A_656, %add3A_657 : vector<32xbf16>
        %add3A_661 = arith.addf %add3A_659, %add3A_660 : vector<32xbf16>
        %add3A_662 = arith.addf %add3A_661, %add3A_658 : vector<32xbf16>
        %unpack3A_663 = tpu.unpack_subelements %add3A_662, 0 {pack_format = #tpu.pack_format<interleaved>} : vector<32xbf16> -> vector<16xf32>
        %unpack3A_664 = tpu.unpack_subelements %add3A_662, 1 {pack_format = #tpu.pack_format<interleaved>} : vector<32xbf16> -> vector<16xf32>
        %swap3A_665 = arith.index_cast %scan3A_512 : i32 to index
        %swap3A_666 = arith.constant 16 : index
        %swap3A_667 = tpu.vector_load %arg14[%swap3A_665, %swap3A_666] {strides = array<i32>} : memref<40x64xf32, #tpu.memory_space<vmem>>, vector<16xf32>,
        tpu.vector_store %arg14[%swap3A_665, %swap3A_666], %unpack3A_663 {strides = array<i32>} : memref<40x64xf32, #tpu.memory_space<vmem>>, vector<16xf32>,
        %swap3A_668 = arith.index_cast %scan3A_512 : i32 to index
        %swap3A_669 = arith.constant 48 : index
        %swap3A_670 = tpu.vector_load %arg14[%swap3A_668, %swap3A_669] {strides = array<i32>} : memref<40x64xf32, #tpu.memory_space<vmem>>, vector<16xf32>,
        tpu.vector_store %arg14[%swap3A_668, %swap3A_669], %unpack3A_664 {strides = array<i32>} : memref<40x64xf32, #tpu.memory_space<vmem>>, vector<16xf32>,
        %add3A_671 = arith.constant 9 : i32
        %add3A_672 = arith.addi %scan3A_513, %add3A_671 : i32
        %scan3A_673 = arith.constant 1 : i32
        %scan3A_674 = arith.addi %scan3A_512, %scan3A_673 : i32
        %add3A_675 = arith.constant 0 : i32
        %add3A_676 = arith.addi %add3A_672, %add3A_675 : i32
        %get3A_677 = arith.index_cast %add3A_676 : i32 to index
        %get3A_678 = arith.constant 0 : index
        %get3A_679 = tpu.vector_load %arg12[%get3A_677, %get3A_678] {strides = array<i32>} : memref<360x32xi32, #tpu.memory_space<vmem>>, vector<16xi32>,
        %bitcast3A_680 = vector.bitcast %get3A_679 : vector<16xi32> to vector<32xbf16>
        %mul3A_681 = arith.mulf %bitcast3A_680, %get3A_10 : vector<32xbf16>
        %add3A_682 = arith.constant 1 : i32
        %add3A_683 = arith.addi %add3A_672, %add3A_682 : i32
        %get3A_684 = arith.index_cast %add3A_683 : i32 to index
        %get3A_685 = arith.constant 0 : index
        %get3A_686 = tpu.vector_load %arg12[%get3A_684, %get3A_685] {strides = array<i32>} : memref<360x32xi32, #tpu.memory_space<vmem>>, vector<16xi32>,
        %bitcast3A_687 = vector.bitcast %get3A_686 : vector<16xi32> to vector<32xbf16>
        %mul3A_688 = arith.mulf %bitcast3A_687, %get3A_18 : vector<32xbf16>
        %add3A_689 = arith.constant 2 : i32
        %add3A_690 = arith.addi %add3A_672, %add3A_689 : i32
        %get3A_691 = arith.index_cast %add3A_690 : i32 to index
        %get3A_692 = arith.constant 0 : index
        %get3A_693 = tpu.vector_load %arg12[%get3A_691, %get3A_692] {strides = array<i32>} : memref<360x32xi32, #tpu.memory_space<vmem>>, vector<16xi32>,
        %bitcast3A_694 = vector.bitcast %get3A_693 : vector<16xi32> to vector<32xbf16>
        %mul3A_695 = arith.mulf %bitcast3A_694, %get3A_26 : vector<32xbf16>
        %add3A_696 = arith.constant 3 : i32
        %add3A_697 = arith.addi %add3A_672, %add3A_696 : i32
        %get3A_698 = arith.index_cast %add3A_697 : i32 to index
        %get3A_699 = arith.constant 0 : index
        %get3A_700 = tpu.vector_load %arg12[%get3A_698, %get3A_699] {strides = array<i32>} : memref<360x32xi32, #tpu.memory_space<vmem>>, vector<16xi32>,
        %bitcast3A_701 = vector.bitcast %get3A_700 : vector<16xi32> to vector<32xbf16>
        %mul3A_702 = arith.mulf %bitcast3A_701, %get3A_34 : vector<32xbf16>
        %add3A_703 = arith.constant 4 : i32
        %add3A_704 = arith.addi %add3A_672, %add3A_703 : i32
        %get3A_705 = arith.index_cast %add3A_704 : i32 to index
        %get3A_706 = arith.constant 0 : index
        %get3A_707 = tpu.vector_load %arg12[%get3A_705, %get3A_706] {strides = array<i32>} : memref<360x32xi32, #tpu.memory_space<vmem>>, vector<16xi32>,
        %bitcast3A_708 = vector.bitcast %get3A_707 : vector<16xi32> to vector<32xbf16>
        %mul3A_709 = arith.mulf %bitcast3A_708, %get3A_42 : vector<32xbf16>
        %add3A_710 = arith.constant 5 : i32
        %add3A_711 = arith.addi %add3A_672, %add3A_710 : i32
        %get3A_712 = arith.index_cast %add3A_711 : i32 to index
        %get3A_713 = arith.constant 0 : index
        %get3A_714 = tpu.vector_load %arg12[%get3A_712, %get3A_713] {strides = array<i32>} : memref<360x32xi32, #tpu.memory_space<vmem>>, vector<16xi32>,
        %bitcast3A_715 = vector.bitcast %get3A_714 : vector<16xi32> to vector<32xbf16>
        %mul3A_716 = arith.mulf %bitcast3A_715, %get3A_50 : vector<32xbf16>
        %add3A_717 = arith.constant 6 : i32
        %add3A_718 = arith.addi %add3A_672, %add3A_717 : i32
        %get3A_719 = arith.index_cast %add3A_718 : i32 to index
        %get3A_720 = arith.constant 0 : index
        %get3A_721 = tpu.vector_load %arg12[%get3A_719, %get3A_720] {strides = array<i32>} : memref<360x32xi32, #tpu.memory_space<vmem>>, vector<16xi32>,
        %bitcast3A_722 = vector.bitcast %get3A_721 : vector<16xi32> to vector<32xbf16>
        %mul3A_723 = arith.mulf %bitcast3A_722, %get3A_58 : vector<32xbf16>
        %add3A_724 = arith.constant 7 : i32
        %add3A_725 = arith.addi %add3A_672, %add3A_724 : i32
        %get3A_726 = arith.index_cast %add3A_725 : i32 to index
        %get3A_727 = arith.constant 0 : index
        %get3A_728 = tpu.vector_load %arg12[%get3A_726, %get3A_727] {strides = array<i32>} : memref<360x32xi32, #tpu.memory_space<vmem>>, vector<16xi32>,
        %bitcast3A_729 = vector.bitcast %get3A_728 : vector<16xi32> to vector<32xbf16>
        %mul3A_730 = arith.mulf %bitcast3A_729, %get3A_66 : vector<32xbf16>
        %add3A_731 = arith.constant 8 : i32
        %add3A_732 = arith.addi %add3A_672, %add3A_731 : i32
        %get3A_733 = arith.index_cast %add3A_732 : i32 to index
        %get3A_734 = arith.constant 0 : index
        %get3A_735 = tpu.vector_load %arg12[%get3A_733, %get3A_734] {strides = array<i32>} : memref<360x32xi32, #tpu.memory_space<vmem>>, vector<16xi32>,
        %bitcast3A_736 = vector.bitcast %get3A_735 : vector<16xi32> to vector<32xbf16>
        %mul3A_737 = arith.mulf %bitcast3A_736, %get3A_74 : vector<32xbf16>
        %add3A_738 = arith.addf %mul3A_681, %mul3A_688 : vector<32xbf16>
        %add3A_739 = arith.addf %mul3A_695, %mul3A_702 : vector<32xbf16>
        %add3A_740 = arith.addf %mul3A_709, %mul3A_716 : vector<32xbf16>
        %add3A_741 = arith.addf %mul3A_723, %mul3A_730 : vector<32xbf16>
        %add3A_742 = arith.addf %mul3A_737, %get3A_82 : vector<32xbf16>
        %add3A_743 = arith.addf %add3A_738, %add3A_739 : vector<32xbf16>
        %add3A_744 = arith.addf %add3A_740, %add3A_741 : vector<32xbf16>
        %add3A_745 = arith.addf %add3A_743, %add3A_744 : vector<32xbf16>
        %add3A_746 = arith.addf %add3A_745, %add3A_742 : vector<32xbf16>
        %unpack3A_747 = tpu.unpack_subelements %add3A_746, 0 {pack_format = #tpu.pack_format<interleaved>} : vector<32xbf16> -> vector<16xf32>
        %unpack3A_748 = tpu.unpack_subelements %add3A_746, 1 {pack_format = #tpu.pack_format<interleaved>} : vector<32xbf16> -> vector<16xf32>
        %swap3A_749 = arith.index_cast %scan3A_674 : i32 to index
        %swap3A_750 = arith.constant 0 : index
        %swap3A_751 = tpu.vector_load %arg14[%swap3A_749, %swap3A_750] {strides = array<i32>} : memref<40x64xf32, #tpu.memory_space<vmem>>, vector<16xf32>,
        tpu.vector_store %arg14[%swap3A_749, %swap3A_750], %unpack3A_747 {strides = array<i32>} : memref<40x64xf32, #tpu.memory_space<vmem>>, vector<16xf32>,
        %swap3A_752 = arith.index_cast %scan3A_674 : i32 to index
        %swap3A_753 = arith.constant 32 : index
        %swap3A_754 = tpu.vector_load %arg14[%swap3A_752, %swap3A_753] {strides = array<i32>} : memref<40x64xf32, #tpu.memory_space<vmem>>, vector<16xf32>,
        tpu.vector_store %arg14[%swap3A_752, %swap3A_753], %unpack3A_748 {strides = array<i32>} : memref<40x64xf32, #tpu.memory_space<vmem>>, vector<16xf32>,
        %add3A_755 = arith.constant 0 : i32
        %add3A_756 = arith.addi %add3A_672, %add3A_755 : i32
        %get3A_757 = arith.index_cast %add3A_756 : i32 to index
        %get3A_758 = arith.constant 16 : index
        %get3A_759 = tpu.vector_load %arg12[%get3A_757, %get3A_758] {strides = array<i32>} : memref<360x32xi32, #tpu.memory_space<vmem>>, vector<16xi32>,
        %bitcast3A_760 = vector.bitcast %get3A_759 : vector<16xi32> to vector<32xbf16>
        %mul3A_761 = arith.mulf %bitcast3A_760, %get3A_14 : vector<32xbf16>
        %add3A_762 = arith.constant 1 : i32
        %add3A_763 = arith.addi %add3A_672, %add3A_762 : i32
        %get3A_764 = arith.index_cast %add3A_763 : i32 to index
        %get3A_765 = arith.constant 16 : index
        %get3A_766 = tpu.vector_load %arg12[%get3A_764, %get3A_765] {strides = array<i32>} : memref<360x32xi32, #tpu.memory_space<vmem>>, vector<16xi32>,
        %bitcast3A_767 = vector.bitcast %get3A_766 : vector<16xi32> to vector<32xbf16>
        %mul3A_768 = arith.mulf %bitcast3A_767, %get3A_22 : vector<32xbf16>
        %add3A_769 = arith.constant 2 : i32
        %add3A_770 = arith.addi %add3A_672, %add3A_769 : i32
        %get3A_771 = arith.index_cast %add3A_770 : i32 to index
        %get3A_772 = arith.constant 16 : index
        %get3A_773 = tpu.vector_load %arg12[%get3A_771, %get3A_772] {strides = array<i32>} : memref<360x32xi32, #tpu.memory_space<vmem>>, vector<16xi32>,
        %bitcast3A_774 = vector.bitcast %get3A_773 : vector<16xi32> to vector<32xbf16>
        %mul3A_775 = arith.mulf %bitcast3A_774, %get3A_30 : vector<32xbf16>
        %add3A_776 = arith.constant 3 : i32
        %add3A_777 = arith.addi %add3A_672, %add3A_776 : i32
        %get3A_778 = arith.index_cast %add3A_777 : i32 to index
        %get3A_779 = arith.constant 16 : index
        %get3A_780 = tpu.vector_load %arg12[%get3A_778, %get3A_779] {strides = array<i32>} : memref<360x32xi32, #tpu.memory_space<vmem>>, vector<16xi32>,
        %bitcast3A_781 = vector.bitcast %get3A_780 : vector<16xi32> to vector<32xbf16>
        %mul3A_782 = arith.mulf %bitcast3A_781, %get3A_38 : vector<32xbf16>
        %add3A_783 = arith.constant 4 : i32
        %add3A_784 = arith.addi %add3A_672, %add3A_783 : i32
        %get3A_785 = arith.index_cast %add3A_784 : i32 to index
        %get3A_786 = arith.constant 16 : index
        %get3A_787 = tpu.vector_load %arg12[%get3A_785, %get3A_786] {strides = array<i32>} : memref<360x32xi32, #tpu.memory_space<vmem>>, vector<16xi32>,
        %bitcast3A_788 = vector.bitcast %get3A_787 : vector<16xi32> to vector<32xbf16>
        %mul3A_789 = arith.mulf %bitcast3A_788, %get3A_46 : vector<32xbf16>
        %add3A_790 = arith.constant 5 : i32
        %add3A_791 = arith.addi %add3A_672, %add3A_790 : i32
        %get3A_792 = arith.index_cast %add3A_791 : i32 to index
        %get3A_793 = arith.constant 16 : index
        %get3A_794 = tpu.vector_load %arg12[%get3A_792, %get3A_793] {strides = array<i32>} : memref<360x32xi32, #tpu.memory_space<vmem>>, vector<16xi32>,
        %bitcast3A_795 = vector.bitcast %get3A_794 : vector<16xi32> to vector<32xbf16>
        %mul3A_796 = arith.mulf %bitcast3A_795, %get3A_54 : vector<32xbf16>
        %add3A_797 = arith.constant 6 : i32
        %add3A_798 = arith.addi %add3A_672, %add3A_797 : i32
        %get3A_799 = arith.index_cast %add3A_798 : i32 to index
        %get3A_800 = arith.constant 16 : index
        %get3A_801 = tpu.vector_load %arg12[%get3A_799, %get3A_800] {strides = array<i32>} : memref<360x32xi32, #tpu.memory_space<vmem>>, vector<16xi32>,
        %bitcast3A_802 = vector.bitcast %get3A_801 : vector<16xi32> to vector<32xbf16>
        %mul3A_803 = arith.mulf %bitcast3A_802, %get3A_62 : vector<32xbf16>
        %add3A_804 = arith.constant 7 : i32
        %add3A_805 = arith.addi %add3A_672, %add3A_804 : i32
        %get3A_806 = arith.index_cast %add3A_805 : i32 to index
        %get3A_807 = arith.constant 16 : index
        %get3A_808 = tpu.vector_load %arg12[%get3A_806, %get3A_807] {strides = array<i32>} : memref<360x32xi32, #tpu.memory_space<vmem>>, vector<16xi32>,
        %bitcast3A_809 = vector.bitcast %get3A_808 : vector<16xi32> to vector<32xbf16>
        %mul3A_810 = arith.mulf %bitcast3A_809, %get3A_70 : vector<32xbf16>
        %add3A_811 = arith.constant 8 : i32
        %add3A_812 = arith.addi %add3A_672, %add3A_811 : i32
        %get3A_813 = arith.index_cast %add3A_812 : i32 to index
        %get3A_814 = arith.constant 16 : index
        %get3A_815 = tpu.vector_load %arg12[%get3A_813, %get3A_814] {strides = array<i32>} : memref<360x32xi32, #tpu.memory_space<vmem>>, vector<16xi32>,
        %bitcast3A_816 = vector.bitcast %get3A_815 : vector<16xi32> to vector<32xbf16>
        %mul3A_817 = arith.mulf %bitcast3A_816, %get3A_78 : vector<32xbf16>
        %add3A_818 = arith.addf %mul3A_761, %mul3A_768 : vector<32xbf16>
        %add3A_819 = arith.addf %mul3A_775, %mul3A_782 : vector<32xbf16>
        %add3A_820 = arith.addf %mul3A_789, %mul3A_796 : vector<32xbf16>
        %add3A_821 = arith.addf %mul3A_803, %mul3A_810 : vector<32xbf16>
        %add3A_822 = arith.addf %mul3A_817, %get3A_86 : vector<32xbf16>
        %add3A_823 = arith.addf %add3A_818, %add3A_819 : vector<32xbf16>
        %add3A_824 = arith.addf %add3A_820, %add3A_821 : vector<32xbf16>
        %add3A_825 = arith.addf %add3A_823, %add3A_824 : vector<32xbf16>
        %add3A_826 = arith.addf %add3A_825, %add3A_822 : vector<32xbf16>
        %unpack3A_827 = tpu.unpack_subelements %add3A_826, 0 {pack_format = #tpu.pack_format<interleaved>} : vector<32xbf16> -> vector<16xf32>
        %unpack3A_828 = tpu.unpack_subelements %add3A_826, 1 {pack_format = #tpu.pack_format<interleaved>} : vector<32xbf16> -> vector<16xf32>
        %swap3A_829 = arith.index_cast %scan3A_674 : i32 to index
        %swap3A_830 = arith.constant 16 : index
        %swap3A_831 = tpu.vector_load %arg14[%swap3A_829, %swap3A_830] {strides = array<i32>} : memref<40x64xf32, #tpu.memory_space<vmem>>, vector<16xf32>,
        tpu.vector_store %arg14[%swap3A_829, %swap3A_830], %unpack3A_827 {strides = array<i32>} : memref<40x64xf32, #tpu.memory_space<vmem>>, vector<16xf32>,
        %swap3A_832 = arith.index_cast %scan3A_674 : i32 to index
        %swap3A_833 = arith.constant 48 : index
        %swap3A_834 = tpu.vector_load %arg14[%swap3A_832, %swap3A_833] {strides = array<i32>} : memref<40x64xf32, #tpu.memory_space<vmem>>, vector<16xf32>,
        tpu.vector_store %arg14[%swap3A_832, %swap3A_833], %unpack3A_828 {strides = array<i32>} : memref<40x64xf32, #tpu.memory_space<vmem>>, vector<16xf32>,
        %add3A_835 = arith.constant 9 : i32
        %add3A_836 = arith.addi %add3A_672, %add3A_835 : i32
        scf.yield %add3A_836 : i32
      }
      %scan3A_494 = arith.constant 40 : i32
      %mul3A_495 = arith.constant 3200 : i32
      %mul3A_496 = arith.muli %arg1, %mul3A_495 : i32
      %mul3A_497 = arith.constant 40 : i32
      %mul3A_498 = arith.muli %add3A_278, %mul3A_497 : i32
      %add3A_499 = arith.addi %mul3A_496, %mul3A_498 : i32
      %lt3A_500 = arith.constant 50000 : i32
      %lt3A_501 = arith.cmpi slt, %add3A_499, %lt3A_500 : i32
      %convert_element_type3A_502 = arith.extui %lt3A_501 : i1 to i32
      %cond3A_503 = arith.constant 0 : i32
      %cond3A_504 = arith.cmpi ne, %convert_element_type3A_502, %cond3A_503 : i32
      scf.if %cond3A_504 {
        %mul3A_512 = arith.constant 3200 : i32
        %mul3A_513 = arith.muli %arg1, %mul3A_512 : i32
        %mul3A_514 = arith.constant 40 : i32
        %mul3A_515 = arith.muli %add3A_278, %mul3A_514 : i32
        %add3A_516 = arith.addi %mul3A_513, %mul3A_515 : i32
        %mul3A_517 = arith.constant 64 : i32
        %mul3A_518 = arith.muli %arg0, %mul3A_517 : i32
        %dma_start3A_519 = tpu.memref_slice %arg7[%add3A_516, %mul3A_518] : memref<50000x128xf32, #tpu.memory_space<hbm>> -> memref<40x64xf32, #tpu.memory_space<hbm>>
        %dma_start3A_520 = tpu.memref_slice %arg7[%add3A_516, %mul3A_518] : memref<50000x128xf32, #tpu.memory_space<hbm>> -> memref<40x64xf32, #tpu.memory_space<hbm>>
        tpu.enqueue_dma source(%arg14 : memref<40x64xf32, #tpu.memory_space<vmem>>) target(%dma_start3A_520 : memref<40x64xf32, #tpu.memory_space<hbm>>) target_semaphore(%arg21 : memref<!tpu.dma_semaphore, #tpu.memory_space<semaphore_mem>>)
      } else {
      }
      %add3A_505 = arith.constant 2 : i32
      %add3A_506 = arith.addi %add3A_278, %add3A_505 : i32
      %lt3A_507 = arith.constant 80 : i32
      %lt3A_508 = arith.cmpi slt, %add3A_506, %lt3A_507 : i32
      %convert_element_type3A_509 = arith.extui %lt3A_508 : i1 to i32
      %cond3A_510 = arith.constant 0 : i32
      %cond3A_511 = arith.cmpi ne, %convert_element_type3A_509, %cond3A_510 : i32
      scf.if %cond3A_511 {
        %add3A_512 = arith.constant 2 : i32
        %add3A_513 = arith.addi %add3A_278, %add3A_512 : i32
        %add3A_514 = arith.addi %mul3A_7, %add3A_513 : i32
        %mul3A_515 = arith.constant 360 : i32
        %mul3A_516 = arith.muli %add3A_514, %mul3A_515 : i32
        %dma_wait3A_517 = tpu.memref_slice %arg4[%mul3A_516] : memref<460800xi32, #tpu.memory_space<hbm>> -> memref<360xi32, #tpu.memory_space<hbm>>
        %dma_wait3A_518 = tpu.memref_slice %arg4[%mul3A_516] : memref<460800xi32, #tpu.memory_space<hbm>> -> memref<360xi32, #tpu.memory_space<hbm>>
        tpu.wait_dma2 semaphore(%arg20 : memref<!tpu.dma_semaphore, #tpu.memory_space<semaphore_mem>>) src(%dma_wait3A_518 : memref<360xi32, #tpu.memory_space<hbm>>) dst(%arg10 : memref<360xi32, #tpu.memory_space<vmem>>)
        %dma_start3A_519 = arith.constant 0 : i32
        %dma_start3A_520 = arith.constant 0 : i32
        %dma_start3A_521 = tpu.memref_slice %arg12[%dma_start3A_519, %dma_start3A_520] : memref<360x32xi32, #tpu.memory_space<vmem>> -> memref<40x32xi32, #tpu.memory_space<vmem>>
        %dma_start3A_522 = arith.constant 0 : i32
        %dma_start3A_523 = tpu.memref_slice %arg10[%dma_start3A_522] : memref<360xi32, #tpu.memory_space<vmem>> -> memref<40xi32, #tpu.memory_space<vmem>>
        %dma_start3A_524 = arith.constant 0 : i32
        %dma_start3A_525 = arith.constant 0 : i32
        %dma_start3A_526 = tpu.memref_slice %arg8[%dma_start3A_524, %dma_start3A_525] : memref<50048x32xi32, #tpu.memory_space<vmem_shared>> -> memref<50048x32xi32, #tpu.memory_space<vmem_shared>>
        tpu.enqueue_indirect_dma source(%dma_start3A_526 : memref<50048x32xi32, #tpu.memory_space<vmem_shared>>) target(%dma_start3A_521 : memref<40x32xi32, #tpu.memory_space<vmem>>) offsets(%dma_start3A_523 : memref<40xi32, #tpu.memory_space<vmem>>) semaphore(%arg18 : memref<!tpu.dma_semaphore, #tpu.memory_space<semaphore_mem>>)
        %dma_start3A_527 = arith.constant 40 : i32
        %dma_start3A_528 = arith.constant 0 : i32
        %dma_start3A_529 = tpu.memref_slice %arg12[%dma_start3A_527, %dma_start3A_528] : memref<360x32xi32, #tpu.memory_space<vmem>> -> memref<40x32xi32, #tpu.memory_space<vmem>>
        %dma_start3A_530 = arith.constant 40 : i32
        %dma_start3A_531 = tpu.memref_slice %arg10[%dma_start3A_530] : memref<360xi32, #tpu.memory_space<vmem>> -> memref<40xi32, #tpu.memory_space<vmem>>
        %dma_start3A_532 = arith.constant 0 : i32
        %dma_start3A_533 = arith.constant 0 : i32
        %dma_start3A_534 = tpu.memref_slice %arg8[%dma_start3A_532, %dma_start3A_533] : memref<50048x32xi32, #tpu.memory_space<vmem_shared>> -> memref<50048x32xi32, #tpu.memory_space<vmem_shared>>
        tpu.enqueue_indirect_dma source(%dma_start3A_534 : memref<50048x32xi32, #tpu.memory_space<vmem_shared>>) target(%dma_start3A_529 : memref<40x32xi32, #tpu.memory_space<vmem>>) offsets(%dma_start3A_531 : memref<40xi32, #tpu.memory_space<vmem>>) semaphore(%arg18 : memref<!tpu.dma_semaphore, #tpu.memory_space<semaphore_mem>>)
        %dma_start3A_535 = arith.constant 80 : i32
        %dma_start3A_536 = arith.constant 0 : i32
        %dma_start3A_537 = tpu.memref_slice %arg12[%dma_start3A_535, %dma_start3A_536] : memref<360x32xi32, #tpu.memory_space<vmem>> -> memref<40x32xi32, #tpu.memory_space<vmem>>
        %dma_start3A_538 = arith.constant 80 : i32
        %dma_start3A_539 = tpu.memref_slice %arg10[%dma_start3A_538] : memref<360xi32, #tpu.memory_space<vmem>> -> memref<40xi32, #tpu.memory_space<vmem>>
        %dma_start3A_540 = arith.constant 0 : i32
        %dma_start3A_541 = arith.constant 0 : i32
        %dma_start3A_542 = tpu.memref_slice %arg8[%dma_start3A_540, %dma_start3A_541] : memref<50048x32xi32, #tpu.memory_space<vmem_shared>> -> memref<50048x32xi32, #tpu.memory_space<vmem_shared>>
        tpu.enqueue_indirect_dma source(%dma_start3A_542 : memref<50048x32xi32, #tpu.memory_space<vmem_shared>>) target(%dma_start3A_537 : memref<40x32xi32, #tpu.memory_space<vmem>>) offsets(%dma_start3A_539 : memref<40xi32, #tpu.memory_space<vmem>>) semaphore(%arg18 : memref<!tpu.dma_semaphore, #tpu.memory_space<semaphore_mem>>)
        %dma_start3A_543 = arith.constant 120 : i32
        %dma_start3A_544 = arith.constant 0 : i32
        %dma_start3A_545 = tpu.memref_slice %arg12[%dma_start3A_543, %dma_start3A_544] : memref<360x32xi32, #tpu.memory_space<vmem>> -> memref<40x32xi32, #tpu.memory_space<vmem>>
        %dma_start3A_546 = arith.constant 120 : i32
        %dma_start3A_547 = tpu.memref_slice %arg10[%dma_start3A_546] : memref<360xi32, #tpu.memory_space<vmem>> -> memref<40xi32, #tpu.memory_space<vmem>>
        %dma_start3A_548 = arith.constant 0 : i32
        %dma_start3A_549 = arith.constant 0 : i32
        %dma_start3A_550 = tpu.memref_slice %arg8[%dma_start3A_548, %dma_start3A_549] : memref<50048x32xi32, #tpu.memory_space<vmem_shared>> -> memref<50048x32xi32, #tpu.memory_space<vmem_shared>>
        tpu.enqueue_indirect_dma source(%dma_start3A_550 : memref<50048x32xi32, #tpu.memory_space<vmem_shared>>) target(%dma_start3A_545 : memref<40x32xi32, #tpu.memory_space<vmem>>) offsets(%dma_start3A_547 : memref<40xi32, #tpu.memory_space<vmem>>) semaphore(%arg18 : memref<!tpu.dma_semaphore, #tpu.memory_space<semaphore_mem>>)
        %dma_start3A_551 = arith.constant 160 : i32
        %dma_start3A_552 = arith.constant 0 : i32
        %dma_start3A_553 = tpu.memref_slice %arg12[%dma_start3A_551, %dma_start3A_552] : memref<360x32xi32, #tpu.memory_space<vmem>> -> memref<40x32xi32, #tpu.memory_space<vmem>>
        %dma_start3A_554 = arith.constant 160 : i32
        %dma_start3A_555 = tpu.memref_slice %arg10[%dma_start3A_554] : memref<360xi32, #tpu.memory_space<vmem>> -> memref<40xi32, #tpu.memory_space<vmem>>
        %dma_start3A_556 = arith.constant 0 : i32
        %dma_start3A_557 = arith.constant 0 : i32
        %dma_start3A_558 = tpu.memref_slice %arg8[%dma_start3A_556, %dma_start3A_557] : memref<50048x32xi32, #tpu.memory_space<vmem_shared>> -> memref<50048x32xi32, #tpu.memory_space<vmem_shared>>
        tpu.enqueue_indirect_dma source(%dma_start3A_558 : memref<50048x32xi32, #tpu.memory_space<vmem_shared>>) target(%dma_start3A_553 : memref<40x32xi32, #tpu.memory_space<vmem>>) offsets(%dma_start3A_555 : memref<40xi32, #tpu.memory_space<vmem>>) semaphore(%arg18 : memref<!tpu.dma_semaphore, #tpu.memory_space<semaphore_mem>>)
        %dma_start3A_559 = arith.constant 200 : i32
        %dma_start3A_560 = arith.constant 0 : i32
        %dma_start3A_561 = tpu.memref_slice %arg12[%dma_start3A_559, %dma_start3A_560] : memref<360x32xi32, #tpu.memory_space<vmem>> -> memref<40x32xi32, #tpu.memory_space<vmem>>
        %dma_start3A_562 = arith.constant 200 : i32
        %dma_start3A_563 = tpu.memref_slice %arg10[%dma_start3A_562] : memref<360xi32, #tpu.memory_space<vmem>> -> memref<40xi32, #tpu.memory_space<vmem>>
        %dma_start3A_564 = arith.constant 0 : i32
        %dma_start3A_565 = arith.constant 0 : i32
        %dma_start3A_566 = tpu.memref_slice %arg8[%dma_start3A_564, %dma_start3A_565] : memref<50048x32xi32, #tpu.memory_space<vmem_shared>> -> memref<50048x32xi32, #tpu.memory_space<vmem_shared>>
        tpu.enqueue_indirect_dma source(%dma_start3A_566 : memref<50048x32xi32, #tpu.memory_space<vmem_shared>>) target(%dma_start3A_561 : memref<40x32xi32, #tpu.memory_space<vmem>>) offsets(%dma_start3A_563 : memref<40xi32, #tpu.memory_space<vmem>>) semaphore(%arg18 : memref<!tpu.dma_semaphore, #tpu.memory_space<semaphore_mem>>)
        %dma_start3A_567 = arith.constant 240 : i32
        %dma_start3A_568 = arith.constant 0 : i32
        %dma_start3A_569 = tpu.memref_slice %arg12[%dma_start3A_567, %dma_start3A_568] : memref<360x32xi32, #tpu.memory_space<vmem>> -> memref<40x32xi32, #tpu.memory_space<vmem>>
        %dma_start3A_570 = arith.constant 240 : i32
        %dma_start3A_571 = tpu.memref_slice %arg10[%dma_start3A_570] : memref<360xi32, #tpu.memory_space<vmem>> -> memref<40xi32, #tpu.memory_space<vmem>>
        %dma_start3A_572 = arith.constant 0 : i32
        %dma_start3A_573 = arith.constant 0 : i32
        %dma_start3A_574 = tpu.memref_slice %arg8[%dma_start3A_572, %dma_start3A_573] : memref<50048x32xi32, #tpu.memory_space<vmem_shared>> -> memref<50048x32xi32, #tpu.memory_space<vmem_shared>>
        tpu.enqueue_indirect_dma source(%dma_start3A_574 : memref<50048x32xi32, #tpu.memory_space<vmem_shared>>) target(%dma_start3A_569 : memref<40x32xi32, #tpu.memory_space<vmem>>) offsets(%dma_start3A_571 : memref<40xi32, #tpu.memory_space<vmem>>) semaphore(%arg18 : memref<!tpu.dma_semaphore, #tpu.memory_space<semaphore_mem>>)
        %dma_start3A_575 = arith.constant 280 : i32
        %dma_start3A_576 = arith.constant 0 : i32
        %dma_start3A_577 = tpu.memref_slice %arg12[%dma_start3A_575, %dma_start3A_576] : memref<360x32xi32, #tpu.memory_space<vmem>> -> memref<40x32xi32, #tpu.memory_space<vmem>>
        %dma_start3A_578 = arith.constant 280 : i32
        %dma_start3A_579 = tpu.memref_slice %arg10[%dma_start3A_578] : memref<360xi32, #tpu.memory_space<vmem>> -> memref<40xi32, #tpu.memory_space<vmem>>
        %dma_start3A_580 = arith.constant 0 : i32
        %dma_start3A_581 = arith.constant 0 : i32
        %dma_start3A_582 = tpu.memref_slice %arg8[%dma_start3A_580, %dma_start3A_581] : memref<50048x32xi32, #tpu.memory_space<vmem_shared>> -> memref<50048x32xi32, #tpu.memory_space<vmem_shared>>
        tpu.enqueue_indirect_dma source(%dma_start3A_582 : memref<50048x32xi32, #tpu.memory_space<vmem_shared>>) target(%dma_start3A_577 : memref<40x32xi32, #tpu.memory_space<vmem>>) offsets(%dma_start3A_579 : memref<40xi32, #tpu.memory_space<vmem>>) semaphore(%arg18 : memref<!tpu.dma_semaphore, #tpu.memory_space<semaphore_mem>>)
        %dma_start3A_583 = arith.constant 320 : i32
        %dma_start3A_584 = arith.constant 0 : i32
        %dma_start3A_585 = tpu.memref_slice %arg12[%dma_start3A_583, %dma_start3A_584] : memref<360x32xi32, #tpu.memory_space<vmem>> -> memref<40x32xi32, #tpu.memory_space<vmem>>
        %dma_start3A_586 = arith.constant 320 : i32
        %dma_start3A_587 = tpu.memref_slice %arg10[%dma_start3A_586] : memref<360xi32, #tpu.memory_space<vmem>> -> memref<40xi32, #tpu.memory_space<vmem>>
        %dma_start3A_588 = arith.constant 0 : i32
        %dma_start3A_589 = arith.constant 0 : i32
        %dma_start3A_590 = tpu.memref_slice %arg8[%dma_start3A_588, %dma_start3A_589] : memref<50048x32xi32, #tpu.memory_space<vmem_shared>> -> memref<50048x32xi32, #tpu.memory_space<vmem_shared>>
        tpu.enqueue_indirect_dma source(%dma_start3A_590 : memref<50048x32xi32, #tpu.memory_space<vmem_shared>>) target(%dma_start3A_585 : memref<40x32xi32, #tpu.memory_space<vmem>>) offsets(%dma_start3A_587 : memref<40xi32, #tpu.memory_space<vmem>>) semaphore(%arg18 : memref<!tpu.dma_semaphore, #tpu.memory_space<semaphore_mem>>)
      } else {
      }
    }
    %scan3A_256 = arith.constant 40 : i32
    %mul3A_257 = arith.constant 3200 : i32
    %mul3A_258 = arith.muli %arg1, %mul3A_257 : i32
    %add3A_259 = arith.constant 3120 : i32
    %add3A_260 = arith.addi %mul3A_258, %add3A_259 : i32
    %lt3A = arith.constant 50000 : i32
    %lt3A_261 = arith.cmpi slt, %add3A_260, %lt3A : i32
    %convert_element_type3A_262 = arith.extui %lt3A_261 : i1 to i32
    %cond3A_263 = arith.constant 0 : i32
    %cond3A_264 = arith.cmpi ne, %convert_element_type3A_262, %cond3A_263 : i32
    scf.if %cond3A_264 {
      %mul3A_274 = arith.constant 3200 : i32
      %mul3A_275 = arith.muli %arg1, %mul3A_274 : i32
      %add3A_276 = arith.constant 3120 : i32
      %add3A_277 = arith.addi %mul3A_275, %add3A_276 : i32
      %mul3A_278 = arith.constant 64 : i32
      %mul3A_279 = arith.muli %arg0, %mul3A_278 : i32
      %dma_wait3A_280 = tpu.memref_slice %arg7[%add3A_277, %mul3A_279] : memref<50000x128xf32, #tpu.memory_space<hbm>> -> memref<40x64xf32, #tpu.memory_space<hbm>>
      %dma_wait3A_281 = tpu.memref_slice %arg7[%add3A_277, %mul3A_279] : memref<50000x128xf32, #tpu.memory_space<hbm>> -> memref<40x64xf32, #tpu.memory_space<hbm>>
      tpu.wait_dma2 semaphore(%arg21 : memref<!tpu.dma_semaphore, #tpu.memory_space<semaphore_mem>>) src(%arg13 : memref<40x64xf32, #tpu.memory_space<vmem>>) dst(%dma_wait3A_281 : memref<40x64xf32, #tpu.memory_space<hbm>>)
    } else {
    }
    %mul3A_265 = arith.constant 3200 : i32
    %mul3A_266 = arith.muli %arg1, %mul3A_265 : i32
    %add3A_267 = arith.constant 3160 : i32
    %add3A_268 = arith.addi %mul3A_266, %add3A_267 : i32
    %lt3A_269 = arith.constant 50000 : i32
    %lt3A_270 = arith.cmpi slt, %add3A_268, %lt3A_269 : i32
    %convert_element_type3A_271 = arith.extui %lt3A_270 : i1 to i32
    %cond3A_272 = arith.constant 0 : i32
    %cond3A_273 = arith.cmpi ne, %convert_element_type3A_271, %cond3A_272 : i32
    scf.if %cond3A_273 {
      %mul3A_274 = arith.constant 3200 : i32
      %mul3A_275 = arith.muli %arg1, %mul3A_274 : i32
      %add3A_276 = arith.constant 3160 : i32
      %add3A_277 = arith.addi %mul3A_275, %add3A_276 : i32
      %mul3A_278 = arith.constant 64 : i32
      %mul3A_279 = arith.muli %arg0, %mul3A_278 : i32
      %dma_wait3A_280 = tpu.memref_slice %arg7[%add3A_277, %mul3A_279] : memref<50000x128xf32, #tpu.memory_space<hbm>> -> memref<40x64xf32, #tpu.memory_space<hbm>>
      %dma_wait3A_281 = tpu.memref_slice %arg7[%add3A_277, %mul3A_279] : memref<50000x128xf32, #tpu.memory_space<hbm>> -> memref<40x64xf32, #tpu.memory_space<hbm>>
      tpu.wait_dma2 semaphore(%arg21 : memref<!tpu.dma_semaphore, #tpu.memory_space<semaphore_mem>>) src(%arg14 : memref<40x64xf32, #tpu.memory_space<vmem>>) dst(%dma_wait3A_281 : memref<40x64xf32, #tpu.memory_space<hbm>>)
    } else {
    }
    return
  }
}

module attributes {stable_mosaic.version = 14 : i64} {
  func.func @_norm_body(%arg0: i32, %arg1: memref<2000x128xf32, #tpu.memory_space<vmem>>, %arg2: memref<1x128xf32, #tpu.memory_space<vmem>>, %arg3: memref<1x128xf32, #tpu.memory_space<vmem>>, %arg4: memref<1x128xf32, #tpu.memory_space<vmem>>, %arg5: memref<1x128xf32, #tpu.memory_space<vmem>>, %arg6: memref<128x128xf32, #tpu.memory_space<vmem>>, %arg7: memref<2000x32xi32, #tpu.memory_space<vmem>>, %arg8: memref<2000x32xi32, #tpu.memory_space<vmem>>) attributes {dimension_semantics = [#tpu.dimension_semantics<arbitrary>], iteration_bounds = array<i64: 25>, scalar_prefetch = 0 : i64, scratch_operands = 0 : i64, tpu.core_type = #tpu.core_type<tc>, window_params = [{transform_indices = @transform_0, window_bounds = array<i64: 2000, 128>}, {pipeline_mode = #tpu.pipeline_mode<synchronous>, transform_indices = @transform_1, window_bounds = array<i64: 1, 128>}, {pipeline_mode = #tpu.pipeline_mode<synchronous>, transform_indices = @transform_2, window_bounds = array<i64: 1, 128>}, {pipeline_mode = #tpu.pipeline_mode<synchronous>, transform_indices = @transform_3, window_bounds = array<i64: 1, 128>}, {pipeline_mode = #tpu.pipeline_mode<synchronous>, transform_indices = @transform_4, window_bounds = array<i64: 1, 128>}, {pipeline_mode = #tpu.pipeline_mode<synchronous>, transform_indices = @transform_5, window_bounds = array<i64: 128, 128>}, {transform_indices = @transform_6, window_bounds = array<i64: 2000, 32>}, {transform_indices = @transform_7, window_bounds = array<i64: 2000, 32>}]} {
    %get3A = arith.constant 0 : index
    %get3A_0 = arith.constant 0 : index
    %get3A_1 = vector.load %arg6[%get3A, %get3A_0] : memref<128x128xf32, #tpu.memory_space<vmem>>, vector<128x128xf32>
    %get3A_2 = arith.constant 0 : index
    %get3A_3 = arith.constant 0 : index
    %get3A_4 = vector.load %arg2[%get3A_2, %get3A_3] : memref<1x128xf32, #tpu.memory_space<vmem>>, vector<1x128xf32>
    %dot_general3A = arith.constant dense<0.000000e+00> : vector<1x128xf32>
    %dot_general3A_5 = tpu.matmul %get3A_4, %get3A_1, %dot_general3A {dimension_numbers = #tpu.dot_dimension_numbers<[1], [0], [0], [1], [0, 0, 1, 1], [], []>, transpose_lhs_hint = false} : vector<1x128xf32>, vector<128x128xf32>, vector<1x128xf32> -> vector<1x128xf32>
    %get3A_6 = arith.constant 0 : index
    %get3A_7 = arith.constant 0 : index
    %get3A_8 = vector.load %arg3[%get3A_6, %get3A_7] : memref<1x128xf32, #tpu.memory_space<vmem>>, vector<1x128xf32>
    %dot_general3A_9 = arith.constant dense<0.000000e+00> : vector<1x128xf32>
    %dot_general3A_10 = tpu.matmul %get3A_8, %get3A_1, %dot_general3A_9 {dimension_numbers = #tpu.dot_dimension_numbers<[1], [0], [0], [1], [0, 0, 1, 1], [], []>, transpose_lhs_hint = false} : vector<1x128xf32>, vector<128x128xf32>, vector<1x128xf32> -> vector<1x128xf32>
    %mul3A = arith.mulf %dot_general3A_5, %dot_general3A_5 : vector<1x128xf32>
    %sub3A = arith.subf %dot_general3A_10, %mul3A : vector<1x128xf32>
    %add3A = arith.constant 9.99999974E-6 : f32
    %add3A_11 = vector.broadcast %add3A : f32 to vector<1x128xf32>
    %add3A_12 = arith.addf %sub3A, %add3A_11 : vector<1x128xf32>
    %rsqrt3A = math.rsqrt %add3A_12 : vector<1x128xf32>
    %get3A_13 = arith.constant 0 : index
    %get3A_14 = arith.constant 0 : index
    %get3A_15 = vector.load %arg4[%get3A_13, %get3A_14] : memref<1x128xf32, #tpu.memory_space<vmem>>, vector<1x128xf32>
    %mul3A_16 = arith.mulf %get3A_15, %rsqrt3A : vector<1x128xf32>
    %get3A_17 = arith.constant 0 : index
    %get3A_18 = arith.constant 0 : index
    %get3A_19 = vector.load %arg5[%get3A_17, %get3A_18] : memref<1x128xf32, #tpu.memory_space<vmem>>, vector<1x128xf32>
    %mul3A_20 = arith.mulf %dot_general3A_5, %mul3A_16 : vector<1x128xf32>
    %sub3A_21 = arith.subf %get3A_19, %mul3A_20 : vector<1x128xf32>
    %get3A_22 = arith.constant 0 : index
    %get3A_23 = arith.constant 0 : index
    %get3A_24 = vector.load %arg1[%get3A_22, %get3A_23] : memref<2000x128xf32, #tpu.memory_space<vmem>>, vector<2000x128xf32>
    %mul3A_25 = vector.broadcast %mul3A_16 : vector<1x128xf32> to vector<2000x128xf32>
    %mul3A_26 = arith.mulf %get3A_24, %mul3A_25 : vector<2000x128xf32>
    %add3A_27 = vector.broadcast %sub3A_21 : vector<1x128xf32> to vector<2000x128xf32>
    %add3A_28 = arith.addf %mul3A_26, %add3A_27 : vector<2000x128xf32>
    %max3A = arith.constant 0.000000e+00 : f32
    %max3A_29 = vector.broadcast %max3A : f32 to vector<2000x128xf32>
    %max3A_30 = arith.maximumf %add3A_28, %max3A_29 : vector<2000x128xf32>
    %convert_element_type3A = arith.truncf %max3A_30 : vector<2000x128xf32> to vector<2000x128xbf16>
    %bitcast_convert_type3A = tpu.bitcast %convert_element_type3A : vector<2000x128xbf16> -> vector<2000x128xi16>
    %convert_element_type3A_31 = arith.extui %bitcast_convert_type3A : vector<2000x128xi16> to vector<2000x128xi32>
    %slice3A = vector.extract_strided_slice %convert_element_type3A_31 {offsets = [0, 0], sizes = [2000, 32], strides = [1, 1]} : vector<2000x128xi32> to vector<2000x32xi32>
    %slice3A_32 = vector.extract_strided_slice %convert_element_type3A_31 {offsets = [0, 32], sizes = [2000, 32], strides = [1, 1]} : vector<2000x128xi32> to vector<2000x32xi32>
    %shift_left3A = arith.constant 16 : i32
    %shift_left3A_33 = vector.broadcast %shift_left3A : i32 to vector<2000x32xi32>
    %shift_left3A_34 = arith.shli %slice3A_32, %shift_left3A_33 : vector<2000x32xi32>
    %or3A = arith.ori %slice3A, %shift_left3A_34 : vector<2000x32xi32>
    %swap3A = arith.constant 0 : index
    %swap3A_35 = arith.constant 0 : index
    %swap3A_36 = vector.load %arg7[%swap3A, %swap3A_35] : memref<2000x32xi32, #tpu.memory_space<vmem>>, vector<2000x32xi32>
    tpu.vector_store %arg7[%swap3A, %swap3A_35], %or3A {strides = array<i32>} : memref<2000x32xi32, #tpu.memory_space<vmem>>, vector<2000x32xi32>,
    %slice3A_37 = vector.extract_strided_slice %convert_element_type3A_31 {offsets = [0, 64], sizes = [2000, 32], strides = [1, 1]} : vector<2000x128xi32> to vector<2000x32xi32>
    %slice3A_38 = vector.extract_strided_slice %convert_element_type3A_31 {offsets = [0, 96], sizes = [2000, 32], strides = [1, 1]} : vector<2000x128xi32> to vector<2000x32xi32>
    %shift_left3A_39 = arith.constant 16 : i32
    %shift_left3A_40 = vector.broadcast %shift_left3A_39 : i32 to vector<2000x32xi32>
    %shift_left3A_41 = arith.shli %slice3A_38, %shift_left3A_40 : vector<2000x32xi32>
    %or3A_42 = arith.ori %slice3A_37, %shift_left3A_41 : vector<2000x32xi32>
    %swap3A_43 = arith.constant 0 : index
    %swap3A_44 = arith.constant 0 : index
    %swap3A_45 = vector.load %arg8[%swap3A_43, %swap3A_44] : memref<2000x32xi32, #tpu.memory_space<vmem>>, vector<2000x32xi32>
    tpu.vector_store %arg8[%swap3A_43, %swap3A_44], %or3A_42 {strides = array<i32>} : memref<2000x32xi32, #tpu.memory_space<vmem>>, vector<2000x32xi32>,
    return
  }
  func.func @transform_0(%arg0: i32) -> (i32, i32) {
    %c0_i32 = arith.constant 0 : i32
    %c0_i32_0 = arith.constant 0 : i32
    return %arg0, %c0_i32 : i32, i32
  }
  func.func @transform_1(%arg0: i32) -> (i32, i32) {
    %c0_i32 = arith.constant 0 : i32
    %c0_i32_0 = arith.constant 0 : i32
    %c0_i32_1 = arith.constant 0 : i32
    return %c0_i32, %c0_i32_0 : i32, i32
  }
  func.func @transform_2(%arg0: i32) -> (i32, i32) {
    %c0_i32 = arith.constant 0 : i32
    %c0_i32_0 = arith.constant 0 : i32
    %c0_i32_1 = arith.constant 0 : i32
    return %c0_i32, %c0_i32_0 : i32, i32
  }
  func.func @transform_3(%arg0: i32) -> (i32, i32) {
    %c0_i32 = arith.constant 0 : i32
    %c0_i32_0 = arith.constant 0 : i32
    %c0_i32_1 = arith.constant 0 : i32
    return %c0_i32, %c0_i32_0 : i32, i32
  }
  func.func @transform_4(%arg0: i32) -> (i32, i32) {
    %c0_i32 = arith.constant 0 : i32
    %c0_i32_0 = arith.constant 0 : i32
    %c0_i32_1 = arith.constant 0 : i32
    return %c0_i32, %c0_i32_0 : i32, i32
  }
  func.func @transform_5(%arg0: i32) -> (i32, i32) {
    %c0_i32 = arith.constant 0 : i32
    %c0_i32_0 = arith.constant 0 : i32
    %c0_i32_1 = arith.constant 0 : i32
    return %c0_i32, %c0_i32_0 : i32, i32
  }
  func.func @transform_6(%arg0: i32) -> (i32, i32) {
    %c0_i32 = arith.constant 0 : i32
    %c0_i32_0 = arith.constant 0 : i32
    return %arg0, %c0_i32 : i32, i32
  }
  func.func @transform_7(%arg0: i32) -> (i32, i32) {
    %c0_i32 = arith.constant 0 : i32
    %c0_i32_0 = arith.constant 0 : i32
    return %arg0, %c0_i32 : i32, i32
  }
}

module attributes {stable_mosaic.version = 14 : i64} {
  func.func @_stats_body(%arg0: i32, %arg1: memref<2000x128xf32, #tpu.memory_space<vmem>>, %arg2: memref<1x128xf32, #tpu.memory_space<vmem>>, %arg3: memref<1x128xf32, #tpu.memory_space<vmem>>) attributes {dimension_semantics = [#tpu.dimension_semantics<arbitrary>], iteration_bounds = array<i64: 25>, scalar_prefetch = 0 : i64, scratch_operands = 0 : i64, tpu.core_type = #tpu.core_type<tc>, window_params = [{transform_indices = @transform_0, window_bounds = array<i64: 2000, 128>}, {pipeline_mode = #tpu.pipeline_mode<synchronous>, transform_indices = @transform_1, window_bounds = array<i64: 1, 128>}, {pipeline_mode = #tpu.pipeline_mode<synchronous>, transform_indices = @transform_2, window_bounds = array<i64: 1, 128>}]} {
    %eq3A = arith.constant 0 : i32
    %eq3A_0 = arith.cmpi eq, %arg0, %eq3A : i32
    %convert_element_type3A = arith.extui %eq3A_0 : i1 to i32
    %cond3A = arith.constant 0 : i32
    %cond3A_1 = arith.cmpi ne, %convert_element_type3A, %cond3A : i32
    scf.if %cond3A_1 {
      %broadcast_in_dim3A_20 = arith.constant 0.000000e+00 : f32
      %broadcast_in_dim3A_21 = vector.broadcast %broadcast_in_dim3A_20 : f32 to vector<1x128xf32>
      %swap3A_22 = arith.constant 0 : index
      %swap3A_23 = arith.constant 0 : index
      %swap3A_24 = vector.load %arg2[%swap3A_22, %swap3A_23] : memref<1x128xf32, #tpu.memory_space<vmem>>, vector<1x128xf32>
      tpu.vector_store %arg2[%swap3A_22, %swap3A_23], %broadcast_in_dim3A_21 {strides = array<i32>} : memref<1x128xf32, #tpu.memory_space<vmem>>, vector<1x128xf32>,
      %broadcast_in_dim3A_25 = arith.constant 0.000000e+00 : f32
      %broadcast_in_dim3A_26 = vector.broadcast %broadcast_in_dim3A_25 : f32 to vector<1x128xf32>
      %swap3A_27 = arith.constant 0 : index
      %swap3A_28 = arith.constant 0 : index
      %swap3A_29 = vector.load %arg3[%swap3A_27, %swap3A_28] : memref<1x128xf32, #tpu.memory_space<vmem>>, vector<1x128xf32>
      tpu.vector_store %arg3[%swap3A_27, %swap3A_28], %broadcast_in_dim3A_26 {strides = array<i32>} : memref<1x128xf32, #tpu.memory_space<vmem>>, vector<1x128xf32>,
    } else {
    }
    %get3A = arith.constant 0 : index
    %get3A_2 = arith.constant 0 : index
    %get3A_3 = vector.load %arg1[%get3A, %get3A_2] : memref<2000x128xf32, #tpu.memory_space<vmem>>, vector<2000x128xf32>
    %get3A_4 = arith.constant 0 : index
    %get3A_5 = arith.constant 0 : index
    %get3A_6 = vector.load %arg2[%get3A_4, %get3A_5] : memref<1x128xf32, #tpu.memory_space<vmem>>, vector<1x128xf32>
    %reduce_sum3A = arith.constant dense<0.000000e+00> : vector<128xf32>
    %reduce_sum3A_7 = vector.multi_reduction <add>, %get3A_3, %reduce_sum3A [0] : vector<2000x128xf32> to vector<128xf32>
    %broadcast_in_dim3A = vector.shape_cast %reduce_sum3A_7 : vector<128xf32> to vector<1x128xf32>
    %add3A = arith.addf %get3A_6, %broadcast_in_dim3A : vector<1x128xf32>
    %swap3A = arith.constant 0 : index
    %swap3A_8 = arith.constant 0 : index
    %swap3A_9 = vector.load %arg2[%swap3A, %swap3A_8] : memref<1x128xf32, #tpu.memory_space<vmem>>, vector<1x128xf32>
    tpu.vector_store %arg2[%swap3A, %swap3A_8], %add3A {strides = array<i32>} : memref<1x128xf32, #tpu.memory_space<vmem>>, vector<1x128xf32>,
    %get3A_10 = arith.constant 0 : index
    %get3A_11 = arith.constant 0 : index
    %get3A_12 = vector.load %arg3[%get3A_10, %get3A_11] : memref<1x128xf32, #tpu.memory_space<vmem>>, vector<1x128xf32>
    %mul3A = arith.mulf %get3A_3, %get3A_3 : vector<2000x128xf32>
    %reduce_sum3A_13 = arith.constant dense<0.000000e+00> : vector<128xf32>
    %reduce_sum3A_14 = vector.multi_reduction <add>, %mul3A, %reduce_sum3A_13 [0] : vector<2000x128xf32> to vector<128xf32>
    %broadcast_in_dim3A_15 = vector.shape_cast %reduce_sum3A_14 : vector<128xf32> to vector<1x128xf32>
    %add3A_16 = arith.addf %get3A_12, %broadcast_in_dim3A_15 : vector<1x128xf32>
    %swap3A_17 = arith.constant 0 : index
    %swap3A_18 = arith.constant 0 : index
    %swap3A_19 = vector.load %arg3[%swap3A_17, %swap3A_18] : memref<1x128xf32, #tpu.memory_space<vmem>>, vector<1x128xf32>
    tpu.vector_store %arg3[%swap3A_17, %swap3A_18], %add3A_16 {strides = array<i32>} : memref<1x128xf32, #tpu.memory_space<vmem>>, vector<1x128xf32>,
    return
  }
  func.func @transform_0(%arg0: i32) -> (i32, i32) {
    %c0_i32 = arith.constant 0 : i32
    %c0_i32_0 = arith.constant 0 : i32
    return %arg0, %c0_i32 : i32, i32
  }
  func.func @transform_1(%arg0: i32) -> (i32, i32) {
    %c0_i32 = arith.constant 0 : i32
    %c0_i32_0 = arith.constant 0 : i32
    %c0_i32_1 = arith.constant 0 : i32
    return %c0_i32, %c0_i32_0 : i32, i32
  }
  func.func @transform_2(%arg0: i32) -> (i32, i32) {
    %c0_i32 = arith.constant 0 : i32
    %c0_i32_0 = arith.constant 0 : i32
    %c0_i32_1 = arith.constant 0 : i32
    return %c0_i32, %c0_i32_0 : i32, i32
  }
}

</mosaic_0001>

<sc_bundles>
// kernel: kernel.5.cloned.1.call-start
scs
__scs_entry_jumppad:
0x0: {  	(pc) =	sbr.rel $0x88, $3  }
0x1: {  	(tag) =	ssettag $0x0;
	lr =	simm.s32 $0x1  }
0x2: {  	[smem:$0x3F9B] =	sst lr;
	_ =	strace $0xD0000000  }
0x3: {  	_ = 	snop  }
0x4: {  	_ = 	snop  }
0x5: {  	_ = 	snop  }
0x6: {  	_ = 	snop  }
0x7: {  	_ = 	snop  }
__scs_overlays_trampoline_lowered:
0x8: {  	[smem:$0x3FAA] =	sst s0  }
0x9: {  	[smem:$0x3FAB] =	sst s1  }
0xa: {  	[smem:$0x3FAC] =	sst s2  }
0xb: {  	[smem:$0x3FAD] =	sst s3  }
0xc: {  	[smem:$0x3FAE] =	sst s4  }
0xd: {  	[smem:$0x3FAF] =	sst s5  }
0xe: {  	[smem:$0x3FB0] =	sst s6  }
0xf: {  	[smem:$0x3FB1] =	sst s7  }
0x10: {  	[smem:$0x3FB2] =	sst s8  }
0x11: {  	[smem:$0x3FB3] =	sst s9;
	s0 =	simm.s32 @!p0 $0x0  }
0x12: {  	s1 =	sld [smem:$0x3F99];
	s0 =	simm.s32 @p0 $0x1  }
0x13: {  	[smem:$0x3FB4] =	sst s0;
	s0 =	simm.s32 @!p1 $0x0  }
0x14: {  	s2 =	sld [smem:$0x3F98];
	s0 =	simm.s32 @p1 $0x1  }
0x15: {  	[smem:$0x3FB5] =	sst s0;
	s0 =	simm.s32 @!p2 $0x0  }
0x16: {  	s3 =	sld [smem:$0x3FDB];
	s0 =	simm.s32 @p2 $0x1  }
0x17: {  	s4 =	simm.s32 $0x1BF5;
	[smem:$0x3FB7] =	sst s0  }
0x18: {  	s0 =	sld [smem:$0x3F9A];
	_ =	swait.ge [sflag:s4], $0x0  }
0x19: {  	s7 =	sld [smem:$0x3F9B]  }
0x1a: {  	s8 =	sadd.s32 $0xFFFFE003, lr  }
0x1b: {  	s9 =	sadd.s32 $0xFFFFFEF7, lr;
	s5 =	simm.s32 $0xFFFFFFFF;
	p2 =	slt.u32 s8, $0xFFFFF086  }
0x1c: {  	p1 =	slt.u32 s9, $0xF7A;
	s5 =	simm.s32 @!p2 $0x0  }
0x1d: {  	s5 =	simm.s32 @p1 $0x1;
	p0 =	seq.s32 s7, s2  }
0x1e: {  	s7 =	smul.u32 @!p0 $0xF7A, s2;
	p2 =	seq.s32 @!p0 s5, $0x0  }
0x1f: {  	s9 =	smul.u32 $0xF7A, s1;
	s8 =	simm.s32 @!p0 $0x1BF5;
	p2 =	por !p2, p0  }
0x20: {  	[sflag:s8] =	ssyncset.s32 @!p0 $0xFFFFF086;
	s6 =	sadd.s32 @!p0 s3, s7;
	s7 =	simm.s32 @!p0 $0x108  }
0x21: {  	s3 =	sadd.s32 s3, s9;
	s6 =	sadd.s32 @!p0 $0x88, s6;
	s7 =	simm.s32 @p2 $0x1082  }
0x22: {  	[simem:s7], [sflag:s8] =	dma.local @!p0 [hbm:s6], $0xF7A  }
0x23: {  	s9 =	sor.u32 $0xD0000000, s2;
	s6 =	simm.s32 $0x108;
	_ =	swait.ge @!p0 [sflag:s8], $0x0  }
0x24: {  	s3 =	sadd.s32 $0x88, s3;
	s6 =	simm.s32 @!p1 $0x1082;
	[sflag:s4] =	ssyncset.s32 $0xFFFFF086  }
0x25: {  	[simem:s6], [sflag:s4] =	dma.local [hbm:s3], $0xF7A  }
0x26: {  	[smem:$0x3F9B] =	sst s1;
	(tag) =	ssettag s2;
	_ =	strace s9  }
0x27: {  	s1 =	sld [smem:$0x3FAB]  }
0x28: {  	s2 =	sld [smem:$0x3FAC]  }
0x29: {  	s4 =	sld [smem:$0x3FAE]  }
0x2a: {  	p0 =	seq.s32 s5, $0x0;
	s5 =	sld [smem:$0x3FAF]  }
0x2b: {  	s6 =	sld [smem:$0x3FB0]  }
0x2c: {  	s7 =	sld [smem:$0x3FB1]  }
0x2d: {  	s3 =	simm.s32 $0x108;
	s8 =	sld [smem:$0x3FB2]  }
0x2e: {  	s3 =	simm.s32 @!p0 $0x1082;
	s9 =	sld [smem:$0x3FB3]  }
0x2f: {  	lr =	sadd.s32 s0, s3;
	s0 =	sld [smem:$0x3FAA]  }
0x30: {  	s3 =	sld [smem:$0x3FAD]  }
0x31: {  	[smem:$0x3FB6] =	sst s10  }
0x32: {  	s10 =	sld [smem:$0x3FB4];
	_ =	sdelay $0x3  }
0x33: {  	p0 =	seq.s32 s10, $0x1;
	s10 =	sld [smem:$0x3FB6];
	_ =	sdelay $0x3  }
0x34: {  	[smem:$0x3FB6] =	sst s10  }
0x35: {  	s10 =	sld [smem:$0x3FB5];
	_ =	sdelay $0x3  }
0x36: {  	p1 =	seq.s32 s10, $0x1;
	s10 =	sld [smem:$0x3FB6];
	_ =	sdelay $0x3  }
0x37: {  	[smem:$0x3FB6] =	sst s10  }
0x38: {  	s10 =	sld [smem:$0x3FB7]  }
0x39: {  	_ = 	snop;
	(pc) =	sbr.ind lr, $3  }
0x3a: {  	_ = 	snop  }
0x3b: {  	_ = 	snop  }
0x3c: {  	p2 =	seq.s32 s10, $0x1;
	s10 =	sld [smem:$0x3FB6]  }
0x3d: {  	_ =	shalt  }
0x3e: {  	_ =	shalt  }
0x3f: {  	_ =	shalt  }
0x40: {  	_ =	shalt  }
0x41: {  	_ =	shalt  }
0x42: {  	_ =	shalt  }
0x43: {  	_ =	shalt  }
0x44: {  	_ =	shalt  }
0x45: {  	_ =	shalt  }
0x46: {  	_ =	shalt  }
0x47: {  	_ =	shalt  }
0x48: {  	_ =	shalt  }
0x49: {  	_ =	shalt  }
0x4a: {  	_ =	shalt  }
0x4b: {  	_ =	shalt  }
0x4c: {  	_ =	shalt  }
0x4d: {  	_ =	shalt  }
0x4e: {  	_ =	shalt  }
0x4f: {  	_ =	shalt  }
0x50: {  	_ =	shalt  }
0x51: {  	_ =	shalt  }
0x52: {  	_ =	shalt  }
0x53: {  	_ =	shalt  }
0x54: {  	_ =	shalt  }
0x55: {  	_ =	shalt  }
0x56: {  	_ =	shalt  }
0x57: {  	_ =	shalt  }
0x58: {  	_ =	shalt  }
0x59: {  	_ =	shalt  }
0x5a: {  	_ =	shalt  }
0x5b: {  	_ =	shalt  }
0x5c: {  	_ =	shalt  }
0x5d: {  	_ =	shalt  }
0x5e: {  	_ =	shalt  }
0x5f: {  	_ =	shalt  }
0x60: {  	_ =	shalt  }
0x61: {  	_ =	shalt  }
0x62: {  	_ =	shalt  }
0x63: {  	_ =	shalt  }
0x64: {  	_ =	shalt  }
0x65: {  	_ =	shalt  }
0x66: {  	_ =	shalt  }
0x67: {  	_ =	shalt  }
0x68: {  	_ =	shalt  }
0x69: {  	_ =	shalt  }
0x6a: {  	_ =	shalt  }
0x6b: {  	_ =	shalt  }
0x6c: {  	_ =	shalt  }
0x6d: {  	_ =	shalt  }
0x6e: {  	_ =	shalt  }
0x6f: {  	_ =	shalt  }
0x70: {  	_ =	shalt  }
0x71: {  	_ =	shalt  }
0x72: {  	_ =	shalt  }
0x73: {  	_ =	shalt  }
0x74: {  	_ =	shalt  }
0x75: {  	_ =	shalt  }
0x76: {  	_ =	shalt  }
0x77: {  	_ =	shalt  }
0x78: {  	_ =	shalt  }
0x79: {  	_ =	shalt  }
0x7a: {  	_ =	shalt  }
0x7b: {  	_ =	shalt  }
0x7c: {  	_ =	shalt  }
0x7d: {  	_ =	shalt  }
0x7e: {  	_ =	shalt  }
0x7f: {  	_ =	shalt  }
0x80: {  	_ =	shalt  }
0x81: {  	_ =	shalt  }
0x82: {  	_ =	shalt  }
0x83: {  	_ =	shalt  }
0x84: {  	_ =	shalt  }
0x85: {  	_ =	shalt  }
0x86: {  	_ =	shalt  }
0x87: {  	_ =	shalt  }
.Lfunc_end0:
.L_simem_size_0:
called_computation_lowered:
.L_overlay_start_0:
0x88: {  	s2 =	sld [smem:$0x3FD9]  }
0x89: {  	s3 =	sld [smem:$0x3FFE];
	_ =	sdelay $0x1  }
0x8a: {  	s1 =	srdreg.scid  }
0x8b: {  	s0 =	sand.u32 $0x1, s1  }
0x8c: {  	s17 =	sshll.u32 s0, $0xA;
	s2 =	sadd.s32 s3, s2  }
0x8d: {  	s2 =	sadd.s32 s2, s17  }
0x8e: {  	[smem:$0x3FC2] =	sst s2  }
0x8f: {  	_ = 	snop  }
0x90: {  	s2 =	sld [smem:$0x3FD0];
	(tm) =	ssettm $0x1  }
0x91: {  	s18 =	sld [smem:$0x3FFB];
	_ =	sdelay $0x3  }
0x92: {  	_ =	strace s18  }
0x93: {  	s3 =	sld [smem:$0x3FFC];
	_ =	sdelay $0x3  }
0x94: {  	_ =	strace s3  }
0x95: {  	s3 =	sld [smem:$0x3FFD];
	_ =	sdelay $0x3  }
0x96: {  	_ =	strace s3  }
0x97: {  	_ =	strace $0x8FFFFFFF  }
0x98: {  	s19 =	sld [smem:$0x3FDB];
	_ =	sdelay $0x1  }
0x99: {  	s4 =	simm.s32 $_scs_section_size  }
0x9a: {  	s5 =	simm.s32 $_size__tile_overlayer_lowered;
	s6 =	simm.s32 $_tile_overlayer_lowered  }
0x9b: {  	s22 =	simm.s32 $0x1BFF;
	s21 =	sshll.u32 s6, $0x1;
	s3 =	sadd.s32 s4, s19  }
0x9c: {  	s7 =	simm.s32 $0x0;
	s20 =	sshll.u32 s5, $0x1;
	s5 =	sadd.s32 s21, s3  }
0x9d: {  	[timem:s7], [sflag:s22] =	dma.local [hbm:s5], s20  }
0x9e: {  	_ =	swait.ge [sflag:s22], s20  }
0x9f: {  	s4 =	ssub.s32 $0x0, s20;
	[sflag:s22] =	ssyncset.done $0x0  }
0xa0: {  	[sflag:s22] =	ssyncadd.s32 s4;
	_ =	sdelay $0x1  }
0xa1: {  	s23 =	simm.s32 $0x1B8B  }
0xa2: {  	_ =	swait.ge [sflag:s23], $0x1  }
0xa3: {  	[sflag:s23] =	ssyncset.done $0x0  }
0xa4: {  	s25 =	simm.s32 $0x1B8E;
	s24 =	sld [smem:$0x3FFE];
	[sflag:s23] =	ssyncadd.s32 $0xFFFFFFFF  }
0xa5: {  	s26 =	simm.s32 $execute0_lowered;
	[smem:$0x3FD2] =	sst s25  }
0xa6: {  	s5 =	sshll.u32 s26, $0x1;
	_ =	strace $0x80000046;
	[dreg:$0x1] =	wrdreg $0xFFFFFFFF  }
0xa7: {  	s28 =	simm.s32 $_size_execute0_lowered;
	s3 =	sadd.s32 s3, s5;
	[dreg:$0x0] =	wrdreg $0x0  }
0xa8: {  	s5 =	sshll.u32 s28, $0x1;
	[dreg:$0x2] =	wrdreg s3  }
0xa9: {  	[dreg:$0x3] =	wrdreg s5  }
0xaa: {  	[dreg:$0x4] =	wrdreg $0xC0  }
0xab: {  	_ =	task [dreg:s7], $0x5FFFF  }
0xac: {  	[dreg:$0x1] =	wrdreg $0xFFFFFFFF  }
0xad: {  	[dreg:$0x0] =	wrdreg $0x60  }
0xae: {  	[dreg:$0x2] =	wrdreg s24  }
0xaf: {  	[dreg:$0x3] =	wrdreg s2  }
0xb0: {  	[dreg:$0x4] =	wrdreg $0x0  }
0xb1: {  	[dreg:$0x5] =	wrdreg $0x9  }
0xb2: {  	_ =	task.clear_ibuf [dreg:s7], $0x6FFFF;
	_ =	strace $0x90000046  }
0xb3: {  	s29 =	simm.s32 $0x9;
	_ =	strace $0x80000048  }
0xb4: {  	_ =	swait.ge [sflag:s29], $0x1  }
0xb5: {  	[sflag:s29] =	ssyncadd.s32 $0xFFFFFFFF  }
0xb6: {  	_ =	strace $0x90000048  }
0xb7: {  	_ =	sfence  }
0xb8: {  	s30 =	sld [smem:$0x0];
	_ =	sdelay $0x2  }
0xb9: {  	s31 =	sshll.u32 s1, $0xD;
	s1 =	sshrl.u32 s1, $0x2  }
0xba: {  	s3 =	sand.u32 $0x4000, s31;
	s1 =	sadd.s32 s1, s30  }
0xbb: {  	s0 =	sor.u32 s3, s0;
	s1 =	sshll.u32 s1, $0x11  }
0xbc: {  	s0 =	sor.u32 s1, s0  }
0xbd: {  	s0 =	sadd.s32 $0x8F2B, s0  }
0xbe: {  	[sflag:s0] =	ssyncadd.remote.s32 $0x1  }
0xbf: {  	_ =	sfence.sel $0xFFFF  }
0xc0: {  	[dreg:$0x0] =	wrdreg $0xFFFFFFFF;
	(pc) =	sbr.abs _section_cstart, $3  }
0xc1: {  	[dreg:$0x1] =	wrdreg $0xFFFFFFFF  }
0xc2: {  	_ =	task.clear_ibuf [dreg:s7], $0x2FFFF;
	_ =	strace $0x9FFFFFFF  }
0xc3: {  	(tm) =	ssettm $0x7FFFFFFF  }
tec
execute0_lowered:
.L_overlay_start_1:
0x0: {  	(tag) =	ssettag $0x1  }
0x1: {  	s0 =	rddreg [dreg:$0x0]  }
0x2: {  	s1 =	rddreg [dreg:$0x1]  }
0x3: {  	s2 =	rddreg [dreg:$0x2];
	s15 =	stileid.u32  }
0x4: {  	s3 =	srdreg.scid;
	s9 =	smul.u32 $0x18700, s15  }
0x5: {  	s4 =	simm.s32 $0x0;
	s28 =	simm.s32 $0x28;
	s11 =	smul.u32 $0x7080, s15  }
0x6: {  	s18 =	simm.s32 $0x1D4D0;
	s19 =	simm.s32 $0x18980;
	s22 =	smul.u32 $0xE10, s15  }
0x7: {  	s3 =	sand.u32 $0x1, s3;
	[smem:$0x7FF] =	sst s4;
	s24 =	smul.u32 $0x50, s15  }
0x8: {  	s5 =	sadd.s32 $0x32400, s0;
	s30 =	sshll.u32 s15, $0x6;
	s20 =	smul.u32 $0x24, s3  }
0x9: {  	_ =	strace $0x80000047;
	s6 =	ssub.s32 $0x2, s3;
	s7 =	sshll.u32 s3, $0x2  }
0xa: {  	p0 =	seq.s32 s3, $0x1;
	s8 =	sshrl.u32 s6, $0x1;
	s10 =	sadd.s32 s7, s0  }
0xb: {  	s21 =	sadd.s32 s9, s2;
	s9 =	sshrl.u32 s9, $0x3;
	s7 =	sshll.u32 s3, $0x6  }
0xc: {  	s25 =	sadd.s32 $0x168, s11;
	s3 =	sadd.s32 s5, s22;
	s12 =	sor.u32 $0x2, s24  }
0xd: {  	s13 =	sor.u32 $0x3, s24;
	s11 =	simm.s32 $0x18930;
	s24 =	simm.s32 $0x1CFD0  }
0xe: {  	s4 =	sadd.s32 s20, s0;
	s6 =	ssub.s32 s6, s8;
	s23 =	sadd.s32 $0x32200, s10  }
0xf: {  	[dreg:$0x6] =	wrdreg s3;
	s26 =	sshrl.u32 s25, $0x3;
	s10 =	smul.u32 $0xC80, s15  }
0x10: {  	s31 =	sshrl.u32 s21, $0x3;
	s25 =	simm.s32 $0x18868;
	[dreg:$0x5] =	wrdreg s23  }
0x11: {  	s20 =	simm.s32 $0x1D9D0;
	s4 =	sadd.s32 $0x32000, s4;
	[dreg:$0xb] =	wrdreg s31  }
0x12: {  	s21 =	simm.s32 $0x1;
	s3 =	sadd.s32 s5, s26;
	[dreg:$0x4] =	wrdreg s4  }
0x13: {  	s29 =	smax.u32 s6, $0x1;
	s26 =	simm.s32 $0x189A8;
	[dreg:$0x7] =	wrdreg s3  }
0x14: {  	s3 =	simm.s32 $0x188200;
	s14 =	sor.u32 $0x28, s10;
	[dreg:$0x8] =	wrdreg s29  }
.Ltmp0:
0x15: {  	s16 =	ssub.s32 $0xC3A0, s10;
	s3 =	simm.s32 @!p0 $0x1200;
	(pc) =	sbr.rel .LBB2_1-.Ltmp0, $4  }
0x16: {  	s17 =	ssub.s32 $0xC378, s10;
	s4 =	simm.s32 $0x2;
	s0 =	sadd.s32 s3, s0  }
0x17: {  	p0 =	seq.s32 s15, $0xF;
	s15 =	simm.s32 $0x18958;
	s0 =	sadd.s32 s0, s9  }
0x18: {  	s3 =	simm.s32 $0x1DED0;
	[dreg:$0x9] =	wrdreg s0;
	s0 =	sor.u32 $0x1C06, s30  }
0x19: {  	s9 =	simm.s32 $0x0;
	[dreg:$0xa] =	wrdreg s0;
	s0 =	simm.s32 $0x4  }
.LBB2_8:
0x1a: {  	s6 =	simm.s32 @!p0 $0x5  }
0x1b: {  	_ =	swait.ge @!p0 [sflag:s6], $0xA00  }
0x1c: {  	[sflag:s6] =	ssyncset.done @!p0 $0x0  }
0x1d: {  	[sflag:s6] =	ssyncadd.s32 @!p0 $0xFFFFF600  }
0x1e: {  	_ =	swait.ge @!p0 [sflag:s6], $0xA00  }
0x1f: {  	s9 =	rddreg [dreg:$0xc]  }
0x20: {  	s8 =	rddreg [dreg:$0x8];
	s9 =	sadd.s32 $0x1, s9  }
0x21: {  	p1 =	sne.s32 s9, s8  }
.Ltmp1:
0x22: {  	_ = 	snop;
	(pc) =	sbr.rel @!p1 .LBB2_9-.Ltmp1, $3  }
0x23: {  	_ =	sdelay $0x1  }
0x24: {  	[sflag:s6] =	ssyncset.done @!p0 $0x0  }
0x25: {  	[sflag:s6] =	ssyncadd.s32 @!p0 $0xFFFFF600  }
.LBB2_1:
0x26: {  	[dreg:$0xc] =	wrdreg s9  }
0x27: {  	s6 =	rddreg [dreg:$0x9]  }
0x28: {  	s8 =	rddreg [dreg:$0xa]  }
0x29: {  	s22 =	rddreg [dreg:$0xb];
	s23 =	simm.s32 $0x6  }
0x2a: {  	[spmem:s22], [sflag:s8] =	dma.local [hbm:s6], $0x30E0  }
0x2b: {  	_ =	swait.ge [sflag:s23], $0x30E0  }
0x2c: {  	s6 =	simm.s32 $0x0;
	[sflag:s23] =	ssyncset.done $0x0  }
0x2d: {  	s22 =	simm.s32 $0x1F7D0;
	s29 =	rddreg [dreg:$0x4];
	[sflag:s23] =	ssyncadd.s32 $0xFFFFCF20  }
0x2e: {  	[tilespmem:s22], [sflag:$0x6] =	stream.linear.gather [hbm4b:s29+s6], $0x120, $0x38;
	[tilespmem:$0x1F910] =	vst v63  }
0x2f: {  	_ =	swait.ge [sflag:s23], $0x120  }
0x30: {  	[sflag:s23] =	ssyncset.done $0x0  }
0x31: {  	s31 =	simm.s32 $0x1F8F0;
	s30 =	rddreg [dreg:$0x5];
	[sflag:s23] =	ssyncadd.s32 $0xFFFFFEE0  }
0x32: {  	[tilespmem:s31], [sflag:$0x6] =	stream.linear.gather [hbm4b:s30+s6], $0x20, $0x38;
	[tilespmem:$0x1F910] =	vst v63  }
0x33: {  	_ =	swait.ge [sflag:s23], $0x20  }
0x34: {  	[sflag:s23] =	ssyncset.done $0x0  }
0x35: {  	[sflag:s23] =	ssyncadd.s32 $0xFFFFFFE0  }
0x36: {  	[bflag:$0x0] =	sbarrier.arrive $0xFFFF  }
0x37: {  	v0 =	vld [tilespmem:$0x1F7D0]  }
0x38: {  	v1 =	vld [tilespmem:$0x1F7E0]  }
0x39: {  	v2 =	vld [tilespmem:$0x1F7F0]  }
0x3a: {  	v3 =	vld [tilespmem:$0x1F800]  }
0x3b: {  	v4 =	vld [tilespmem:$0x1F810]  }
0x3c: {  	v5 =	vld [tilespmem:$0x1F820]  }
0x3d: {  	v6 =	vld [tilespmem:$0x1F830]  }
0x3e: {  	v7 =	vld [tilespmem:$0x1F840]  }
0x3f: {  	v8 =	vld [tilespmem:$0x1F850]  }
0x40: {  	v9 =	vld [tilespmem:$0x1F860]  }
0x41: {  	v10 =	vld [tilespmem:$0x1F870]  }
0x42: {  	v11 =	vld [tilespmem:$0x1F880]  }
0x43: {  	v12 =	vld [tilespmem:$0x1F890]  }
0x44: {  	v13 =	vld [tilespmem:$0x1F8A0]  }
0x45: {  	v14 =	vld [tilespmem:$0x1F8B0]  }
0x46: {  	v15 =	vld [tilespmem:$0x1F8C0]  }
0x47: {  	v16 =	vld [tilespmem:$0x1F8D0]  }
0x48: {  	v17 =	vld [tilespmem:$0x1F8E0]  }
0x49: {  	s29 =	simm.s32 $0x18700;
	v18 =	vld [tilespmem:$0x1F8F0];
	s23 =	rddreg [dreg:$0x6]  }
0x4a: {  	v19 =	vld [tilespmem:$0x1F900];
	[tilespmem:s29], [sflag:$0x3] =	stream.linear.gather [hbm4b:s23+s6], $0x168, $0x38  }
0x4b: {  	s31 =	simm.s32 $0x3;
	s30 =	rddreg [dreg:$0x7]  }
0x4c: {  	[tilespmem:s25], [sflag:$0x4] =	stream.linear.gather [hbm4b:s30+s6], $0x168, $0x38;
	[tilespmem:$0x1F910] =	vst v63  }
0x4d: {  	_ =	swait.ge [sflag:s31], $0x168  }
0x4e: {  	[sflag:s31] =	ssyncset.done $0x0  }
0x4f: {  	s8 =	simm.s32 $0x189D0;
	[sflag:s31] =	ssyncadd.s32 $0xFFFFFE98  }
0x50: {  	[tilespmem:s8], [sflag:$0x1] =	stream.indirect.gather [spmem:s2], $0x20, s29, s28, $0xb8;
	[tilespmem:$0x1F910] =	vst v63  }
0x51: {  	s9 =	simm.s32 $0x18728;
	s22 =	simm.s32 $0x18ED0  }
0x52: {  	[tilespmem:s22], [sflag:$0x1] =	stream.indirect.gather [spmem:s2], $0x20, s9, s28, $0xb8;
	[tilespmem:$0x1F910] =	vst v63  }
0x53: {  	s23 =	simm.s32 $0x18750;
	s29 =	simm.s32 $0x193D0  }
0x54: {  	[tilespmem:s29], [sflag:$0x1] =	stream.indirect.gather [spmem:s2], $0x20, s23, s28, $0xb8;
	[tilespmem:$0x1F910] =	vst v63  }
0x55: {  	s30 =	simm.s32 $0x18778;
	s31 =	simm.s32 $0x198D0  }
0x56: {  	[tilespmem:s31], [sflag:$0x1] =	stream.indirect.gather [spmem:s2], $0x20, s30, s28, $0xb8;
	[tilespmem:$0x1F910] =	vst v63  }
0x57: {  	s9 =	simm.s32 $0x187A0;
	s22 =	simm.s32 $0x19DD0  }
0x58: {  	[tilespmem:s22], [sflag:$0x1] =	stream.indirect.gather [spmem:s2], $0x20, s9, s28, $0xb8;
	[tilespmem:$0x1F910] =	vst v63  }
0x59: {  	s23 =	simm.s32 $0x187C8;
	s29 =	simm.s32 $0x1A2D0  }
0x5a: {  	[tilespmem:s29], [sflag:$0x1] =	stream.indirect.gather [spmem:s2], $0x20, s23, s28, $0xb8;
	[tilespmem:$0x1F910] =	vst v63  }
0x5b: {  	s30 =	simm.s32 $0x187F0;
	s31 =	simm.s32 $0x1A7D0  }
0x5c: {  	[tilespmem:s31], [sflag:$0x1] =	stream.indirect.gather [spmem:s2], $0x20, s30, s28, $0xb8;
	[tilespmem:$0x1F910] =	vst v63  }
0x5d: {  	s8 =	simm.s32 $0x18818;
	s9 =	simm.s32 $0x1ACD0  }
0x5e: {  	[tilespmem:s9], [sflag:$0x1] =	stream.indirect.gather [spmem:s2], $0x20, s8, s28, $0xb8;
	[tilespmem:$0x1F910] =	vst v63  }
0x5f: {  	s22 =	simm.s32 $0x18840;
	s23 =	simm.s32 $0x1B1D0  }
0x60: {  	[tilespmem:s23], [sflag:$0x1] =	stream.indirect.gather [spmem:s2], $0x20, s22, s28, $0xb8;
	[tilespmem:$0x1F910] =	vst v63  }
0x61: {  	_ =	swait.ge [sflag:s0], $0x168  }
0x62: {  	[sflag:s0] =	ssyncset.done $0x0  }
0x63: {  	s29 =	simm.s32 $0x1B6D0;
	[sflag:s0] =	ssyncadd.s32 $0xFFFFFE98  }
0x64: {  	[tilespmem:s29], [sflag:$0x2] =	stream.indirect.gather [spmem:s2], $0x20, s25, s28, $0xb8;
	[tilespmem:$0x1F910] =	vst v63  }
0x65: {  	s30 =	simm.s32 $0x18890;
	s31 =	simm.s32 $0x1BBD0  }
0x66: {  	[tilespmem:s31], [sflag:$0x2] =	stream.indirect.gather [spmem:s2], $0x20, s30, s28, $0xb8;
	[tilespmem:$0x1F910] =	vst v63  }
0x67: {  	s9 =	simm.s32 $0x188B8;
	s22 =	simm.s32 $0x1C0D0  }
0x68: {  	[tilespmem:s22], [sflag:$0x2] =	stream.indirect.gather [spmem:s2], $0x20, s9, s28, $0xb8;
	[tilespmem:$0x1F910] =	vst v63  }
0x69: {  	s23 =	simm.s32 $0x188E0;
	s29 =	simm.s32 $0x1C5D0  }
0x6a: {  	[tilespmem:s29], [sflag:$0x2] =	stream.indirect.gather [spmem:s2], $0x20, s23, s28, $0xb8;
	[tilespmem:$0x1F910] =	vst v63  }
0x6b: {  	s30 =	simm.s32 $0x18908;
	s31 =	simm.s32 $0x1CAD0  }
0x6c: {  	[tilespmem:s31], [sflag:$0x2] =	stream.indirect.gather [spmem:s2], $0x20, s30, s28, $0xb8;
	[tilespmem:$0x1F910] =	vst v63  }
0x6d: {  	_ = 	snop  }
0x6e: {  	[tilespmem:s24], [sflag:$0x2] =	stream.indirect.gather [spmem:s2], $0x20, s11, s28, $0xb8;
	[tilespmem:$0x1F910] =	vst v63  }
0x6f: {  	_ = 	snop  }
0x70: {  	[tilespmem:s18], [sflag:$0x2] =	stream.indirect.gather [spmem:s2], $0x20, s15, s28, $0xb8;
	[tilespmem:$0x1F910] =	vst v63  }
0x71: {  	_ = 	snop  }
0x72: {  	[tilespmem:s20], [sflag:$0x2] =	stream.indirect.gather [spmem:s2], $0x20, s19, s28, $0xb8;
	[tilespmem:$0x1F910] =	vst v63  }
0x73: {  	s22 =	simm.s32 $0x0  }
0x74: {  	[tilespmem:s3], [sflag:$0x2] =	stream.indirect.gather [spmem:s2], $0x20, s26, s28, $0xb8;
	[tilespmem:$0x1F910] =	vst v63  }
.LBB2_2:
0x75: {  	_ =	swait.ge [sflag:s21], $0x500  }
0x76: {  	[sflag:s21] =	ssyncset.done $0x0  }
0x77: {  	[sflag:s21] =	ssyncadd.s32 $0xFFFFFB00  }
0x78: {  	_ =	swait.ge [sflag:s21], $0x500  }
0x79: {  	[sflag:s21] =	ssyncset.done $0x0  }
0x7a: {  	[sflag:s21] =	ssyncadd.s32 $0xFFFFFB00  }
0x7b: {  	_ =	swait.ge [sflag:s21], $0x500  }
0x7c: {  	[sflag:s21] =	ssyncset.done $0x0  }
0x7d: {  	[sflag:s21] =	ssyncadd.s32 $0xFFFFFB00  }
0x7e: {  	_ =	swait.ge [sflag:s21], $0x500  }
0x7f: {  	[sflag:s21] =	ssyncset.done $0x0  }
0x80: {  	[sflag:s21] =	ssyncadd.s32 $0xFFFFFB00  }
0x81: {  	_ =	swait.ge [sflag:s21], $0x500  }
0x82: {  	[sflag:s21] =	ssyncset.done $0x0  }
0x83: {  	[sflag:s21] =	ssyncadd.s32 $0xFFFFFB00  }
0x84: {  	_ =	swait.ge [sflag:s21], $0x500  }
0x85: {  	[sflag:s21] =	ssyncset.done $0x0  }
0x86: {  	[sflag:s21] =	ssyncadd.s32 $0xFFFFFB00  }
0x87: {  	_ =	swait.ge [sflag:s21], $0x500  }
0x88: {  	[sflag:s21] =	ssyncset.done $0x0  }
0x89: {  	[sflag:s21] =	ssyncadd.s32 $0xFFFFFB00  }
0x8a: {  	s29 =	sshll.u32 s22, $0x1;
	_ =	swait.ge [sflag:s21], $0x500  }
0x8b: {  	p1 =	seq.s32 s22, $0x27;
	s23 =	smul.u32 $0x50, s22;
	[sflag:s21] =	ssyncset.done $0x0  }
0x8c: {  	p2 =	seq.s32 s22, $0x0;
	s6 =	sadd.s32 @!p1 s29, s12;
	[sflag:s21] =	ssyncadd.s32 $0xFFFFFB00  }
0x8d: {  	s8 =	simm.s32 @!p1 $0x0;
	s6 =	smul.u32 @!p1 $0x2D, s6;
	_ =	swait.ge [sflag:s21], $0x500  }
0x8e: {  	s9 =	simm.s32 @!p1 $0x18700;
	p3 =	sge.s32 @!p2 s23, s16;
	[sflag:s21] =	ssyncset.done $0x0  }
0x8f: {  	p3 =	por p3, p2;
	s6 =	sadd.s32 @!p1 s5, s6;
	[sflag:s21] =	ssyncadd.s32 $0xFFFFFB00  }
0x90: {  	[tilespmem:s9], [sflag:$0x3] =	stream.linear.gather @!p1 [hbm4b:s6+s8], $0x168, $0x38;
	[tilespmem:$0x1F910] =	vst v63  }
0x91: {  	s6 =	simm.s32 @!p3 $0x5  }
0x92: {  	_ =	swait.ge @!p3 [sflag:s6], $0xA00  }
0x93: {  	[sflag:s6] =	ssyncset.done @!p3 $0x0  }
0x94: {  	s31 =	simm.s32 $0x18AF0;
	[sflag:s6] =	ssyncadd.s32 @!p3 $0xFFFFF600  }
0x95: {  	v20 =	vld [tilespmem:s31+$0xFFFFFEE0]  }
0x96: {  	v21 =	vld [tilespmem:s31+$0xFFFFFFC0]  }
0x97: {  	v22 =	vld [tilespmem:s31+$0xFFFFFFA0]  }
0x98: {  	v23 =	vld [tilespmem:s31+$0xFFFFFF80]  }
0x99: {  	v24 =	vld [tilespmem:s31+$0xFFFFFF60]  }
0x9a: {  	v25 =	vld [tilespmem:s31+$0xFFFFFF40]  }
0x9b: {  	v26 =	vld [tilespmem:s31+$0xFFFFFF20]  }
0x9c: {  	v27 =	vld [tilespmem:s31+$0xFFFFFF00];
	_ =	sdelay $0x1  }
0x9d: {  	v24 =	vmul.bf16 v24, v8;
	v23 =	vmul.bf16 v23, v10  }
0x9e: {  	v20 =	vmul.bf16 v20, v0;
	v21 =	vmul.bf16 v21, v14  }
0x9f: {  	v28 =	vld [tilespmem:s31+$0xFFFFFFE0];
	v26 =	vmul.bf16 v26, v4;
	v22 =	vmul.bf16 v22, v12  }
0xa0: {  	v27 =	vmul.bf16 v27, v2;
	v25 =	vmul.bf16 v25, v6  }
0xa1: {  	v23 =	vadd.bf16 v23, v24;
	v21 =	vadd.bf16 v21, v22  }
0xa2: {  	v20 =	vadd.bf16 v27, v20;
	v22 =	vadd.bf16 v25, v26;
	_ =	sdelay $0x1  }
0xa3: {  	v53 =	vmul.bf16 v28, v16;
	v20 =	vadd.bf16 v22, v20;
	v21 =	vadd.bf16 v21, v23;
	_ =	sdelay $0x1  }
0xa4: {  	v22 =	vadd.bf16 v53, v18;
	v20 =	vadd.bf16 v21, v20;
	_ =	sdelay $0x1  }
0xa5: {  	v20 =	vadd.bf16 v20, v22;
	_ =	sdelay $0x1  }
0xa6: {  	s30 =	simm.s32 $0x1E410;
	v21 =	vunpack.i.l.bf16.f32 v20  }
0xa7: {  	v20 =	vunpack.i.u.bf16.f32 v20;
	[tilespmem:s30+$0xFFFFFFC0] =	vst v21  }
0xa8: {  	[tilespmem:s30+$0xFFFFFFE0] =	vst v20  }
0xa9: {  	v20 =	vld [tilespmem:s31+$0xFFFFFFD0]  }
0xaa: {  	v21 =	vld [tilespmem:s31+$0xFFFFFF90]  }
0xab: {  	v22 =	vld [tilespmem:s31+$0xFFFFFF30]  }
0xac: {  	v23 =	vld [tilespmem:s31+$0xFFFFFFB0]  }
0xad: {  	v54 =	vld [tilespmem:s31+$0xFFFFFF50]  }
0xae: {  	v55 =	vld [tilespmem:s31+$0xFFFFFEF0]  }
0xaf: {  	v56 =	vld [tilespmem:s31+$0xFFFFFF10]  }
0xb0: {  	v57 =	vld [tilespmem:s31+$0xFFFFFF70];
	_ =	sdelay $0x1  }
0xb1: {  	v20 =	vmul.bf16 v20, v15;
	v23 =	vmul.bf16 v23, v13  }
0xb2: {  	v22 =	vmul.bf16 v22, v5;
	v25 =	vmul.bf16 v55, v1  }
0xb3: {  	v58 =	vld [tilespmem:s31+$0xFFFFFFF0];
	v21 =	vmul.bf16 v21, v11;
	v26 =	vmul.bf16 v56, v3  }
0xb4: {  	v24 =	vmul.bf16 v54, v7;
	v27 =	vmul.bf16 v57, v9  }
0xb5: {  	v20 =	vadd.bf16 v20, v23;
	v23 =	vadd.bf16 v26, v25  }
0xb6: {  	v22 =	vadd.bf16 v24, v22;
	v21 =	vadd.bf16 v21, v27;
	_ =	sdelay $0x1  }
0xb7: {  	v22 =	vadd.bf16 v22, v23;
	v23 =	vmul.bf16 v58, v17;
	v20 =	vadd.bf16 v20, v21;
	_ =	sdelay $0x1  }
0xb8: {  	v21 =	vadd.bf16 v23, v19;
	v20 =	vadd.bf16 v20, v22;
	_ =	sdelay $0x1  }
0xb9: {  	v20 =	vadd.bf16 v20, v21;
	_ =	sdelay $0x1  }
0xba: {  	v21 =	vunpack.i.l.bf16.f32 v20  }
0xbb: {  	v20 =	vunpack.i.u.bf16.f32 v20;
	[tilespmem:s30+$0xFFFFFFD0] =	vst v21  }
0xbc: {  	[tilespmem:s30+$0xFFFFFFF0] =	vst v20  }
0xbd: {  	v20 =	vld [tilespmem:s31+$0xE0]  }
0xbe: {  	v21 =	vld [tilespmem:s31+$0xA0]  }
0xbf: {  	v22 =	vld [tilespmem:s31+$0xC0]  }
0xc0: {  	v23 =	vld [tilespmem:s31+$0x80]  }
0xc1: {  	v59 =	vld [tilespmem:s31+$0x20]  }
0xc2: {  	v60 =	vld [tilespmem:s31+$0x60]  }
0xc3: {  	v61 =	vld [tilespmem:s31+$0x40]  }
0xc4: {  	v62 =	vld [tilespmem:s31+$0x0];
	_ =	sdelay $0x1  }
0xc5: {  	v20 =	vmul.bf16 v20, v14;
	v23 =	vmul.bf16 v23, v8  }
0xc6: {  	v21 =	vmul.bf16 v21, v10;
	v24 =	vmul.bf16 v59, v2  }
0xc7: {  	v63 =	vld [tilespmem:s31+$0x100];
	v22 =	vmul.bf16 v22, v12;
	v25 =	vmul.bf16 v60, v6  }
0xc8: {  	v26 =	vmul.bf16 v61, v4;
	v27 =	vmul.bf16 v62, v0  }
0xc9: {  	v21 =	vadd.bf16 v21, v23;
	v20 =	vadd.bf16 v20, v22  }
0xca: {  	v22 =	vadd.bf16 v25, v26;
	v23 =	vadd.bf16 v24, v27;
	_ =	sdelay $0x1  }
0xcb: {  	v20 =	vadd.bf16 v20, v21;
	v21 =	vmul.bf16 v63, v16;
	v22 =	vadd.bf16 v22, v23;
	_ =	sdelay $0x1  }
0xcc: {  	v21 =	vadd.bf16 v21, v18;
	v20 =	vadd.bf16 v20, v22;
	_ =	sdelay $0x1  }
0xcd: {  	v20 =	vadd.bf16 v20, v21;
	_ =	sdelay $0x1  }
0xce: {  	v21 =	vunpack.i.l.bf16.f32 v20  }
0xcf: {  	s8 =	simm.s32 $0x0;
	s9 =	simm.s32 $0x1E410;
	s6 =	simm.s32 $0x18AF0;
	v20 =	vunpack.i.u.bf16.f32 v20;
	[tilespmem:s30+$0x0] =	vst v21  }
.LBB2_3:
0xd0: {  	s8 =	sadd.s32 $0x2, s8;
	[tilespmem:s30+$0x20] =	vst v20;
	s9 =	sadd.s32 $0x80, s9;
	s31 =	sadd.s32 $0x240, s31  }
0xd1: {  	p3 =	slt.u32 s8, $0x26;
	v20 =	vld [tilespmem:s6+$0xD0]  }
0xd2: {  	v21 =	vld [tilespmem:s6+$0xB0]  }
0xd3: {  	v22 =	vld [tilespmem:s6+$0x30]  }
0xd4: {  	v23 =	vld [tilespmem:s6+$0x50]  }
0xd5: {  	v24 =	vld [tilespmem:s6+$0x10]  }
0xd6: {  	v25 =	vld [tilespmem:s6+$0x70]  }
0xd7: {  	v26 =	vld [tilespmem:s6+$0x90]  }
0xd8: {  	v22 =	vmul.bf16 v22, v3;
	v27 =	vld [tilespmem:s6+$0xF0]  }
0xd9: {  	v23 =	vmul.bf16 v23, v5;
	v28 =	vld [tilespmem:s6+$0x110];
	s6 =	smov.u32 s31  }
0xda: {  	v24 =	vmul.bf16 v24, v1  }
0xdb: {  	v21 =	vmul.bf16 v21, v11;
	v25 =	vmul.bf16 v25, v7  }
0xdc: {  	v20 =	vmul.bf16 v20, v13  }
0xdd: {  	v26 =	vmul.bf16 v26, v9;
	v22 =	vadd.bf16 v22, v24;
	v27 =	vmul.bf16 v27, v15  }
0xde: {  	v23 =	vadd.bf16 v25, v23;
	v24 =	vmul.bf16 v28, v17  }
0xdf: {  	v21 =	vadd.bf16 v21, v26;
	v20 =	vadd.bf16 v27, v20  }
0xe0: {  	v22 =	vadd.bf16 v23, v22  }
0xe1: {  	v20 =	vadd.bf16 v20, v21;
	_ =	sdelay $0x1  }
0xe2: {  	v21 =	vadd.bf16 v24, v19;
	v20 =	vadd.bf16 v20, v22;
	_ =	sdelay $0x1  }
0xe3: {  	v20 =	vadd.bf16 v20, v21;
	_ =	sdelay $0x1  }
0xe4: {  	v21 =	vunpack.i.u.bf16.f32 v20;
	v20 =	vunpack.i.l.bf16.f32 v20  }
0xe5: {  	[tilespmem:s30+$0x10] =	vst v20  }
0xe6: {  	[tilespmem:s30+$0x30] =	vst v21;
	s30 =	smov.u32 s9  }
0xe7: {  	v20 =	vld [tilespmem:s31+$0xFFFFFEE0]  }
0xe8: {  	v21 =	vld [tilespmem:s31+$0xFFFFFFC0]  }
0xe9: {  	v22 =	vld [tilespmem:s31+$0xFFFFFFA0]  }
0xea: {  	v23 =	vld [tilespmem:s31+$0xFFFFFF80]  }
0xeb: {  	v24 =	vld [tilespmem:s31+$0xFFFFFF60]  }
0xec: {  	v25 =	vld [tilespmem:s31+$0xFFFFFF40]  }
0xed: {  	v26 =	vld [tilespmem:s31+$0xFFFFFF20]  }
0xee: {  	v27 =	vld [tilespmem:s31+$0xFFFFFF00];
	_ =	sdelay $0x1  }
0xef: {  	v23 =	vmul.bf16 v23, v10;
	v24 =	vmul.bf16 v24, v8  }
0xf0: {  	v20 =	vmul.bf16 v20, v0;
	v21 =	vmul.bf16 v21, v14  }
0xf1: {  	v22 =	vmul.bf16 v22, v12;
	v26 =	vmul.bf16 v26, v4;
	v28 =	vld [tilespmem:s31+$0xFFFFFFE0];
	v23 =	vadd.bf16 v23, v24  }
0xf2: {  	v25 =	vmul.bf16 v25, v6;
	v24 =	vmul.bf16 v27, v2  }
0xf3: {  	v21 =	vadd.bf16 v21, v22  }
0xf4: {  	v22 =	vadd.bf16 v25, v26;
	v20 =	vadd.bf16 v24, v20;
	_ =	sdelay $0x1  }
0xf5: {  	v21 =	vadd.bf16 v21, v23;
	v24 =	vmul.bf16 v28, v16;
	v20 =	vadd.bf16 v22, v20;
	_ =	sdelay $0x1  }
0xf6: {  	v22 =	vadd.bf16 v24, v18;
	v20 =	vadd.bf16 v21, v20;
	_ =	sdelay $0x1  }
0xf7: {  	v20 =	vadd.bf16 v20, v22;
	_ =	sdelay $0x1  }
0xf8: {  	v21 =	vunpack.i.u.bf16.f32 v20;
	v20 =	vunpack.i.l.bf16.f32 v20  }
0xf9: {  	[tilespmem:s9+$0xFFFFFFC0] =	vst v20  }
0xfa: {  	[tilespmem:s9+$0xFFFFFFE0] =	vst v21  }
0xfb: {  	v20 =	vld [tilespmem:s31+$0xFFFFFFD0]  }
0xfc: {  	v21 =	vld [tilespmem:s31+$0xFFFFFF90]  }
0xfd: {  	v22 =	vld [tilespmem:s31+$0xFFFFFF30]  }
0xfe: {  	v23 =	vld [tilespmem:s31+$0xFFFFFFB0]  }
0xff: {  	v24 =	vld [tilespmem:s31+$0xFFFFFF50]  }
0x100: {  	v25 =	vld [tilespmem:s31+$0xFFFFFEF0];
	v20 =	vmul.bf16 v20, v15  }
0x101: {  	v26 =	vld [tilespmem:s31+$0xFFFFFF10]  }
0x102: {  	v27 =	vld [tilespmem:s31+$0xFFFFFF70]  }
0x103: {  	v23 =	vmul.bf16 v23, v13  }
0x104: {  	v22 =	vmul.bf16 v22, v5  }
0x105: {  	v21 =	vmul.bf16 v21, v11;
	v25 =	vmul.bf16 v25, v1;
	v20 =	vadd.bf16 v20, v23  }
0x106: {  	v24 =	vmul.bf16 v24, v7;
	v23 =	vmul.bf16 v26, v3;
	v26 =	vld [tilespmem:s31+$0xFFFFFFF0]  }
0x107: {  	v27 =	vmul.bf16 v27, v9  }
0x108: {  	v22 =	vadd.bf16 v24, v22;
	v23 =	vadd.bf16 v23, v25  }
0x109: {  	v21 =	vadd.bf16 v21, v27  }
0x10a: {  	v22 =	vadd.bf16 v22, v23  }
0x10b: {  	v23 =	vmul.bf16 v26, v17;
	v20 =	vadd.bf16 v20, v21;
	_ =	sdelay $0x1  }
0x10c: {  	v21 =	vadd.bf16 v23, v19;
	v20 =	vadd.bf16 v20, v22;
	_ =	sdelay $0x1  }
0x10d: {  	v20 =	vadd.bf16 v20, v21;
	_ =	sdelay $0x1  }
0x10e: {  	v21 =	vunpack.i.u.bf16.f32 v20;
	v20 =	vunpack.i.l.bf16.f32 v20  }
0x10f: {  	[tilespmem:s9+$0xFFFFFFD0] =	vst v20  }
0x110: {  	[tilespmem:s9+$0xFFFFFFF0] =	vst v21  }
0x111: {  	v20 =	vld [tilespmem:s31+$0xE0]  }
0x112: {  	v21 =	vld [tilespmem:s31+$0xA0]  }
0x113: {  	v22 =	vld [tilespmem:s31+$0xC0]  }
0x114: {  	v23 =	vld [tilespmem:s31+$0x80]  }
0x115: {  	v24 =	vld [tilespmem:s31+$0x20]  }
0x116: {  	v25 =	vld [tilespmem:s31+$0x60]  }
0x117: {  	v26 =	vld [tilespmem:s31+$0x40]  }
0x118: {  	v20 =	vmul.bf16 v20, v14;
	v27 =	vld [tilespmem:s31+$0x0]  }
0x119: {  	v21 =	vmul.bf16 v21, v10;
	v23 =	vmul.bf16 v23, v8  }
0x11a: {  	v22 =	vmul.bf16 v22, v12;
	v24 =	vmul.bf16 v24, v2  }
0x11b: {  	v25 =	vmul.bf16 v25, v6  }
0x11c: {  	v20 =	vadd.bf16 v20, v22;
	v21 =	vadd.bf16 v21, v23;
	v26 =	vmul.bf16 v26, v4;
	v28 =	vld [tilespmem:s31+$0x100]  }
0x11d: {  	v22 =	vmul.bf16 v27, v0  }
0x11e: {  	v23 =	vadd.bf16 v25, v26  }
0x11f: {  	v20 =	vadd.bf16 v20, v21;
	v22 =	vadd.bf16 v24, v22;
	_ =	sdelay $0x1  }
0x120: {  	v21 =	vmul.bf16 v28, v16;
	v22 =	vadd.bf16 v23, v22;
	_ =	sdelay $0x1  }
0x121: {  	v21 =	vadd.bf16 v21, v18;
	v20 =	vadd.bf16 v20, v22  }
.Ltmp2:
0x122: {  	(pc) =	sbr.rel @p3 .LBB2_3-.Ltmp2, $3  }
0x123: {  	v21 =	vadd.bf16 v20, v21;
	_ =	sdelay $0x1  }
0x124: {  	v20 =	vunpack.i.u.bf16.f32 v21;
	v21 =	vunpack.i.l.bf16.f32 v21  }
0x125: {  	[tilespmem:s9+$0x0] =	vst v21  }
0x126: {  	[tilespmem:s30+$0x20] =	vst v20  }
0x127: {  	v20 =	vld [tilespmem:s6+$0xD0]  }
0x128: {  	v21 =	vld [tilespmem:s6+$0xB0]  }
0x129: {  	v22 =	vld [tilespmem:s6+$0x30]  }
0x12a: {  	v23 =	vld [tilespmem:s6+$0x50]  }
0x12b: {  	v24 =	vld [tilespmem:s6+$0x10]  }
0x12c: {  	v25 =	vld [tilespmem:s6+$0x70]  }
0x12d: {  	v26 =	vld [tilespmem:s6+$0x90]  }
0x12e: {  	v27 =	vld [tilespmem:s6+$0xF0];
	_ =	sdelay $0x1  }
0x12f: {  	v22 =	vmul.bf16 v22, v3;
	v23 =	vmul.bf16 v23, v5  }
0x130: {  	v24 =	vmul.bf16 v24, v1;
	v25 =	vmul.bf16 v25, v7  }
0x131: {  	v28 =	vld [tilespmem:s6+$0x110];
	v21 =	vmul.bf16 v21, v11;
	v20 =	vmul.bf16 v20, v13  }
0x132: {  	v26 =	vmul.bf16 v26, v9;
	v27 =	vmul.bf16 v27, v15  }
0x133: {  	v22 =	vadd.bf16 v22, v24;
	v23 =	vadd.bf16 v25, v23  }
0x134: {  	v21 =	vadd.bf16 v21, v26;
	v20 =	vadd.bf16 v27, v20;
	_ =	sdelay $0x1  }
0x135: {  	v47 =	vmul.bf16 v28, v17;
	v22 =	vadd.bf16 v23, v22;
	v20 =	vadd.bf16 v20, v21;
	_ =	sdelay $0x1  }
0x136: {  	v21 =	vadd.bf16 v47, v19;
	v20 =	vadd.bf16 v20, v22  }
0x137: {  	s6 =	sadd.s32 s10, s23  }
0x138: {  	p3 =	sgt.u32 s6, $0xC34F;
	v20 =	vadd.bf16 v20, v21  }
0x139: {  	s6 =	sshll.u32 @!p3 s6, $0x7  }
0x13a: {  	s6 =	sor.u32 @!p3 s7, s6;
	v21 =	vunpack.i.l.bf16.f32 v20  }
0x13b: {  	s8 =	simm.s32 @!p3 $0x40;
	s6 =	sshrl.u32 @!p3 s6, $0x3;
	v20 =	vunpack.i.u.bf16.f32 v20;
	[tilespmem:s30+$0x10] =	vst v21  }
0x13c: {  	s9 =	simm.s32 @!p3 $0x80;
	s6 =	sadd.s32 @!p3 s1, s6;
	[tilespmem:s30+$0x30] =	vst v20;
	s30 =	simm.s32 @!p3 $0x1E3D0  }
0x13d: {  	[hbm4b:s6+s8] =	stream.strided.scatter @!p3 [tilespmem:s30], [sflag:$0x5], $0xA00, s9, s8, $0x38;
	[tilespmem:$0x1F910] =	vst v63  }
0x13e: {  	s6 =	simm.s32 @!p1 $0x3  }
0x13f: {  	_ =	swait.ge @!p1 [sflag:s6], $0x168  }
0x140: {  	s8 =	simm.s32 @!p1 $0x18700;
	[sflag:s6] =	ssyncset.done @!p1 $0x0  }
0x141: {  	s9 =	simm.s32 @!p1 $0x189D0;
	[sflag:s6] =	ssyncadd.s32 @!p1 $0xFFFFFE98;
	s6 =	simm.s32 @!p1 $0x28  }
0x142: {  	[tilespmem:s9], [sflag:$0x1] =	stream.indirect.gather @!p1 [spmem:s2], $0x20, s8, s6, $0xb8;
	[tilespmem:$0x1F910] =	vst v63  }
0x143: {  	s8 =	simm.s32 @!p1 $0x18728;
	s9 =	simm.s32 @!p1 $0x18ED0  }
0x144: {  	[tilespmem:s9], [sflag:$0x1] =	stream.indirect.gather @!p1 [spmem:s2], $0x20, s8, s6, $0xb8;
	[tilespmem:$0x1F910] =	vst v63  }
0x145: {  	s8 =	simm.s32 @!p1 $0x18750;
	s9 =	simm.s32 @!p1 $0x193D0  }
0x146: {  	[tilespmem:s9], [sflag:$0x1] =	stream.indirect.gather @!p1 [spmem:s2], $0x20, s8, s6, $0xb8;
	[tilespmem:$0x1F910] =	vst v63  }
0x147: {  	s8 =	simm.s32 @!p1 $0x18778;
	s9 =	simm.s32 @!p1 $0x198D0  }
0x148: {  	[tilespmem:s9], [sflag:$0x1] =	stream.indirect.gather @!p1 [spmem:s2], $0x20, s8, s6, $0xb8;
	[tilespmem:$0x1F910] =	vst v63  }
0x149: {  	s8 =	simm.s32 @!p1 $0x187A0;
	s9 =	simm.s32 @!p1 $0x19DD0  }
0x14a: {  	[tilespmem:s9], [sflag:$0x1] =	stream.indirect.gather @!p1 [spmem:s2], $0x20, s8, s6, $0xb8;
	[tilespmem:$0x1F910] =	vst v63  }
0x14b: {  	s8 =	simm.s32 @!p1 $0x187C8;
	s9 =	simm.s32 @!p1 $0x1A2D0  }
0x14c: {  	[tilespmem:s9], [sflag:$0x1] =	stream.indirect.gather @!p1 [spmem:s2], $0x20, s8, s6, $0xb8;
	[tilespmem:$0x1F910] =	vst v63  }
0x14d: {  	s8 =	simm.s32 @!p1 $0x187F0;
	s9 =	simm.s32 @!p1 $0x1A7D0  }
0x14e: {  	[tilespmem:s9], [sflag:$0x1] =	stream.indirect.gather @!p1 [spmem:s2], $0x20, s8, s6, $0xb8;
	[tilespmem:$0x1F910] =	vst v63  }
0x14f: {  	s8 =	simm.s32 @!p1 $0x18818;
	s9 =	simm.s32 @!p1 $0x1ACD0  }
0x150: {  	[tilespmem:s9], [sflag:$0x1] =	stream.indirect.gather @!p1 [spmem:s2], $0x20, s8, s6, $0xb8;
	[tilespmem:$0x1F910] =	vst v63  }
0x151: {  	s8 =	simm.s32 @!p1 $0x18840;
	s9 =	simm.s32 @!p1 $0x1B1D0  }
0x152: {  	[tilespmem:s9], [sflag:$0x1] =	stream.indirect.gather @!p1 [spmem:s2], $0x20, s8, s6, $0xb8;
	[tilespmem:$0x1F910] =	vst v63  }
0x153: {  	_ =	swait.ge [sflag:s4], $0x500  }
0x154: {  	[sflag:s4] =	ssyncset.done $0x0  }
0x155: {  	[sflag:s4] =	ssyncadd.s32 $0xFFFFFB00  }
0x156: {  	_ =	swait.ge [sflag:s4], $0x500  }
0x157: {  	[sflag:s4] =	ssyncset.done $0x0  }
0x158: {  	[sflag:s4] =	ssyncadd.s32 $0xFFFFFB00  }
0x159: {  	_ =	swait.ge [sflag:s4], $0x500  }
0x15a: {  	[sflag:s4] =	ssyncset.done $0x0  }
0x15b: {  	[sflag:s4] =	ssyncadd.s32 $0xFFFFFB00  }
0x15c: {  	_ =	swait.ge [sflag:s4], $0x500  }
0x15d: {  	[sflag:s4] =	ssyncset.done $0x0  }
0x15e: {  	[sflag:s4] =	ssyncadd.s32 $0xFFFFFB00  }
0x15f: {  	_ =	swait.ge [sflag:s4], $0x500  }
0x160: {  	[sflag:s4] =	ssyncset.done $0x0  }
0x161: {  	[sflag:s4] =	ssyncadd.s32 $0xFFFFFB00  }
0x162: {  	_ =	swait.ge [sflag:s4], $0x500  }
0x163: {  	[sflag:s4] =	ssyncset.done $0x0  }
0x164: {  	[sflag:s4] =	ssyncadd.s32 $0xFFFFFB00  }
0x165: {  	_ =	swait.ge [sflag:s4], $0x500  }
0x166: {  	[sflag:s4] =	ssyncset.done $0x0  }
0x167: {  	[sflag:s4] =	ssyncadd.s32 $0xFFFFFB00  }
0x168: {  	_ =	swait.ge [sflag:s4], $0x500  }
0x169: {  	[sflag:s4] =	ssyncset.done $0x0  }
0x16a: {  	s6 =	sadd.s32 @!p1 s29, s13;
	[sflag:s4] =	ssyncadd.s32 $0xFFFFFB00  }
0x16b: {  	p3 =	sge.s32 @!p2 s23, s17;
	s6 =	smul.u32 @!p1 $0x2D, s6;
	_ =	swait.ge [sflag:s4], $0x500  }
0x16c: {  	p2 =	por p3, p2;
	s8 =	simm.s32 @!p1 $0x0;
	[sflag:s4] =	ssyncset.done $0x0  }
0x16d: {  	s9 =	simm.s32 @!p1 $0x18868;
	s6 =	sadd.s32 @!p1 s5, s6;
	[sflag:s4] =	ssyncadd.s32 $0xFFFFFB00  }
0x16e: {  	[tilespmem:s9], [sflag:$0x4] =	stream.linear.gather @!p1 [hbm4b:s6+s8], $0x168, $0x38;
	[tilespmem:$0x1F910] =	vst v63  }
0x16f: {  	s6 =	simm.s32 @!p2 $0x5  }
0x170: {  	_ =	swait.ge @!p2 [sflag:s6], $0xA00  }
0x171: {  	[sflag:s6] =	ssyncset.done @!p2 $0x0  }
0x172: {  	s30 =	simm.s32 $0x1B7F0;
	[sflag:s6] =	ssyncadd.s32 @!p2 $0xFFFFF600  }
0x173: {  	v20 =	vld [tilespmem:s30+$0xFFFFFEE0]  }
0x174: {  	v21 =	vld [tilespmem:s30+$0xFFFFFFC0]  }
0x175: {  	v22 =	vld [tilespmem:s30+$0xFFFFFFA0]  }
0x176: {  	v23 =	vld [tilespmem:s30+$0xFFFFFF80]  }
0x177: {  	v48 =	vld [tilespmem:s30+$0xFFFFFF60]  }
0x178: {  	v49 =	vld [tilespmem:s30+$0xFFFFFF40]  }
0x179: {  	v50 =	vld [tilespmem:s30+$0xFFFFFF20]  }
0x17a: {  	v51 =	vld [tilespmem:s30+$0xFFFFFF00];
	_ =	sdelay $0x1  }
0x17b: {  	v24 =	vmul.bf16 v48, v8;
	v23 =	vmul.bf16 v23, v10  }
0x17c: {  	v20 =	vmul.bf16 v20, v0;
	v21 =	vmul.bf16 v21, v14  }
0x17d: {  	v52 =	vld [tilespmem:s30+$0xFFFFFFE0];
	v26 =	vmul.bf16 v50, v4;
	v22 =	vmul.bf16 v22, v12  }
0x17e: {  	v27 =	vmul.bf16 v51, v2;
	v25 =	vmul.bf16 v49, v6  }
0x17f: {  	v23 =	vadd.bf16 v23, v24;
	v21 =	vadd.bf16 v21, v22  }
0x180: {  	v20 =	vadd.bf16 v27, v20;
	v22 =	vadd.bf16 v25, v26;
	_ =	sdelay $0x1  }
0x181: {  	v53 =	vmul.bf16 v52, v16;
	v20 =	vadd.bf16 v22, v20;
	v21 =	vadd.bf16 v21, v23;
	_ =	sdelay $0x1  }
0x182: {  	v22 =	vadd.bf16 v53, v18;
	v20 =	vadd.bf16 v21, v20;
	_ =	sdelay $0x1  }
0x183: {  	v20 =	vadd.bf16 v20, v22;
	_ =	sdelay $0x1  }
0x184: {  	s29 =	simm.s32 $0x1EE10;
	v21 =	vunpack.i.l.bf16.f32 v20  }
0x185: {  	v20 =	vunpack.i.u.bf16.f32 v20;
	[tilespmem:s29+$0xFFFFFFC0] =	vst v21  }
0x186: {  	[tilespmem:s29+$0xFFFFFFE0] =	vst v20  }
0x187: {  	v20 =	vld [tilespmem:s30+$0xFFFFFFD0]  }
0x188: {  	v21 =	vld [tilespmem:s30+$0xFFFFFF90]  }
0x189: {  	v22 =	vld [tilespmem:s30+$0xFFFFFF30]  }
0x18a: {  	v23 =	vld [tilespmem:s30+$0xFFFFFFB0]  }
0x18b: {  	v54 =	vld [tilespmem:s30+$0xFFFFFF50]  }
0x18c: {  	v55 =	vld [tilespmem:s30+$0xFFFFFEF0]  }
0x18d: {  	v56 =	vld [tilespmem:s30+$0xFFFFFF10]  }
0x18e: {  	v57 =	vld [tilespmem:s30+$0xFFFFFF70];
	_ =	sdelay $0x1  }
0x18f: {  	v20 =	vmul.bf16 v20, v15;
	v23 =	vmul.bf16 v23, v13  }
0x190: {  	v22 =	vmul.bf16 v22, v5;
	v25 =	vmul.bf16 v55, v1  }
0x191: {  	v58 =	vld [tilespmem:s30+$0xFFFFFFF0];
	v21 =	vmul.bf16 v21, v11;
	v26 =	vmul.bf16 v56, v3  }
0x192: {  	v24 =	vmul.bf16 v54, v7;
	v27 =	vmul.bf16 v57, v9  }
0x193: {  	v20 =	vadd.bf16 v20, v23;
	v23 =	vadd.bf16 v26, v25  }
0x194: {  	v22 =	vadd.bf16 v24, v22;
	v21 =	vadd.bf16 v21, v27;
	_ =	sdelay $0x1  }
0x195: {  	v22 =	vadd.bf16 v22, v23;
	v23 =	vmul.bf16 v58, v17;
	v20 =	vadd.bf16 v20, v21;
	_ =	sdelay $0x1  }
0x196: {  	v21 =	vadd.bf16 v23, v19;
	v20 =	vadd.bf16 v20, v22;
	_ =	sdelay $0x1  }
0x197: {  	v20 =	vadd.bf16 v20, v21;
	_ =	sdelay $0x1  }
0x198: {  	v21 =	vunpack.i.l.bf16.f32 v20  }
0x199: {  	v20 =	vunpack.i.u.bf16.f32 v20;
	[tilespmem:s29+$0xFFFFFFD0] =	vst v21  }
0x19a: {  	[tilespmem:s29+$0xFFFFFFF0] =	vst v20  }
0x19b: {  	v20 =	vld [tilespmem:s30+$0xE0]  }
0x19c: {  	v21 =	vld [tilespmem:s30+$0xA0]  }
0x19d: {  	v22 =	vld [tilespmem:s30+$0xC0]  }
0x19e: {  	v23 =	vld [tilespmem:s30+$0x80]  }
0x19f: {  	v59 =	vld [tilespmem:s30+$0x20]  }
0x1a0: {  	v60 =	vld [tilespmem:s30+$0x60]  }
0x1a1: {  	v61 =	vld [tilespmem:s30+$0x40]  }
0x1a2: {  	v62 =	vld [tilespmem:s30+$0x0];
	_ =	sdelay $0x1  }
0x1a3: {  	v20 =	vmul.bf16 v20, v14;
	v23 =	vmul.bf16 v23, v8  }
0x1a4: {  	v21 =	vmul.bf16 v21, v10;
	v24 =	vmul.bf16 v59, v2  }
0x1a5: {  	v63 =	vld [tilespmem:s30+$0x100];
	v22 =	vmul.bf16 v22, v12;
	v25 =	vmul.bf16 v60, v6  }
0x1a6: {  	v26 =	vmul.bf16 v61, v4;
	v27 =	vmul.bf16 v62, v0  }
0x1a7: {  	v21 =	vadd.bf16 v21, v23;
	v20 =	vadd.bf16 v20, v22  }
0x1a8: {  	v22 =	vadd.bf16 v25, v26;
	v23 =	vadd.bf16 v24, v27;
	_ =	sdelay $0x1  }
0x1a9: {  	v20 =	vadd.bf16 v20, v21;
	v21 =	vmul.bf16 v63, v16;
	v22 =	vadd.bf16 v22, v23;
	_ =	sdelay $0x1  }
0x1aa: {  	v21 =	vadd.bf16 v21, v18;
	v20 =	vadd.bf16 v20, v22;
	_ =	sdelay $0x1  }
0x1ab: {  	v20 =	vadd.bf16 v20, v21;
	_ =	sdelay $0x1  }
0x1ac: {  	v21 =	vunpack.i.l.bf16.f32 v20  }
0x1ad: {  	s8 =	simm.s32 $0x0;
	s9 =	simm.s32 $0x1EE10;
	s6 =	simm.s32 $0x1B7F0;
	v20 =	vunpack.i.u.bf16.f32 v20;
	[tilespmem:s29+$0x0] =	vst v21  }
.LBB2_5:
0x1ae: {  	s8 =	sadd.s32 $0x2, s8;
	[tilespmem:s29+$0x20] =	vst v20;
	s9 =	sadd.s32 $0x80, s9;
	s30 =	sadd.s32 $0x240, s30  }
0x1af: {  	p2 =	slt.u32 s8, $0x26;
	v20 =	vld [tilespmem:s6+$0xD0]  }
0x1b0: {  	v21 =	vld [tilespmem:s6+$0xB0]  }
0x1b1: {  	v22 =	vld [tilespmem:s6+$0x30]  }
0x1b2: {  	v23 =	vld [tilespmem:s6+$0x50]  }
0x1b3: {  	v24 =	vld [tilespmem:s6+$0x10]  }
0x1b4: {  	v25 =	vld [tilespmem:s6+$0x70]  }
0x1b5: {  	v26 =	vld [tilespmem:s6+$0x90]  }
0x1b6: {  	v22 =	vmul.bf16 v22, v3;
	v27 =	vld [tilespmem:s6+$0xF0]  }
0x1b7: {  	v23 =	vmul.bf16 v23, v5;
	v28 =	vld [tilespmem:s6+$0x110];
	s6 =	smov.u32 s30  }
0x1b8: {  	v24 =	vmul.bf16 v24, v1  }
0x1b9: {  	v21 =	vmul.bf16 v21, v11;
	v25 =	vmul.bf16 v25, v7  }
0x1ba: {  	v20 =	vmul.bf16 v20, v13  }
0x1bb: {  	v26 =	vmul.bf16 v26, v9;
	v22 =	vadd.bf16 v22, v24;
	v27 =	vmul.bf16 v27, v15  }
0x1bc: {  	v23 =	vadd.bf16 v25, v23;
	v24 =	vmul.bf16 v28, v17  }
0x1bd: {  	v21 =	vadd.bf16 v21, v26;
	v20 =	vadd.bf16 v27, v20  }
0x1be: {  	v22 =	vadd.bf16 v23, v22  }
0x1bf: {  	v20 =	vadd.bf16 v20, v21;
	_ =	sdelay $0x1  }
0x1c0: {  	v21 =	vadd.bf16 v24, v19;
	v20 =	vadd.bf16 v20, v22;
	_ =	sdelay $0x1  }
0x1c1: {  	v20 =	vadd.bf16 v20, v21;
	_ =	sdelay $0x1  }
0x1c2: {  	v21 =	vunpack.i.u.bf16.f32 v20;
	v20 =	vunpack.i.l.bf16.f32 v20  }
0x1c3: {  	[tilespmem:s29+$0x10] =	vst v20  }
0x1c4: {  	[tilespmem:s29+$0x30] =	vst v21;
	s29 =	smov.u32 s9  }
0x1c5: {  	v20 =	vld [tilespmem:s30+$0xFFFFFEE0]  }
0x1c6: {  	v21 =	vld [tilespmem:s30+$0xFFFFFFC0]  }
0x1c7: {  	v22 =	vld [tilespmem:s30+$0xFFFFFFA0]  }
0x1c8: {  	v23 =	vld [tilespmem:s30+$0xFFFFFF80]  }
0x1c9: {  	v24 =	vld [tilespmem:s30+$0xFFFFFF60]  }
0x1ca: {  	v25 =	vld [tilespmem:s30+$0xFFFFFF40]  }
0x1cb: {  	v26 =	vld [tilespmem:s30+$0xFFFFFF20]  }
0x1cc: {  	v27 =	vld [tilespmem:s30+$0xFFFFFF00];
	_ =	sdelay $0x1  }
0x1cd: {  	v23 =	vmul.bf16 v23, v10;
	v24 =	vmul.bf16 v24, v8  }
0x1ce: {  	v20 =	vmul.bf16 v20, v0;
	v21 =	vmul.bf16 v21, v14  }
0x1cf: {  	v22 =	vmul.bf16 v22, v12;
	v26 =	vmul.bf16 v26, v4;
	v28 =	vld [tilespmem:s30+$0xFFFFFFE0];
	v23 =	vadd.bf16 v23, v24  }
0x1d0: {  	v25 =	vmul.bf16 v25, v6;
	v24 =	vmul.bf16 v27, v2  }
0x1d1: {  	v21 =	vadd.bf16 v21, v22  }
0x1d2: {  	v22 =	vadd.bf16 v25, v26;
	v20 =	vadd.bf16 v24, v20;
	_ =	sdelay $0x1  }
0x1d3: {  	v21 =	vadd.bf16 v21, v23;
	v24 =	vmul.bf16 v28, v16;
	v20 =	vadd.bf16 v22, v20;
	_ =	sdelay $0x1  }
0x1d4: {  	v22 =	vadd.bf16 v24, v18;
	v20 =	vadd.bf16 v21, v20;
	_ =	sdelay $0x1  }
0x1d5: {  	v20 =	vadd.bf16 v20, v22;
	_ =	sdelay $0x1  }
0x1d6: {  	v21 =	vunpack.i.u.bf16.f32 v20;
	v20 =	vunpack.i.l.bf16.f32 v20  }
0x1d7: {  	[tilespmem:s9+$0xFFFFFFC0] =	vst v20  }
0x1d8: {  	[tilespmem:s9+$0xFFFFFFE0] =	vst v21  }
0x1d9: {  	v20 =	vld [tilespmem:s30+$0xFFFFFFD0]  }
0x1da: {  	v21 =	vld [tilespmem:s30+$0xFFFFFF90]  }
0x1db: {  	v22 =	vld [tilespmem:s30+$0xFFFFFF30]  }
0x1dc: {  	v23 =	vld [tilespmem:s30+$0xFFFFFFB0]  }
0x1dd: {  	v24 =	vld [tilespmem:s30+$0xFFFFFF50]  }
0x1de: {  	v25 =	vld [tilespmem:s30+$0xFFFFFEF0];
	v20 =	vmul.bf16 v20, v15  }
0x1df: {  	v26 =	vld [tilespmem:s30+$0xFFFFFF10]  }
0x1e0: {  	v27 =	vld [tilespmem:s30+$0xFFFFFF70]  }
0x1e1: {  	v23 =	vmul.bf16 v23, v13  }
0x1e2: {  	v22 =	vmul.bf16 v22, v5  }
0x1e3: {  	v21 =	vmul.bf16 v21, v11;
	v25 =	vmul.bf16 v25, v1;
	v20 =	vadd.bf16 v20, v23  }
0x1e4: {  	v24 =	vmul.bf16 v24, v7;
	v23 =	vmul.bf16 v26, v3;
	v26 =	vld [tilespmem:s30+$0xFFFFFFF0]  }
0x1e5: {  	v27 =	vmul.bf16 v27, v9  }
0x1e6: {  	v22 =	vadd.bf16 v24, v22;
	v23 =	vadd.bf16 v23, v25  }
0x1e7: {  	v21 =	vadd.bf16 v21, v27  }
0x1e8: {  	v22 =	vadd.bf16 v22, v23  }
0x1e9: {  	v23 =	vmul.bf16 v26, v17;
	v20 =	vadd.bf16 v20, v21;
	_ =	sdelay $0x1  }
0x1ea: {  	v21 =	vadd.bf16 v23, v19;
	v20 =	vadd.bf16 v20, v22;
	_ =	sdelay $0x1  }
0x1eb: {  	v20 =	vadd.bf16 v20, v21;
	_ =	sdelay $0x1  }
0x1ec: {  	v21 =	vunpack.i.u.bf16.f32 v20;
	v20 =	vunpack.i.l.bf16.f32 v20  }
0x1ed: {  	[tilespmem:s9+$0xFFFFFFD0] =	vst v20  }
0x1ee: {  	[tilespmem:s9+$0xFFFFFFF0] =	vst v21  }
0x1ef: {  	v20 =	vld [tilespmem:s30+$0xE0]  }
0x1f0: {  	v21 =	vld [tilespmem:s30+$0xA0]  }
0x1f1: {  	v22 =	vld [tilespmem:s30+$0xC0]  }
0x1f2: {  	v23 =	vld [tilespmem:s30+$0x80]  }
0x1f3: {  	v24 =	vld [tilespmem:s30+$0x20]  }
0x1f4: {  	v25 =	vld [tilespmem:s30+$0x60]  }
0x1f5: {  	v26 =	vld [tilespmem:s30+$0x40]  }
0x1f6: {  	v20 =	vmul.bf16 v20, v14;
	v27 =	vld [tilespmem:s30+$0x0]  }
0x1f7: {  	v21 =	vmul.bf16 v21, v10;
	v23 =	vmul.bf16 v23, v8  }
0x1f8: {  	v22 =	vmul.bf16 v22, v12;
	v24 =	vmul.bf16 v24, v2  }
0x1f9: {  	v25 =	vmul.bf16 v25, v6  }
0x1fa: {  	v20 =	vadd.bf16 v20, v22;
	v21 =	vadd.bf16 v21, v23;
	v26 =	vmul.bf16 v26, v4;
	v28 =	vld [tilespmem:s30+$0x100]  }
0x1fb: {  	v22 =	vmul.bf16 v27, v0  }
0x1fc: {  	v23 =	vadd.bf16 v25, v26  }
0x1fd: {  	v20 =	vadd.bf16 v20, v21;
	v22 =	vadd.bf16 v24, v22;
	_ =	sdelay $0x1  }
0x1fe: {  	v21 =	vmul.bf16 v28, v16;
	v22 =	vadd.bf16 v23, v22;
	_ =	sdelay $0x1  }
0x1ff: {  	v21 =	vadd.bf16 v21, v18;
	v20 =	vadd.bf16 v20, v22  }
.Ltmp3:
0x200: {  	(pc) =	sbr.rel @p2 .LBB2_5-.Ltmp3, $3  }
0x201: {  	v21 =	vadd.bf16 v20, v21;
	_ =	sdelay $0x1  }
0x202: {  	v20 =	vunpack.i.u.bf16.f32 v21;
	v21 =	vunpack.i.l.bf16.f32 v21  }
0x203: {  	[tilespmem:s9+$0x0] =	vst v21  }
0x204: {  	[tilespmem:s29+$0x20] =	vst v20  }
0x205: {  	v20 =	vld [tilespmem:s6+$0xD0]  }
0x206: {  	v21 =	vld [tilespmem:s6+$0xB0]  }
0x207: {  	v22 =	vld [tilespmem:s6+$0x30]  }
0x208: {  	v23 =	vld [tilespmem:s6+$0x50]  }
0x209: {  	v24 =	vld [tilespmem:s6+$0x10]  }
0x20a: {  	v25 =	vld [tilespmem:s6+$0x70]  }
0x20b: {  	v26 =	vld [tilespmem:s6+$0x90]  }
0x20c: {  	v27 =	vld [tilespmem:s6+$0xF0];
	_ =	sdelay $0x1  }
0x20d: {  	v22 =	vmul.bf16 v22, v3;
	v23 =	vmul.bf16 v23, v5  }
0x20e: {  	v24 =	vmul.bf16 v24, v1;
	v25 =	vmul.bf16 v25, v7  }
0x20f: {  	v28 =	vld [tilespmem:s6+$0x110];
	v21 =	vmul.bf16 v21, v11;
	v20 =	vmul.bf16 v20, v13  }
0x210: {  	v26 =	vmul.bf16 v26, v9;
	v27 =	vmul.bf16 v27, v15  }
0x211: {  	v22 =	vadd.bf16 v22, v24;
	v23 =	vadd.bf16 v25, v23  }
0x212: {  	v21 =	vadd.bf16 v21, v26;
	v20 =	vadd.bf16 v27, v20;
	_ =	sdelay $0x1  }
0x213: {  	v62 =	vmul.bf16 v28, v17;
	v22 =	vadd.bf16 v23, v22;
	v20 =	vadd.bf16 v20, v21;
	_ =	sdelay $0x1  }
0x214: {  	v63 =	vadd.bf16 v62, v19;
	v20 =	vadd.bf16 v20, v22  }
0x215: {  	s6 =	sadd.s32 s14, s23  }
0x216: {  	p2 =	sgt.u32 s6, $0xC34F;
	v20 =	vadd.bf16 v20, v63  }
.Ltmp4:
0x217: {  	s6 =	sshll.u32 @!p2 s6, $0x7;
	(pc) =	sbr.rel @p1 .LBB2_8-.Ltmp4, $4  }
0x218: {  	s6 =	sor.u32 @!p2 s7, s6;
	v21 =	vunpack.i.l.bf16.f32 v20  }
0x219: {  	s8 =	simm.s32 @!p2 $0x40;
	s6 =	sshrl.u32 @!p2 s6, $0x3;
	v20 =	vunpack.i.u.bf16.f32 v20;
	[tilespmem:s29+$0x10] =	vst v21  }
0x21a: {  	s9 =	simm.s32 @!p2 $0x80;
	s23 =	simm.s32 @!p2 $0x1EDD0;
	s6 =	sadd.s32 @!p2 s1, s6;
	[tilespmem:s29+$0x30] =	vst v20  }
0x21b: {  	[hbm4b:s6+s8] =	stream.strided.scatter @!p2 [tilespmem:s23], [sflag:$0x5], $0xA00, s9, s8, $0x38;
	[tilespmem:$0x1F910] =	vst v63  }
0x21c: {  	_ =	swait.ge [sflag:s0], $0x168  }
0x21d: {  	[sflag:s0] =	ssyncset.done $0x0  }
0x21e: {  	s6 =	simm.s32 $0x1B6D0;
	[sflag:s0] =	ssyncadd.s32 $0xFFFFFE98  }
0x21f: {  	[tilespmem:s6], [sflag:$0x2] =	stream.indirect.gather [spmem:s2], $0x20, s25, s28, $0xb8;
	[tilespmem:$0x1F910] =	vst v63  }
0x220: {  	s31 =	simm.s32 $0x18890;
	s8 =	simm.s32 $0x1BBD0  }
0x221: {  	[tilespmem:s8], [sflag:$0x2] =	stream.indirect.gather [spmem:s2], $0x20, s31, s28, $0xb8;
	[tilespmem:$0x1F910] =	vst v63  }
0x222: {  	s9 =	simm.s32 $0x1C0D0;
	s8 =	simm.s32 $0x188B8  }
0x223: {  	[tilespmem:s9], [sflag:$0x2] =	stream.indirect.gather [spmem:s2], $0x20, s8, s28, $0xb8;
	[tilespmem:$0x1F910] =	vst v63  }
0x224: {  	s23 =	simm.s32 $0x188E0;
	s29 =	simm.s32 $0x1C5D0  }
0x225: {  	[tilespmem:s29], [sflag:$0x2] =	stream.indirect.gather [spmem:s2], $0x20, s23, s28, $0xb8;
	[tilespmem:$0x1F910] =	vst v63  }
0x226: {  	s30 =	simm.s32 $0x18908;
	s31 =	simm.s32 $0x1CAD0  }
0x227: {  	[tilespmem:s31], [sflag:$0x2] =	stream.indirect.gather [spmem:s2], $0x20, s30, s28, $0xb8;
	[tilespmem:$0x1F910] =	vst v63  }
0x228: {  	_ = 	snop  }
0x229: {  	[tilespmem:s24], [sflag:$0x2] =	stream.indirect.gather [spmem:s2], $0x20, s11, s28, $0xb8;
	[tilespmem:$0x1F910] =	vst v63  }
0x22a: {  	_ = 	snop  }
0x22b: {  	[tilespmem:s18], [sflag:$0x2] =	stream.indirect.gather [spmem:s2], $0x20, s15, s28, $0xb8;
	[tilespmem:$0x1F910] =	vst v63  }
.Ltmp5:
0x22c: {  	_ = 	snop;
	(pc) =	sbr.rel .LBB2_2-.Ltmp5, $4  }
0x22d: {  	_ = 	snop  }
0x22e: {  	[tilespmem:s20], [sflag:$0x2] =	stream.indirect.gather [spmem:s2], $0x20, s19, s28, $0xb8;
	[tilespmem:$0x1F910] =	vst v63  }
0x22f: {  	s22 =	sadd.s32 $0x1, s22  }
0x230: {  	[tilespmem:s3], [sflag:$0x2] =	stream.indirect.gather [spmem:s2], $0x20, s26, s28, $0xb8;
	[tilespmem:$0x1F910] =	vst v63  }
.LBB2_9:
0x231: {  	_ =	sfence.sel $0x180000  }
0x232: {  	[bflag:$0x0] =	sbarrier.arrive $0xFFFF  }
0x233: {  	_ =	strace $0x90000047  }
0x234: {  	s0 =	stileid.u32;
	[bflag:$0x2] =	sbarrier.arrive $0xFFFF  }
0x235: {  	p0 =	sne.s32 s0, $0x0;
	s0 =	rddreg [dreg:$0x3]  }
0x236: {  	s0 =	sadd.s32 @!p0 $0x100000, s0  }
0x237: {  	[sflag:s0] =	ssyncadd.tile.s32 @!p0 $0x1;
	_ =	shalt  }
.Lfunc_end2:
_tile_overlayer_lowered:
.L_overlay_start_2:
0x238: {  	(tag) =	ssettag $0x2  }
0x239: {  	s0 =	rddreg [dreg:$0x0];
	s2 =	stileid.u32  }
0x23a: {  	s1 =	rddreg [dreg:$0x1];
	p0 =	sne.s32 s2, $0x0  }
0x23b: {  	s3 =	rddreg [dreg:$0x2];
	[bflag:$0x3] =	sbarrier.arrive $0xFFFF;
	s2 =	simm.s32 @!p0 $0x1C06  }
0x23c: {  	[timem:s3], [sflag:s2] =	dma.local @!p0 [hbm:s0], s1  }
0x23d: {  	s0 =	simm.s32 @!p0 $0x6  }
0x23e: {  	_ =	swait.ge @!p0 [sflag:s0], s1  }
0x23f: {  	s1 =	ssub.s32 @!p0 $0x0, s1;
	[sflag:s0] =	ssyncset.done @!p0 $0x0  }
0x240: {  	[sflag:s0] =	ssyncadd.s32 @!p0 s1  }
0x241: {  	[bflag:$0x3] =	sbarrier.arrive $0xFFFF  }
0x242: {  	_ =	shalt  }

</sc_bundles>
